<compile_context>
chip_gen: v7x
topology: tpu7x:2x2x1
jax: 0.10.2.dev20260603
libtpu: 0.0.44.dev20260713+nightly
codegen_flags: <defaults>
</compile_context>

<pallas_src>
import dataclasses

import jax
import jax.numpy as jnp
from jax import lax
from jax.experimental import pallas as pl
from jax.experimental.pallas import tpu as pltpu
from jax.experimental.pallas import tpu_sc as plsc

_B, _C = 16, 4096
_L = 16


def _frames_sc_kernel(x_hbm, g_hbm, lens_hbm, out_hbm, ybuf, lens_v, obuf,
                      sem, sem_l, sem_out):
    row = lax.axis_index("s")

    cp_x = pltpu.async_copy(x_hbm.at[row], ybuf.at[pl.ds(0, _C)], sem)
    cp_g = pltpu.async_copy(g_hbm.at[row], ybuf.at[pl.ds(_C, _C)], sem)
    cp_l = pltpu.async_copy(lens_hbm, lens_v, sem_l)
    cp_l.wait()

    iota = lax.iota(jnp.int32, _L)
    s_vec = plsc.load_gather(lens_v, [jnp.full((_L,), row, jnp.int32)])
    base = s_vec + iota
    cp_x.wait()
    cp_g.wait()

    n_chunks = 4
    chunk = _C // n_chunks
    cp_out = []
    for c in range(n_chunks):
        for g in range(c * (chunk // _L) // 4, (c + 1) * (chunk // _L) // 4):
            js = [4 * g + k for k in range(4)]
            vals = [plsc.load_gather(ybuf, [base + (j * _L)]) for j in js]
            for j, v in zip(js, vals):
                obuf[pl.ds(j * _L, _L)] = v
        cp_out.append(
            pltpu.async_copy(
                obuf.at[pl.ds(c * chunk, chunk)],
                out_hbm.at[row, pl.ds(c * chunk, chunk)],
                sem_out,
            )
        )
    for cp in cp_out:
        cp.wait()


def kernel(x, ragged_dense, row_lengths):
    lens = row_lengths.astype(jnp.int32)
    mesh = plsc.VectorSubcoreMesh(core_axis_name="c", subcore_axis_name="s", num_cores=1)
    cp = pltpu.CompilerParams()
    if "needs_layout_passes" in pltpu.CompilerParams.__dataclass_fields__:
        cp = dataclasses.replace(cp, needs_layout_passes=False)
    sc_call = pl.kernel(
        _frames_sc_kernel,
        out_type=jax.ShapeDtypeStruct((_B, _C), jnp.float32),
        mesh=mesh,
        scratch_types=[
            pltpu.VMEM((2 * _C,), jnp.float32),
            pltpu.VMEM((_B,), jnp.int32),
            pltpu.VMEM((_C,), jnp.float32),
            pltpu.SemaphoreType.DMA,
            pltpu.SemaphoreType.DMA,
            pltpu.SemaphoreType.DMA,
        ],
        compiler_params=cp,
    )
    out = sc_call(x, ragged_dense, lens)
    return out, lens[:, None]

# --- scband reference (transcript-rebuilt; emitter-appended) ---
"""Pipeline reference for scband-frames-18837726560432 (READ-ONLY COPY).

The authoritative reference and input builder live on the scoring server;
editing this copy changes nothing except your own understanding.
"""

import jax, jax.numpy as jnp
import numpy as np


def setup_inputs(seed: int = 0) -> dict:
    key = jax.random.key(seed)
    k1, k2, k3 = jax.random.split(key, 3)
    B, C = 16, 4096
    x = jax.random.normal(k1, (B, C), dtype=jnp.float32)
    ragged_dense = jax.random.normal(k2, (B, C), dtype=jnp.float32)
    row_lengths = jax.random.randint(k3, (B,), 0, 4096, dtype=jnp.int32)
    return {"x": x, "ragged_dense": ragged_dense, "row_lengths": row_lengths}


def reference(x, ragged_dense, row_lengths):
    # Faithful translation of Frames.append(x, ragged):
    #   y = concat([x, ragged], axis=1) along the (ragged) time axis
    #   gather y[i, j + lens[i]] for j in [0, width_enc)
    # i.e. shift out the first lens[i] columns of the frame buffer and
    # append the new ragged tokens at the end of each row.
    # The TF RaggedTensor is represented here as a dense-padded tensor
    # `ragged_dense` [B, max_len] plus `row_lengths` [B]; padded positions
    # are never touched because the gathered index range per row is
    # [lens[i], lens[i] + C) and ragged values only occupy [C, C + lens[i]).
    B, C = x.shape
    lens = row_lengths.astype(jnp.int32)[:, None]  # tf.cast(ragged.row_lengths(), int32)[:, None]
    y = jnp.concatenate([x, ragged_dense], axis=1)  # [B, C + max_len]
    idx = lens + jnp.arange(C, dtype=jnp.int32)[None, :]  # [B, C], equiv of tf.stack([r, c], 2) gather_nd
    out = jnp.take_along_axis(y, idx, axis=1)  # [B, C]
    return out, lens

if __name__ == "__main__":
    import jax
    _d = setup_inputs()
    print(jax.jit(kernel)(*tuple(_d.values())))

</pallas_src>

<mosaic_0001>
#map = affine_map<(d0, d1) -> (0, 0)>
#map1 = affine_map<(d0, d1) -> (0)>
module attributes {stable_mosaic.version = 14 : i64} {
  func.func @_frames_sc_kernel(%arg0: i32, %arg1: i32, %arg2: memref<16x4096xf32, #tpu.memory_space<hbm>>, %arg3: memref<16x4096xf32, #tpu.memory_space<hbm>>, %arg4: memref<16xi32, #tpu.memory_space<hbm>>, %arg5: memref<16x4096xf32, #tpu.memory_space<hbm>>, %arg6: memref<8192xf32, #tpu.memory_space<vmem>>, %arg7: memref<16xi32, #tpu.memory_space<vmem>>, %arg8: memref<4096xf32, #tpu.memory_space<vmem>>, %arg9: memref<!tpu.dma_semaphore, #tpu.memory_space<semaphore_mem>>, %arg10: memref<!tpu.dma_semaphore, #tpu.memory_space<semaphore_mem>>, %arg11: memref<!tpu.dma_semaphore, #tpu.memory_space<semaphore_mem>>) attributes {dimension_semantics = [#tpu.dimension_semantics<core_parallel>, #tpu.dimension_semantics<subcore_parallel>], iteration_bounds = array<i64: 1, 16>, scalar_prefetch = 0 : i64, scratch_operands = 6 : i64, tpu.core_type = #tpu.core_type<sc_vector_subcore>, window_params = [{transform_indices = #map}, {transform_indices = #map}, {transform_indices = #map1}, {transform_indices = #map}]} {
    %dma_start3A = arith.constant 0 : i32
    %dma_start3A_0 = tpu.memref_slice %arg6[%dma_start3A] : memref<8192xf32, #tpu.memory_space<vmem>> -> memref<4096xf32, #tpu.memory_space<vmem>>
    %dma_start3A_1 = arith.constant 0 : i32
    %dma_start3A_2 = tpu.memref_slice %arg2[%arg1, %dma_start3A_1] : memref<16x4096xf32, #tpu.memory_space<hbm>> -> memref<1x4096xf32, #tpu.memory_space<hbm>>
    %dma_start3A_3 = tpu.memref_squeeze %dma_start3A_2 : memref<1x4096xf32, #tpu.memory_space<hbm>> -> memref<4096xf32, #tpu.memory_space<hbm>>
    %dma_start3A_4 = arith.constant 0 : i32
    %dma_start3A_5 = tpu.memref_slice %arg6[%dma_start3A_4] : memref<8192xf32, #tpu.memory_space<vmem>> -> memref<4096xf32, #tpu.memory_space<vmem>>
    %dma_start3A_6 = arith.constant 0 : i32
    %dma_start3A_7 = tpu.memref_slice %arg2[%arg1, %dma_start3A_6] : memref<16x4096xf32, #tpu.memory_space<hbm>> -> memref<1x4096xf32, #tpu.memory_space<hbm>>
    %dma_start3A_8 = tpu.memref_squeeze %dma_start3A_7 : memref<1x4096xf32, #tpu.memory_space<hbm>> -> memref<4096xf32, #tpu.memory_space<hbm>>
    tpu.enqueue_dma source(%dma_start3A_8 : memref<4096xf32, #tpu.memory_space<hbm>>) target(%dma_start3A_5 : memref<4096xf32, #tpu.memory_space<vmem>>) target_semaphore(%arg9 : memref<!tpu.dma_semaphore, #tpu.memory_space<semaphore_mem>>)
    %dma_start3A_9 = arith.constant 4096 : i32
    %dma_start3A_10 = tpu.memref_slice %arg6[%dma_start3A_9] : memref<8192xf32, #tpu.memory_space<vmem>> -> memref<4096xf32, #tpu.memory_space<vmem>>
    %dma_start3A_11 = arith.constant 0 : i32
    %dma_start3A_12 = tpu.memref_slice %arg3[%arg1, %dma_start3A_11] : memref<16x4096xf32, #tpu.memory_space<hbm>> -> memref<1x4096xf32, #tpu.memory_space<hbm>>
    %dma_start3A_13 = tpu.memref_squeeze %dma_start3A_12 : memref<1x4096xf32, #tpu.memory_space<hbm>> -> memref<4096xf32, #tpu.memory_space<hbm>>
    %dma_start3A_14 = arith.constant 4096 : i32
    %dma_start3A_15 = tpu.memref_slice %arg6[%dma_start3A_14] : memref<8192xf32, #tpu.memory_space<vmem>> -> memref<4096xf32, #tpu.memory_space<vmem>>
    %dma_start3A_16 = arith.constant 0 : i32
    %dma_start3A_17 = tpu.memref_slice %arg3[%arg1, %dma_start3A_16] : memref<16x4096xf32, #tpu.memory_space<hbm>> -> memref<1x4096xf32, #tpu.memory_space<hbm>>
    %dma_start3A_18 = tpu.memref_squeeze %dma_start3A_17 : memref<1x4096xf32, #tpu.memory_space<hbm>> -> memref<4096xf32, #tpu.memory_space<hbm>>
    tpu.enqueue_dma source(%dma_start3A_18 : memref<4096xf32, #tpu.memory_space<hbm>>) target(%dma_start3A_15 : memref<4096xf32, #tpu.memory_space<vmem>>) target_semaphore(%arg9 : memref<!tpu.dma_semaphore, #tpu.memory_space<semaphore_mem>>)
    tpu.enqueue_dma source(%arg4 : memref<16xi32, #tpu.memory_space<hbm>>) target(%arg7 : memref<16xi32, #tpu.memory_space<vmem>>) target_semaphore(%arg10 : memref<!tpu.dma_semaphore, #tpu.memory_space<semaphore_mem>>)
    tpu.wait_dma2 semaphore(%arg10 : memref<!tpu.dma_semaphore, #tpu.memory_space<semaphore_mem>>) src(%arg4 : memref<16xi32, #tpu.memory_space<hbm>>) dst(%arg7 : memref<16xi32, #tpu.memory_space<vmem>>)
    %iota3A = tpu.iota {dimensions = array<i32: 0>} : vector<16xi32>
    %broadcast_in_dim3A = vector.broadcast %arg1 : i32 to vector<16xi32>
    %gather3A = tpu.vector_load_idx %arg7[%broadcast_in_dim3A] : memref<16xi32, #tpu.memory_space<vmem>>[vector<16xi32>], vector<16xi32>,
    %add3A = arith.addi %gather3A, %iota3A : vector<16xi32>
    %dma_wait3A = arith.constant 0 : i32
    %dma_wait3A_19 = tpu.memref_slice %arg6[%dma_wait3A] : memref<8192xf32, #tpu.memory_space<vmem>> -> memref<4096xf32, #tpu.memory_space<vmem>>
    %dma_wait3A_20 = arith.constant 0 : i32
    %dma_wait3A_21 = tpu.memref_slice %arg2[%arg1, %dma_wait3A_20] : memref<16x4096xf32, #tpu.memory_space<hbm>> -> memref<1x4096xf32, #tpu.memory_space<hbm>>
    %dma_wait3A_22 = tpu.memref_squeeze %dma_wait3A_21 : memref<1x4096xf32, #tpu.memory_space<hbm>> -> memref<4096xf32, #tpu.memory_space<hbm>>
    %dma_wait3A_23 = arith.constant 0 : i32
    %dma_wait3A_24 = tpu.memref_slice %arg6[%dma_wait3A_23] : memref<8192xf32, #tpu.memory_space<vmem>> -> memref<4096xf32, #tpu.memory_space<vmem>>
    %dma_wait3A_25 = arith.constant 0 : i32
    %dma_wait3A_26 = tpu.memref_slice %arg2[%arg1, %dma_wait3A_25] : memref<16x4096xf32, #tpu.memory_space<hbm>> -> memref<1x4096xf32, #tpu.memory_space<hbm>>
    %dma_wait3A_27 = tpu.memref_squeeze %dma_wait3A_26 : memref<1x4096xf32, #tpu.memory_space<hbm>> -> memref<4096xf32, #tpu.memory_space<hbm>>
    tpu.wait_dma2 semaphore(%arg9 : memref<!tpu.dma_semaphore, #tpu.memory_space<semaphore_mem>>) src(%dma_wait3A_27 : memref<4096xf32, #tpu.memory_space<hbm>>) dst(%dma_wait3A_24 : memref<4096xf32, #tpu.memory_space<vmem>>)
    %dma_wait3A_28 = arith.constant 4096 : i32
    %dma_wait3A_29 = tpu.memref_slice %arg6[%dma_wait3A_28] : memref<8192xf32, #tpu.memory_space<vmem>> -> memref<4096xf32, #tpu.memory_space<vmem>>
    %dma_wait3A_30 = arith.constant 0 : i32
    %dma_wait3A_31 = tpu.memref_slice %arg3[%arg1, %dma_wait3A_30] : memref<16x4096xf32, #tpu.memory_space<hbm>> -> memref<1x4096xf32, #tpu.memory_space<hbm>>
    %dma_wait3A_32 = tpu.memref_squeeze %dma_wait3A_31 : memref<1x4096xf32, #tpu.memory_space<hbm>> -> memref<4096xf32, #tpu.memory_space<hbm>>
    %dma_wait3A_33 = arith.constant 4096 : i32
    %dma_wait3A_34 = tpu.memref_slice %arg6[%dma_wait3A_33] : memref<8192xf32, #tpu.memory_space<vmem>> -> memref<4096xf32, #tpu.memory_space<vmem>>
    %dma_wait3A_35 = arith.constant 0 : i32
    %dma_wait3A_36 = tpu.memref_slice %arg3[%arg1, %dma_wait3A_35] : memref<16x4096xf32, #tpu.memory_space<hbm>> -> memref<1x4096xf32, #tpu.memory_space<hbm>>
    %dma_wait3A_37 = tpu.memref_squeeze %dma_wait3A_36 : memref<1x4096xf32, #tpu.memory_space<hbm>> -> memref<4096xf32, #tpu.memory_space<hbm>>
    tpu.wait_dma2 semaphore(%arg9 : memref<!tpu.dma_semaphore, #tpu.memory_space<semaphore_mem>>) src(%dma_wait3A_37 : memref<4096xf32, #tpu.memory_space<hbm>>) dst(%dma_wait3A_34 : memref<4096xf32, #tpu.memory_space<vmem>>)
    %add3A_38 = arith.constant 0 : i32
    %add3A_39 = vector.broadcast %add3A_38 : i32 to vector<16xi32>
    %add3A_40 = arith.addi %add3A, %add3A_39 : vector<16xi32>
    %gather3A_41 = tpu.vector_load_idx %arg6[%add3A_40] : memref<8192xf32, #tpu.memory_space<vmem>>[vector<16xi32>], vector<16xf32>,
    %add3A_42 = arith.constant 16 : i32
    %add3A_43 = vector.broadcast %add3A_42 : i32 to vector<16xi32>
    %add3A_44 = arith.addi %add3A, %add3A_43 : vector<16xi32>
    %gather3A_45 = tpu.vector_load_idx %arg6[%add3A_44] : memref<8192xf32, #tpu.memory_space<vmem>>[vector<16xi32>], vector<16xf32>,
    %add3A_46 = arith.constant 32 : i32
    %add3A_47 = vector.broadcast %add3A_46 : i32 to vector<16xi32>
    %add3A_48 = arith.addi %add3A, %add3A_47 : vector<16xi32>
    %gather3A_49 = tpu.vector_load_idx %arg6[%add3A_48] : memref<8192xf32, #tpu.memory_space<vmem>>[vector<16xi32>], vector<16xf32>,
    %add3A_50 = arith.constant 48 : i32
    %add3A_51 = vector.broadcast %add3A_50 : i32 to vector<16xi32>
    %add3A_52 = arith.addi %add3A, %add3A_51 : vector<16xi32>
    %gather3A_53 = tpu.vector_load_idx %arg6[%add3A_52] : memref<8192xf32, #tpu.memory_space<vmem>>[vector<16xi32>], vector<16xf32>,
    %swap3A = arith.constant 0 : index
    %swap3A_54 = tpu.vector_load %arg8[%swap3A] {strides = array<i32>} : memref<4096xf32, #tpu.memory_space<vmem>>, vector<16xf32>,
    tpu.vector_store %arg8[%swap3A], %gather3A_41 {strides = array<i32>} : memref<4096xf32, #tpu.memory_space<vmem>>, vector<16xf32>,
    %swap3A_55 = arith.constant 16 : index
    %swap3A_56 = tpu.vector_load %arg8[%swap3A_55] {strides = array<i32>} : memref<4096xf32, #tpu.memory_space<vmem>>, vector<16xf32>,
    tpu.vector_store %arg8[%swap3A_55], %gather3A_45 {strides = array<i32>} : memref<4096xf32, #tpu.memory_space<vmem>>, vector<16xf32>,
    %swap3A_57 = arith.constant 32 : index
    %swap3A_58 = tpu.vector_load %arg8[%swap3A_57] {strides = array<i32>} : memref<4096xf32, #tpu.memory_space<vmem>>, vector<16xf32>,
    tpu.vector_store %arg8[%swap3A_57], %gather3A_49 {strides = array<i32>} : memref<4096xf32, #tpu.memory_space<vmem>>, vector<16xf32>,
    %swap3A_59 = arith.constant 48 : index
    %swap3A_60 = tpu.vector_load %arg8[%swap3A_59] {strides = array<i32>} : memref<4096xf32, #tpu.memory_space<vmem>>, vector<16xf32>,
    tpu.vector_store %arg8[%swap3A_59], %gather3A_53 {strides = array<i32>} : memref<4096xf32, #tpu.memory_space<vmem>>, vector<16xf32>,
    %add3A_61 = arith.constant 64 : i32
    %add3A_62 = vector.broadcast %add3A_61 : i32 to vector<16xi32>
    %add3A_63 = arith.addi %add3A, %add3A_62 : vector<16xi32>
    %gather3A_64 = tpu.vector_load_idx %arg6[%add3A_63] : memref<8192xf32, #tpu.memory_space<vmem>>[vector<16xi32>], vector<16xf32>,
    %add3A_65 = arith.constant 80 : i32
    %add3A_66 = vector.broadcast %add3A_65 : i32 to vector<16xi32>
    %add3A_67 = arith.addi %add3A, %add3A_66 : vector<16xi32>
    %gather3A_68 = tpu.vector_load_idx %arg6[%add3A_67] : memref<8192xf32, #tpu.memory_space<vmem>>[vector<16xi32>], vector<16xf32>,
    %add3A_69 = arith.constant 96 : i32
    %add3A_70 = vector.broadcast %add3A_69 : i32 to vector<16xi32>
    %add3A_71 = arith.addi %add3A, %add3A_70 : vector<16xi32>
    %gather3A_72 = tpu.vector_load_idx %arg6[%add3A_71] : memref<8192xf32, #tpu.memory_space<vmem>>[vector<16xi32>], vector<16xf32>,
    %add3A_73 = arith.constant 112 : i32
    %add3A_74 = vector.broadcast %add3A_73 : i32 to vector<16xi32>
    %add3A_75 = arith.addi %add3A, %add3A_74 : vector<16xi32>
    %gather3A_76 = tpu.vector_load_idx %arg6[%add3A_75] : memref<8192xf32, #tpu.memory_space<vmem>>[vector<16xi32>], vector<16xf32>,
    %swap3A_77 = arith.constant 64 : index
    %swap3A_78 = tpu.vector_load %arg8[%swap3A_77] {strides = array<i32>} : memref<4096xf32, #tpu.memory_space<vmem>>, vector<16xf32>,
    tpu.vector_store %arg8[%swap3A_77], %gather3A_64 {strides = array<i32>} : memref<4096xf32, #tpu.memory_space<vmem>>, vector<16xf32>,
    %swap3A_79 = arith.constant 80 : index
    %swap3A_80 = tpu.vector_load %arg8[%swap3A_79] {strides = array<i32>} : memref<4096xf32, #tpu.memory_space<vmem>>, vector<16xf32>,
    tpu.vector_store %arg8[%swap3A_79], %gather3A_68 {strides = array<i32>} : memref<4096xf32, #tpu.memory_space<vmem>>, vector<16xf32>,
    %swap3A_81 = arith.constant 96 : index
    %swap3A_82 = tpu.vector_load %arg8[%swap3A_81] {strides = array<i32>} : memref<4096xf32, #tpu.memory_space<vmem>>, vector<16xf32>,
    tpu.vector_store %arg8[%swap3A_81], %gather3A_72 {strides = array<i32>} : memref<4096xf32, #tpu.memory_space<vmem>>, vector<16xf32>,
    %swap3A_83 = arith.constant 112 : index
    %swap3A_84 = tpu.vector_load %arg8[%swap3A_83] {strides = array<i32>} : memref<4096xf32, #tpu.memory_space<vmem>>, vector<16xf32>,
    tpu.vector_store %arg8[%swap3A_83], %gather3A_76 {strides = array<i32>} : memref<4096xf32, #tpu.memory_space<vmem>>, vector<16xf32>,
    %add3A_85 = arith.constant 128 : i32
    %add3A_86 = vector.broadcast %add3A_85 : i32 to vector<16xi32>
    %add3A_87 = arith.addi %add3A, %add3A_86 : vector<16xi32>
    %gather3A_88 = tpu.vector_load_idx %arg6[%add3A_87] : memref<8192xf32, #tpu.memory_space<vmem>>[vector<16xi32>], vector<16xf32>,
    %add3A_89 = arith.constant 144 : i32
    %add3A_90 = vector.broadcast %add3A_89 : i32 to vector<16xi32>
    %add3A_91 = arith.addi %add3A, %add3A_90 : vector<16xi32>
    %gather3A_92 = tpu.vector_load_idx %arg6[%add3A_91] : memref<8192xf32, #tpu.memory_space<vmem>>[vector<16xi32>], vector<16xf32>,
    %add3A_93 = arith.constant 160 : i32
    %add3A_94 = vector.broadcast %add3A_93 : i32 to vector<16xi32>
    %add3A_95 = arith.addi %add3A, %add3A_94 : vector<16xi32>
    %gather3A_96 = tpu.vector_load_idx %arg6[%add3A_95] : memref<8192xf32, #tpu.memory_space<vmem>>[vector<16xi32>], vector<16xf32>,
    %add3A_97 = arith.constant 176 : i32
    %add3A_98 = vector.broadcast %add3A_97 : i32 to vector<16xi32>
    %add3A_99 = arith.addi %add3A, %add3A_98 : vector<16xi32>
    %gather3A_100 = tpu.vector_load_idx %arg6[%add3A_99] : memref<8192xf32, #tpu.memory_space<vmem>>[vector<16xi32>], vector<16xf32>,
    %swap3A_101 = arith.constant 128 : index
    %swap3A_102 = tpu.vector_load %arg8[%swap3A_101] {strides = array<i32>} : memref<4096xf32, #tpu.memory_space<vmem>>, vector<16xf32>,
    tpu.vector_store %arg8[%swap3A_101], %gather3A_88 {strides = array<i32>} : memref<4096xf32, #tpu.memory_space<vmem>>, vector<16xf32>,
    %swap3A_103 = arith.constant 144 : index
    %swap3A_104 = tpu.vector_load %arg8[%swap3A_103] {strides = array<i32>} : memref<4096xf32, #tpu.memory_space<vmem>>, vector<16xf32>,
    tpu.vector_store %arg8[%swap3A_103], %gather3A_92 {strides = array<i32>} : memref<4096xf32, #tpu.memory_space<vmem>>, vector<16xf32>,
    %swap3A_105 = arith.constant 160 : index
    %swap3A_106 = tpu.vector_load %arg8[%swap3A_105] {strides = array<i32>} : memref<4096xf32, #tpu.memory_space<vmem>>, vector<16xf32>,
    tpu.vector_store %arg8[%swap3A_105], %gather3A_96 {strides = array<i32>} : memref<4096xf32, #tpu.memory_space<vmem>>, vector<16xf32>,
    %swap3A_107 = arith.constant 176 : index
    %swap3A_108 = tpu.vector_load %arg8[%swap3A_107] {strides = array<i32>} : memref<4096xf32, #tpu.memory_space<vmem>>, vector<16xf32>,
    tpu.vector_store %arg8[%swap3A_107], %gather3A_100 {strides = array<i32>} : memref<4096xf32, #tpu.memory_space<vmem>>, vector<16xf32>,
    %add3A_109 = arith.constant 192 : i32
    %add3A_110 = vector.broadcast %add3A_109 : i32 to vector<16xi32>
    %add3A_111 = arith.addi %add3A, %add3A_110 : vector<16xi32>
    %gather3A_112 = tpu.vector_load_idx %arg6[%add3A_111] : memref<8192xf32, #tpu.memory_space<vmem>>[vector<16xi32>], vector<16xf32>,
    %add3A_113 = arith.constant 208 : i32
    %add3A_114 = vector.broadcast %add3A_113 : i32 to vector<16xi32>
    %add3A_115 = arith.addi %add3A, %add3A_114 : vector<16xi32>
    %gather3A_116 = tpu.vector_load_idx %arg6[%add3A_115] : memref<8192xf32, #tpu.memory_space<vmem>>[vector<16xi32>], vector<16xf32>,
    %add3A_117 = arith.constant 224 : i32
    %add3A_118 = vector.broadcast %add3A_117 : i32 to vector<16xi32>
    %add3A_119 = arith.addi %add3A, %add3A_118 : vector<16xi32>
    %gather3A_120 = tpu.vector_load_idx %arg6[%add3A_119] : memref<8192xf32, #tpu.memory_space<vmem>>[vector<16xi32>], vector<16xf32>,
    %add3A_121 = arith.constant 240 : i32
    %add3A_122 = vector.broadcast %add3A_121 : i32 to vector<16xi32>
    %add3A_123 = arith.addi %add3A, %add3A_122 : vector<16xi32>
    %gather3A_124 = tpu.vector_load_idx %arg6[%add3A_123] : memref<8192xf32, #tpu.memory_space<vmem>>[vector<16xi32>], vector<16xf32>,
    %swap3A_125 = arith.constant 192 : index
    %swap3A_126 = tpu.vector_load %arg8[%swap3A_125] {strides = array<i32>} : memref<4096xf32, #tpu.memory_space<vmem>>, vector<16xf32>,
    tpu.vector_store %arg8[%swap3A_125], %gather3A_112 {strides = array<i32>} : memref<4096xf32, #tpu.memory_space<vmem>>, vector<16xf32>,
    %swap3A_127 = arith.constant 208 : index
    %swap3A_128 = tpu.vector_load %arg8[%swap3A_127] {strides = array<i32>} : memref<4096xf32, #tpu.memory_space<vmem>>, vector<16xf32>,
    tpu.vector_store %arg8[%swap3A_127], %gather3A_116 {strides = array<i32>} : memref<4096xf32, #tpu.memory_space<vmem>>, vector<16xf32>,
    %swap3A_129 = arith.constant 224 : index
    %swap3A_130 = tpu.vector_load %arg8[%swap3A_129] {strides = array<i32>} : memref<4096xf32, #tpu.memory_space<vmem>>, vector<16xf32>,
    tpu.vector_store %arg8[%swap3A_129], %gather3A_120 {strides = array<i32>} : memref<4096xf32, #tpu.memory_space<vmem>>, vector<16xf32>,
    %swap3A_131 = arith.constant 240 : index
    %swap3A_132 = tpu.vector_load %arg8[%swap3A_131] {strides = array<i32>} : memref<4096xf32, #tpu.memory_space<vmem>>, vector<16xf32>,
    tpu.vector_store %arg8[%swap3A_131], %gather3A_124 {strides = array<i32>} : memref<4096xf32, #tpu.memory_space<vmem>>, vector<16xf32>,
    %add3A_133 = arith.constant 256 : i32
    %add3A_134 = vector.broadcast %add3A_133 : i32 to vector<16xi32>
    %add3A_135 = arith.addi %add3A, %add3A_134 : vector<16xi32>
    %gather3A_136 = tpu.vector_load_idx %arg6[%add3A_135] : memref<8192xf32, #tpu.memory_space<vmem>>[vector<16xi32>], vector<16xf32>,
    %add3A_137 = arith.constant 272 : i32
    %add3A_138 = vector.broadcast %add3A_137 : i32 to vector<16xi32>
    %add3A_139 = arith.addi %add3A, %add3A_138 : vector<16xi32>
    %gather3A_140 = tpu.vector_load_idx %arg6[%add3A_139] : memref<8192xf32, #tpu.memory_space<vmem>>[vector<16xi32>], vector<16xf32>,
    %add3A_141 = arith.constant 288 : i32
    %add3A_142 = vector.broadcast %add3A_141 : i32 to vector<16xi32>
    %add3A_143 = arith.addi %add3A, %add3A_142 : vector<16xi32>
    %gather3A_144 = tpu.vector_load_idx %arg6[%add3A_143] : memref<8192xf32, #tpu.memory_space<vmem>>[vector<16xi32>], vector<16xf32>,
    %add3A_145 = arith.constant 304 : i32
    %add3A_146 = vector.broadcast %add3A_145 : i32 to vector<16xi32>
    %add3A_147 = arith.addi %add3A, %add3A_146 : vector<16xi32>
    %gather3A_148 = tpu.vector_load_idx %arg6[%add3A_147] : memref<8192xf32, #tpu.memory_space<vmem>>[vector<16xi32>], vector<16xf32>,
    %swap3A_149 = arith.constant 256 : index
    %swap3A_150 = tpu.vector_load %arg8[%swap3A_149] {strides = array<i32>} : memref<4096xf32, #tpu.memory_space<vmem>>, vector<16xf32>,
    tpu.vector_store %arg8[%swap3A_149], %gather3A_136 {strides = array<i32>} : memref<4096xf32, #tpu.memory_space<vmem>>, vector<16xf32>,
    %swap3A_151 = arith.constant 272 : index
    %swap3A_152 = tpu.vector_load %arg8[%swap3A_151] {strides = array<i32>} : memref<4096xf32, #tpu.memory_space<vmem>>, vector<16xf32>,
    tpu.vector_store %arg8[%swap3A_151], %gather3A_140 {strides = array<i32>} : memref<4096xf32, #tpu.memory_space<vmem>>, vector<16xf32>,
    %swap3A_153 = arith.constant 288 : index
    %swap3A_154 = tpu.vector_load %arg8[%swap3A_153] {strides = array<i32>} : memref<4096xf32, #tpu.memory_space<vmem>>, vector<16xf32>,
    tpu.vector_store %arg8[%swap3A_153], %gather3A_144 {strides = array<i32>} : memref<4096xf32, #tpu.memory_space<vmem>>, vector<16xf32>,
    %swap3A_155 = arith.constant 304 : index
    %swap3A_156 = tpu.vector_load %arg8[%swap3A_155] {strides = array<i32>} : memref<4096xf32, #tpu.memory_space<vmem>>, vector<16xf32>,
    tpu.vector_store %arg8[%swap3A_155], %gather3A_148 {strides = array<i32>} : memref<4096xf32, #tpu.memory_space<vmem>>, vector<16xf32>,
    %add3A_157 = arith.constant 320 : i32
    %add3A_158 = vector.broadcast %add3A_157 : i32 to vector<16xi32>
    %add3A_159 = arith.addi %add3A, %add3A_158 : vector<16xi32>
    %gather3A_160 = tpu.vector_load_idx %arg6[%add3A_159] : memref<8192xf32, #tpu.memory_space<vmem>>[vector<16xi32>], vector<16xf32>,
    %add3A_161 = arith.constant 336 : i32
    %add3A_162 = vector.broadcast %add3A_161 : i32 to vector<16xi32>
    %add3A_163 = arith.addi %add3A, %add3A_162 : vector<16xi32>
    %gather3A_164 = tpu.vector_load_idx %arg6[%add3A_163] : memref<8192xf32, #tpu.memory_space<vmem>>[vector<16xi32>], vector<16xf32>,
    %add3A_165 = arith.constant 352 : i32
    %add3A_166 = vector.broadcast %add3A_165 : i32 to vector<16xi32>
    %add3A_167 = arith.addi %add3A, %add3A_166 : vector<16xi32>
    %gather3A_168 = tpu.vector_load_idx %arg6[%add3A_167] : memref<8192xf32, #tpu.memory_space<vmem>>[vector<16xi32>], vector<16xf32>,
    %add3A_169 = arith.constant 368 : i32
    %add3A_170 = vector.broadcast %add3A_169 : i32 to vector<16xi32>
    %add3A_171 = arith.addi %add3A, %add3A_170 : vector<16xi32>
    %gather3A_172 = tpu.vector_load_idx %arg6[%add3A_171] : memref<8192xf32, #tpu.memory_space<vmem>>[vector<16xi32>], vector<16xf32>,
    %swap3A_173 = arith.constant 320 : index
    %swap3A_174 = tpu.vector_load %arg8[%swap3A_173] {strides = array<i32>} : memref<4096xf32, #tpu.memory_space<vmem>>, vector<16xf32>,
    tpu.vector_store %arg8[%swap3A_173], %gather3A_160 {strides = array<i32>} : memref<4096xf32, #tpu.memory_space<vmem>>, vector<16xf32>,
    %swap3A_175 = arith.constant 336 : index
    %swap3A_176 = tpu.vector_load %arg8[%swap3A_175] {strides = array<i32>} : memref<4096xf32, #tpu.memory_space<vmem>>, vector<16xf32>,
    tpu.vector_store %arg8[%swap3A_175], %gather3A_164 {strides = array<i32>} : memref<4096xf32, #tpu.memory_space<vmem>>, vector<16xf32>,
    %swap3A_177 = arith.constant 352 : index
    %swap3A_178 = tpu.vector_load %arg8[%swap3A_177] {strides = array<i32>} : memref<4096xf32, #tpu.memory_space<vmem>>, vector<16xf32>,
    tpu.vector_store %arg8[%swap3A_177], %gather3A_168 {strides = array<i32>} : memref<4096xf32, #tpu.memory_space<vmem>>, vector<16xf32>,
    %swap3A_179 = arith.constant 368 : index
    %swap3A_180 = tpu.vector_load %arg8[%swap3A_179] {strides = array<i32>} : memref<4096xf32, #tpu.memory_space<vmem>>, vector<16xf32>,
    tpu.vector_store %arg8[%swap3A_179], %gather3A_172 {strides = array<i32>} : memref<4096xf32, #tpu.memory_space<vmem>>, vector<16xf32>,
    %add3A_181 = arith.constant 384 : i32
    %add3A_182 = vector.broadcast %add3A_181 : i32 to vector<16xi32>
    %add3A_183 = arith.addi %add3A, %add3A_182 : vector<16xi32>
    %gather3A_184 = tpu.vector_load_idx %arg6[%add3A_183] : memref<8192xf32, #tpu.memory_space<vmem>>[vector<16xi32>], vector<16xf32>,
    %add3A_185 = arith.constant 400 : i32
    %add3A_186 = vector.broadcast %add3A_185 : i32 to vector<16xi32>
    %add3A_187 = arith.addi %add3A, %add3A_186 : vector<16xi32>
    %gather3A_188 = tpu.vector_load_idx %arg6[%add3A_187] : memref<8192xf32, #tpu.memory_space<vmem>>[vector<16xi32>], vector<16xf32>,
    %add3A_189 = arith.constant 416 : i32
    %add3A_190 = vector.broadcast %add3A_189 : i32 to vector<16xi32>
    %add3A_191 = arith.addi %add3A, %add3A_190 : vector<16xi32>
    %gather3A_192 = tpu.vector_load_idx %arg6[%add3A_191] : memref<8192xf32, #tpu.memory_space<vmem>>[vector<16xi32>], vector<16xf32>,
    %add3A_193 = arith.constant 432 : i32
    %add3A_194 = vector.broadcast %add3A_193 : i32 to vector<16xi32>
    %add3A_195 = arith.addi %add3A, %add3A_194 : vector<16xi32>
    %gather3A_196 = tpu.vector_load_idx %arg6[%add3A_195] : memref<8192xf32, #tpu.memory_space<vmem>>[vector<16xi32>], vector<16xf32>,
    %swap3A_197 = arith.constant 384 : index
    %swap3A_198 = tpu.vector_load %arg8[%swap3A_197] {strides = array<i32>} : memref<4096xf32, #tpu.memory_space<vmem>>, vector<16xf32>,
    tpu.vector_store %arg8[%swap3A_197], %gather3A_184 {strides = array<i32>} : memref<4096xf32, #tpu.memory_space<vmem>>, vector<16xf32>,
    %swap3A_199 = arith.constant 400 : index
    %swap3A_200 = tpu.vector_load %arg8[%swap3A_199] {strides = array<i32>} : memref<4096xf32, #tpu.memory_space<vmem>>, vector<16xf32>,
    tpu.vector_store %arg8[%swap3A_199], %gather3A_188 {strides = array<i32>} : memref<4096xf32, #tpu.memory_space<vmem>>, vector<16xf32>,
    %swap3A_201 = arith.constant 416 : index
    %swap3A_202 = tpu.vector_load %arg8[%swap3A_201] {strides = array<i32>} : memref<4096xf32, #tpu.memory_space<vmem>>, vector<16xf32>,
    tpu.vector_store %arg8[%swap3A_201], %gather3A_192 {strides = array<i32>} : memref<4096xf32, #tpu.memory_space<vmem>>, vector<16xf32>,
    %swap3A_203 = arith.constant 432 : index
    %swap3A_204 = tpu.vector_load %arg8[%swap3A_203] {strides = array<i32>} : memref<4096xf32, #tpu.memory_space<vmem>>, vector<16xf32>,
    tpu.vector_store %arg8[%swap3A_203], %gather3A_196 {strides = array<i32>} : memref<4096xf32, #tpu.memory_space<vmem>>, vector<16xf32>,
    %add3A_205 = arith.constant 448 : i32
    %add3A_206 = vector.broadcast %add3A_205 : i32 to vector<16xi32>
    %add3A_207 = arith.addi %add3A, %add3A_206 : vector<16xi32>
    %gather3A_208 = tpu.vector_load_idx %arg6[%add3A_207] : memref<8192xf32, #tpu.memory_space<vmem>>[vector<16xi32>], vector<16xf32>,
    %add3A_209 = arith.constant 464 : i32
    %add3A_210 = vector.broadcast %add3A_209 : i32 to vector<16xi32>
    %add3A_211 = arith.addi %add3A, %add3A_210 : vector<16xi32>
    %gather3A_212 = tpu.vector_load_idx %arg6[%add3A_211] : memref<8192xf32, #tpu.memory_space<vmem>>[vector<16xi32>], vector<16xf32>,
    %add3A_213 = arith.constant 480 : i32
    %add3A_214 = vector.broadcast %add3A_213 : i32 to vector<16xi32>
    %add3A_215 = arith.addi %add3A, %add3A_214 : vector<16xi32>
    %gather3A_216 = tpu.vector_load_idx %arg6[%add3A_215] : memref<8192xf32, #tpu.memory_space<vmem>>[vector<16xi32>], vector<16xf32>,
    %add3A_217 = arith.constant 496 : i32
    %add3A_218 = vector.broadcast %add3A_217 : i32 to vector<16xi32>
    %add3A_219 = arith.addi %add3A, %add3A_218 : vector<16xi32>
    %gather3A_220 = tpu.vector_load_idx %arg6[%add3A_219] : memref<8192xf32, #tpu.memory_space<vmem>>[vector<16xi32>], vector<16xf32>,
    %swap3A_221 = arith.constant 448 : index
    %swap3A_222 = tpu.vector_load %arg8[%swap3A_221] {strides = array<i32>} : memref<4096xf32, #tpu.memory_space<vmem>>, vector<16xf32>,
    tpu.vector_store %arg8[%swap3A_221], %gather3A_208 {strides = array<i32>} : memref<4096xf32, #tpu.memory_space<vmem>>, vector<16xf32>,
    %swap3A_223 = arith.constant 464 : index
    %swap3A_224 = tpu.vector_load %arg8[%swap3A_223] {strides = array<i32>} : memref<4096xf32, #tpu.memory_space<vmem>>, vector<16xf32>,
    tpu.vector_store %arg8[%swap3A_223], %gather3A_212 {strides = array<i32>} : memref<4096xf32, #tpu.memory_space<vmem>>, vector<16xf32>,
    %swap3A_225 = arith.constant 480 : index
    %swap3A_226 = tpu.vector_load %arg8[%swap3A_225] {strides = array<i32>} : memref<4096xf32, #tpu.memory_space<vmem>>, vector<16xf32>,
    tpu.vector_store %arg8[%swap3A_225], %gather3A_216 {strides = array<i32>} : memref<4096xf32, #tpu.memory_space<vmem>>, vector<16xf32>,
    %swap3A_227 = arith.constant 496 : index
    %swap3A_228 = tpu.vector_load %arg8[%swap3A_227] {strides = array<i32>} : memref<4096xf32, #tpu.memory_space<vmem>>, vector<16xf32>,
    tpu.vector_store %arg8[%swap3A_227], %gather3A_220 {strides = array<i32>} : memref<4096xf32, #tpu.memory_space<vmem>>, vector<16xf32>,
    %add3A_229 = arith.constant 512 : i32
    %add3A_230 = vector.broadcast %add3A_229 : i32 to vector<16xi32>
    %add3A_231 = arith.addi %add3A, %add3A_230 : vector<16xi32>
    %gather3A_232 = tpu.vector_load_idx %arg6[%add3A_231] : memref<8192xf32, #tpu.memory_space<vmem>>[vector<16xi32>], vector<16xf32>,
    %add3A_233 = arith.constant 528 : i32
    %add3A_234 = vector.broadcast %add3A_233 : i32 to vector<16xi32>
    %add3A_235 = arith.addi %add3A, %add3A_234 : vector<16xi32>
    %gather3A_236 = tpu.vector_load_idx %arg6[%add3A_235] : memref<8192xf32, #tpu.memory_space<vmem>>[vector<16xi32>], vector<16xf32>,
    %add3A_237 = arith.constant 544 : i32
    %add3A_238 = vector.broadcast %add3A_237 : i32 to vector<16xi32>
    %add3A_239 = arith.addi %add3A, %add3A_238 : vector<16xi32>
    %gather3A_240 = tpu.vector_load_idx %arg6[%add3A_239] : memref<8192xf32, #tpu.memory_space<vmem>>[vector<16xi32>], vector<16xf32>,
    %add3A_241 = arith.constant 560 : i32
    %add3A_242 = vector.broadcast %add3A_241 : i32 to vector<16xi32>
    %add3A_243 = arith.addi %add3A, %add3A_242 : vector<16xi32>
    %gather3A_244 = tpu.vector_load_idx %arg6[%add3A_243] : memref<8192xf32, #tpu.memory_space<vmem>>[vector<16xi32>], vector<16xf32>,
    %swap3A_245 = arith.constant 512 : index
    %swap3A_246 = tpu.vector_load %arg8[%swap3A_245] {strides = array<i32>} : memref<4096xf32, #tpu.memory_space<vmem>>, vector<16xf32>,
    tpu.vector_store %arg8[%swap3A_245], %gather3A_232 {strides = array<i32>} : memref<4096xf32, #tpu.memory_space<vmem>>, vector<16xf32>,
    %swap3A_247 = arith.constant 528 : index
    %swap3A_248 = tpu.vector_load %arg8[%swap3A_247] {strides = array<i32>} : memref<4096xf32, #tpu.memory_space<vmem>>, vector<16xf32>,
    tpu.vector_store %arg8[%swap3A_247], %gather3A_236 {strides = array<i32>} : memref<4096xf32, #tpu.memory_space<vmem>>, vector<16xf32>,
    %swap3A_249 = arith.constant 544 : index
    %swap3A_250 = tpu.vector_load %arg8[%swap3A_249] {strides = array<i32>} : memref<4096xf32, #tpu.memory_space<vmem>>, vector<16xf32>,
    tpu.vector_store %arg8[%swap3A_249], %gather3A_240 {strides = array<i32>} : memref<4096xf32, #tpu.memory_space<vmem>>, vector<16xf32>,
    %swap3A_251 = arith.constant 560 : index
    %swap3A_252 = tpu.vector_load %arg8[%swap3A_251] {strides = array<i32>} : memref<4096xf32, #tpu.memory_space<vmem>>, vector<16xf32>,
    tpu.vector_store %arg8[%swap3A_251], %gather3A_244 {strides = array<i32>} : memref<4096xf32, #tpu.memory_space<vmem>>, vector<16xf32>,
    %add3A_253 = arith.constant 576 : i32
    %add3A_254 = vector.broadcast %add3A_253 : i32 to vector<16xi32>
    %add3A_255 = arith.addi %add3A, %add3A_254 : vector<16xi32>
    %gather3A_256 = tpu.vector_load_idx %arg6[%add3A_255] : memref<8192xf32, #tpu.memory_space<vmem>>[vector<16xi32>], vector<16xf32>,
    %add3A_257 = arith.constant 592 : i32
    %add3A_258 = vector.broadcast %add3A_257 : i32 to vector<16xi32>
    %add3A_259 = arith.addi %add3A, %add3A_258 : vector<16xi32>
    %gather3A_260 = tpu.vector_load_idx %arg6[%add3A_259] : memref<8192xf32, #tpu.memory_space<vmem>>[vector<16xi32>], vector<16xf32>,
    %add3A_261 = arith.constant 608 : i32
    %add3A_262 = vector.broadcast %add3A_261 : i32 to vector<16xi32>
    %add3A_263 = arith.addi %add3A, %add3A_262 : vector<16xi32>
    %gather3A_264 = tpu.vector_load_idx %arg6[%add3A_263] : memref<8192xf32, #tpu.memory_space<vmem>>[vector<16xi32>], vector<16xf32>,
    %add3A_265 = arith.constant 624 : i32
    %add3A_266 = vector.broadcast %add3A_265 : i32 to vector<16xi32>
    %add3A_267 = arith.addi %add3A, %add3A_266 : vector<16xi32>
    %gather3A_268 = tpu.vector_load_idx %arg6[%add3A_267] : memref<8192xf32, #tpu.memory_space<vmem>>[vector<16xi32>], vector<16xf32>,
    %swap3A_269 = arith.constant 576 : index
    %swap3A_270 = tpu.vector_load %arg8[%swap3A_269] {strides = array<i32>} : memref<4096xf32, #tpu.memory_space<vmem>>, vector<16xf32>,
    tpu.vector_store %arg8[%swap3A_269], %gather3A_256 {strides = array<i32>} : memref<4096xf32, #tpu.memory_space<vmem>>, vector<16xf32>,
    %swap3A_271 = arith.constant 592 : index
    %swap3A_272 = tpu.vector_load %arg8[%swap3A_271] {strides = array<i32>} : memref<4096xf32, #tpu.memory_space<vmem>>, vector<16xf32>,
    tpu.vector_store %arg8[%swap3A_271], %gather3A_260 {strides = array<i32>} : memref<4096xf32, #tpu.memory_space<vmem>>, vector<16xf32>,
    %swap3A_273 = arith.constant 608 : index
    %swap3A_274 = tpu.vector_load %arg8[%swap3A_273] {strides = array<i32>} : memref<4096xf32, #tpu.memory_space<vmem>>, vector<16xf32>,
    tpu.vector_store %arg8[%swap3A_273], %gather3A_264 {strides = array<i32>} : memref<4096xf32, #tpu.memory_space<vmem>>, vector<16xf32>,
    %swap3A_275 = arith.constant 624 : index
    %swap3A_276 = tpu.vector_load %arg8[%swap3A_275] {strides = array<i32>} : memref<4096xf32, #tpu.memory_space<vmem>>, vector<16xf32>,
    tpu.vector_store %arg8[%swap3A_275], %gather3A_268 {strides = array<i32>} : memref<4096xf32, #tpu.memory_space<vmem>>, vector<16xf32>,
    %add3A_277 = arith.constant 640 : i32
    %add3A_278 = vector.broadcast %add3A_277 : i32 to vector<16xi32>
    %add3A_279 = arith.addi %add3A, %add3A_278 : vector<16xi32>
    %gather3A_280 = tpu.vector_load_idx %arg6[%add3A_279] : memref<8192xf32, #tpu.memory_space<vmem>>[vector<16xi32>], vector<16xf32>,
    %add3A_281 = arith.constant 656 : i32
    %add3A_282 = vector.broadcast %add3A_281 : i32 to vector<16xi32>
    %add3A_283 = arith.addi %add3A, %add3A_282 : vector<16xi32>
    %gather3A_284 = tpu.vector_load_idx %arg6[%add3A_283] : memref<8192xf32, #tpu.memory_space<vmem>>[vector<16xi32>], vector<16xf32>,
    %add3A_285 = arith.constant 672 : i32
    %add3A_286 = vector.broadcast %add3A_285 : i32 to vector<16xi32>
    %add3A_287 = arith.addi %add3A, %add3A_286 : vector<16xi32>
    %gather3A_288 = tpu.vector_load_idx %arg6[%add3A_287] : memref<8192xf32, #tpu.memory_space<vmem>>[vector<16xi32>], vector<16xf32>,
    %add3A_289 = arith.constant 688 : i32
    %add3A_290 = vector.broadcast %add3A_289 : i32 to vector<16xi32>
    %add3A_291 = arith.addi %add3A, %add3A_290 : vector<16xi32>
    %gather3A_292 = tpu.vector_load_idx %arg6[%add3A_291] : memref<8192xf32, #tpu.memory_space<vmem>>[vector<16xi32>], vector<16xf32>,
    %swap3A_293 = arith.constant 640 : index
    %swap3A_294 = tpu.vector_load %arg8[%swap3A_293] {strides = array<i32>} : memref<4096xf32, #tpu.memory_space<vmem>>, vector<16xf32>,
    tpu.vector_store %arg8[%swap3A_293], %gather3A_280 {strides = array<i32>} : memref<4096xf32, #tpu.memory_space<vmem>>, vector<16xf32>,
    %swap3A_295 = arith.constant 656 : index
    %swap3A_296 = tpu.vector_load %arg8[%swap3A_295] {strides = array<i32>} : memref<4096xf32, #tpu.memory_space<vmem>>, vector<16xf32>,
    tpu.vector_store %arg8[%swap3A_295], %gather3A_284 {strides = array<i32>} : memref<4096xf32, #tpu.memory_space<vmem>>, vector<16xf32>,
    %swap3A_297 = arith.constant 672 : index
    %swap3A_298 = tpu.vector_load %arg8[%swap3A_297] {strides = array<i32>} : memref<4096xf32, #tpu.memory_space<vmem>>, vector<16xf32>,
    tpu.vector_store %arg8[%swap3A_297], %gather3A_288 {strides = array<i32>} : memref<4096xf32, #tpu.memory_space<vmem>>, vector<16xf32>,
    %swap3A_299 = arith.constant 688 : index
    %swap3A_300 = tpu.vector_load %arg8[%swap3A_299] {strides = array<i32>} : memref<4096xf32, #tpu.memory_space<vmem>>, vector<16xf32>,
    tpu.vector_store %arg8[%swap3A_299], %gather3A_292 {strides = array<i32>} : memref<4096xf32, #tpu.memory_space<vmem>>, vector<16xf32>,
    %add3A_301 = arith.constant 704 : i32
    %add3A_302 = vector.broadcast %add3A_301 : i32 to vector<16xi32>
    %add3A_303 = arith.addi %add3A, %add3A_302 : vector<16xi32>
    %gather3A_304 = tpu.vector_load_idx %arg6[%add3A_303] : memref<8192xf32, #tpu.memory_space<vmem>>[vector<16xi32>], vector<16xf32>,
    %add3A_305 = arith.constant 720 : i32
    %add3A_306 = vector.broadcast %add3A_305 : i32 to vector<16xi32>
    %add3A_307 = arith.addi %add3A, %add3A_306 : vector<16xi32>
    %gather3A_308 = tpu.vector_load_idx %arg6[%add3A_307] : memref<8192xf32, #tpu.memory_space<vmem>>[vector<16xi32>], vector<16xf32>,
    %add3A_309 = arith.constant 736 : i32
    %add3A_310 = vector.broadcast %add3A_309 : i32 to vector<16xi32>
    %add3A_311 = arith.addi %add3A, %add3A_310 : vector<16xi32>
    %gather3A_312 = tpu.vector_load_idx %arg6[%add3A_311] : memref<8192xf32, #tpu.memory_space<vmem>>[vector<16xi32>], vector<16xf32>,
    %add3A_313 = arith.constant 752 : i32
    %add3A_314 = vector.broadcast %add3A_313 : i32 to vector<16xi32>
    %add3A_315 = arith.addi %add3A, %add3A_314 : vector<16xi32>
    %gather3A_316 = tpu.vector_load_idx %arg6[%add3A_315] : memref<8192xf32, #tpu.memory_space<vmem>>[vector<16xi32>], vector<16xf32>,
    %swap3A_317 = arith.constant 704 : index
    %swap3A_318 = tpu.vector_load %arg8[%swap3A_317] {strides = array<i32>} : memref<4096xf32, #tpu.memory_space<vmem>>, vector<16xf32>,
    tpu.vector_store %arg8[%swap3A_317], %gather3A_304 {strides = array<i32>} : memref<4096xf32, #tpu.memory_space<vmem>>, vector<16xf32>,
    %swap3A_319 = arith.constant 720 : index
    %swap3A_320 = tpu.vector_load %arg8[%swap3A_319] {strides = array<i32>} : memref<4096xf32, #tpu.memory_space<vmem>>, vector<16xf32>,
    tpu.vector_store %arg8[%swap3A_319], %gather3A_308 {strides = array<i32>} : memref<4096xf32, #tpu.memory_space<vmem>>, vector<16xf32>,
    %swap3A_321 = arith.constant 736 : index
    %swap3A_322 = tpu.vector_load %arg8[%swap3A_321] {strides = array<i32>} : memref<4096xf32, #tpu.memory_space<vmem>>, vector<16xf32>,
    tpu.vector_store %arg8[%swap3A_321], %gather3A_312 {strides = array<i32>} : memref<4096xf32, #tpu.memory_space<vmem>>, vector<16xf32>,
    %swap3A_323 = arith.constant 752 : index
    %swap3A_324 = tpu.vector_load %arg8[%swap3A_323] {strides = array<i32>} : memref<4096xf32, #tpu.memory_space<vmem>>, vector<16xf32>,
    tpu.vector_store %arg8[%swap3A_323], %gather3A_316 {strides = array<i32>} : memref<4096xf32, #tpu.memory_space<vmem>>, vector<16xf32>,
    %add3A_325 = arith.constant 768 : i32
    %add3A_326 = vector.broadcast %add3A_325 : i32 to vector<16xi32>
    %add3A_327 = arith.addi %add3A, %add3A_326 : vector<16xi32>
    %gather3A_328 = tpu.vector_load_idx %arg6[%add3A_327] : memref<8192xf32, #tpu.memory_space<vmem>>[vector<16xi32>], vector<16xf32>,
    %add3A_329 = arith.constant 784 : i32
    %add3A_330 = vector.broadcast %add3A_329 : i32 to vector<16xi32>
    %add3A_331 = arith.addi %add3A, %add3A_330 : vector<16xi32>
    %gather3A_332 = tpu.vector_load_idx %arg6[%add3A_331] : memref<8192xf32, #tpu.memory_space<vmem>>[vector<16xi32>], vector<16xf32>,
    %add3A_333 = arith.constant 800 : i32
    %add3A_334 = vector.broadcast %add3A_333 : i32 to vector<16xi32>
    %add3A_335 = arith.addi %add3A, %add3A_334 : vector<16xi32>
    %gather3A_336 = tpu.vector_load_idx %arg6[%add3A_335] : memref<8192xf32, #tpu.memory_space<vmem>>[vector<16xi32>], vector<16xf32>,
    %add3A_337 = arith.constant 816 : i32
    %add3A_338 = vector.broadcast %add3A_337 : i32 to vector<16xi32>
    %add3A_339 = arith.addi %add3A, %add3A_338 : vector<16xi32>
    %gather3A_340 = tpu.vector_load_idx %arg6[%add3A_339] : memref<8192xf32, #tpu.memory_space<vmem>>[vector<16xi32>], vector<16xf32>,
    %swap3A_341 = arith.constant 768 : index
    %swap3A_342 = tpu.vector_load %arg8[%swap3A_341] {strides = array<i32>} : memref<4096xf32, #tpu.memory_space<vmem>>, vector<16xf32>,
    tpu.vector_store %arg8[%swap3A_341], %gather3A_328 {strides = array<i32>} : memref<4096xf32, #tpu.memory_space<vmem>>, vector<16xf32>,
    %swap3A_343 = arith.constant 784 : index
    %swap3A_344 = tpu.vector_load %arg8[%swap3A_343] {strides = array<i32>} : memref<4096xf32, #tpu.memory_space<vmem>>, vector<16xf32>,
    tpu.vector_store %arg8[%swap3A_343], %gather3A_332 {strides = array<i32>} : memref<4096xf32, #tpu.memory_space<vmem>>, vector<16xf32>,
    %swap3A_345 = arith.constant 800 : index
    %swap3A_346 = tpu.vector_load %arg8[%swap3A_345] {strides = array<i32>} : memref<4096xf32, #tpu.memory_space<vmem>>, vector<16xf32>,
    tpu.vector_store %arg8[%swap3A_345], %gather3A_336 {strides = array<i32>} : memref<4096xf32, #tpu.memory_space<vmem>>, vector<16xf32>,
    %swap3A_347 = arith.constant 816 : index
    %swap3A_348 = tpu.vector_load %arg8[%swap3A_347] {strides = array<i32>} : memref<4096xf32, #tpu.memory_space<vmem>>, vector<16xf32>,
    tpu.vector_store %arg8[%swap3A_347], %gather3A_340 {strides = array<i32>} : memref<4096xf32, #tpu.memory_space<vmem>>, vector<16xf32>,
    %add3A_349 = arith.constant 832 : i32
    %add3A_350 = vector.broadcast %add3A_349 : i32 to vector<16xi32>
    %add3A_351 = arith.addi %add3A, %add3A_350 : vector<16xi32>
    %gather3A_352 = tpu.vector_load_idx %arg6[%add3A_351] : memref<8192xf32, #tpu.memory_space<vmem>>[vector<16xi32>], vector<16xf32>,
    %add3A_353 = arith.constant 848 : i32
    %add3A_354 = vector.broadcast %add3A_353 : i32 to vector<16xi32>
    %add3A_355 = arith.addi %add3A, %add3A_354 : vector<16xi32>
    %gather3A_356 = tpu.vector_load_idx %arg6[%add3A_355] : memref<8192xf32, #tpu.memory_space<vmem>>[vector<16xi32>], vector<16xf32>,
    %add3A_357 = arith.constant 864 : i32
    %add3A_358 = vector.broadcast %add3A_357 : i32 to vector<16xi32>
    %add3A_359 = arith.addi %add3A, %add3A_358 : vector<16xi32>
    %gather3A_360 = tpu.vector_load_idx %arg6[%add3A_359] : memref<8192xf32, #tpu.memory_space<vmem>>[vector<16xi32>], vector<16xf32>,
    %add3A_361 = arith.constant 880 : i32
    %add3A_362 = vector.broadcast %add3A_361 : i32 to vector<16xi32>
    %add3A_363 = arith.addi %add3A, %add3A_362 : vector<16xi32>
    %gather3A_364 = tpu.vector_load_idx %arg6[%add3A_363] : memref<8192xf32, #tpu.memory_space<vmem>>[vector<16xi32>], vector<16xf32>,
    %swap3A_365 = arith.constant 832 : index
    %swap3A_366 = tpu.vector_load %arg8[%swap3A_365] {strides = array<i32>} : memref<4096xf32, #tpu.memory_space<vmem>>, vector<16xf32>,
    tpu.vector_store %arg8[%swap3A_365], %gather3A_352 {strides = array<i32>} : memref<4096xf32, #tpu.memory_space<vmem>>, vector<16xf32>,
    %swap3A_367 = arith.constant 848 : index
    %swap3A_368 = tpu.vector_load %arg8[%swap3A_367] {strides = array<i32>} : memref<4096xf32, #tpu.memory_space<vmem>>, vector<16xf32>,
    tpu.vector_store %arg8[%swap3A_367], %gather3A_356 {strides = array<i32>} : memref<4096xf32, #tpu.memory_space<vmem>>, vector<16xf32>,
    %swap3A_369 = arith.constant 864 : index
    %swap3A_370 = tpu.vector_load %arg8[%swap3A_369] {strides = array<i32>} : memref<4096xf32, #tpu.memory_space<vmem>>, vector<16xf32>,
    tpu.vector_store %arg8[%swap3A_369], %gather3A_360 {strides = array<i32>} : memref<4096xf32, #tpu.memory_space<vmem>>, vector<16xf32>,
    %swap3A_371 = arith.constant 880 : index
    %swap3A_372 = tpu.vector_load %arg8[%swap3A_371] {strides = array<i32>} : memref<4096xf32, #tpu.memory_space<vmem>>, vector<16xf32>,
    tpu.vector_store %arg8[%swap3A_371], %gather3A_364 {strides = array<i32>} : memref<4096xf32, #tpu.memory_space<vmem>>, vector<16xf32>,
    %add3A_373 = arith.constant 896 : i32
    %add3A_374 = vector.broadcast %add3A_373 : i32 to vector<16xi32>
    %add3A_375 = arith.addi %add3A, %add3A_374 : vector<16xi32>
    %gather3A_376 = tpu.vector_load_idx %arg6[%add3A_375] : memref<8192xf32, #tpu.memory_space<vmem>>[vector<16xi32>], vector<16xf32>,
    %add3A_377 = arith.constant 912 : i32
    %add3A_378 = vector.broadcast %add3A_377 : i32 to vector<16xi32>
    %add3A_379 = arith.addi %add3A, %add3A_378 : vector<16xi32>
    %gather3A_380 = tpu.vector_load_idx %arg6[%add3A_379] : memref<8192xf32, #tpu.memory_space<vmem>>[vector<16xi32>], vector<16xf32>,
    %add3A_381 = arith.constant 928 : i32
    %add3A_382 = vector.broadcast %add3A_381 : i32 to vector<16xi32>
    %add3A_383 = arith.addi %add3A, %add3A_382 : vector<16xi32>
    %gather3A_384 = tpu.vector_load_idx %arg6[%add3A_383] : memref<8192xf32, #tpu.memory_space<vmem>>[vector<16xi32>], vector<16xf32>,
    %add3A_385 = arith.constant 944 : i32
    %add3A_386 = vector.broadcast %add3A_385 : i32 to vector<16xi32>
    %add3A_387 = arith.addi %add3A, %add3A_386 : vector<16xi32>
    %gather3A_388 = tpu.vector_load_idx %arg6[%add3A_387] : memref<8192xf32, #tpu.memory_space<vmem>>[vector<16xi32>], vector<16xf32>,
    %swap3A_389 = arith.constant 896 : index
    %swap3A_390 = tpu.vector_load %arg8[%swap3A_389] {strides = array<i32>} : memref<4096xf32, #tpu.memory_space<vmem>>, vector<16xf32>,
    tpu.vector_store %arg8[%swap3A_389], %gather3A_376 {strides = array<i32>} : memref<4096xf32, #tpu.memory_space<vmem>>, vector<16xf32>,
    %swap3A_391 = arith.constant 912 : index
    %swap3A_392 = tpu.vector_load %arg8[%swap3A_391] {strides = array<i32>} : memref<4096xf32, #tpu.memory_space<vmem>>, vector<16xf32>,
    tpu.vector_store %arg8[%swap3A_391], %gather3A_380 {strides = array<i32>} : memref<4096xf32, #tpu.memory_space<vmem>>, vector<16xf32>,
    %swap3A_393 = arith.constant 928 : index
    %swap3A_394 = tpu.vector_load %arg8[%swap3A_393] {strides = array<i32>} : memref<4096xf32, #tpu.memory_space<vmem>>, vector<16xf32>,
    tpu.vector_store %arg8[%swap3A_393], %gather3A_384 {strides = array<i32>} : memref<4096xf32, #tpu.memory_space<vmem>>, vector<16xf32>,
    %swap3A_395 = arith.constant 944 : index
    %swap3A_396 = tpu.vector_load %arg8[%swap3A_395] {strides = array<i32>} : memref<4096xf32, #tpu.memory_space<vmem>>, vector<16xf32>,
    tpu.vector_store %arg8[%swap3A_395], %gather3A_388 {strides = array<i32>} : memref<4096xf32, #tpu.memory_space<vmem>>, vector<16xf32>,
    %add3A_397 = arith.constant 960 : i32
    %add3A_398 = vector.broadcast %add3A_397 : i32 to vector<16xi32>
    %add3A_399 = arith.addi %add3A, %add3A_398 : vector<16xi32>
    %gather3A_400 = tpu.vector_load_idx %arg6[%add3A_399] : memref<8192xf32, #tpu.memory_space<vmem>>[vector<16xi32>], vector<16xf32>,
    %add3A_401 = arith.constant 976 : i32
    %add3A_402 = vector.broadcast %add3A_401 : i32 to vector<16xi32>
    %add3A_403 = arith.addi %add3A, %add3A_402 : vector<16xi32>
    %gather3A_404 = tpu.vector_load_idx %arg6[%add3A_403] : memref<8192xf32, #tpu.memory_space<vmem>>[vector<16xi32>], vector<16xf32>,
    %add3A_405 = arith.constant 992 : i32
    %add3A_406 = vector.broadcast %add3A_405 : i32 to vector<16xi32>
    %add3A_407 = arith.addi %add3A, %add3A_406 : vector<16xi32>
    %gather3A_408 = tpu.vector_load_idx %arg6[%add3A_407] : memref<8192xf32, #tpu.memory_space<vmem>>[vector<16xi32>], vector<16xf32>,
    %add3A_409 = arith.constant 1008 : i32
    %add3A_410 = vector.broadcast %add3A_409 : i32 to vector<16xi32>
    %add3A_411 = arith.addi %add3A, %add3A_410 : vector<16xi32>
    %gather3A_412 = tpu.vector_load_idx %arg6[%add3A_411] : memref<8192xf32, #tpu.memory_space<vmem>>[vector<16xi32>], vector<16xf32>,
    %swap3A_413 = arith.constant 960 : index
    %swap3A_414 = tpu.vector_load %arg8[%swap3A_413] {strides = array<i32>} : memref<4096xf32, #tpu.memory_space<vmem>>, vector<16xf32>,
    tpu.vector_store %arg8[%swap3A_413], %gather3A_400 {strides = array<i32>} : memref<4096xf32, #tpu.memory_space<vmem>>, vector<16xf32>,
    %swap3A_415 = arith.constant 976 : index
    %swap3A_416 = tpu.vector_load %arg8[%swap3A_415] {strides = array<i32>} : memref<4096xf32, #tpu.memory_space<vmem>>, vector<16xf32>,
    tpu.vector_store %arg8[%swap3A_415], %gather3A_404 {strides = array<i32>} : memref<4096xf32, #tpu.memory_space<vmem>>, vector<16xf32>,
    %swap3A_417 = arith.constant 992 : index
    %swap3A_418 = tpu.vector_load %arg8[%swap3A_417] {strides = array<i32>} : memref<4096xf32, #tpu.memory_space<vmem>>, vector<16xf32>,
    tpu.vector_store %arg8[%swap3A_417], %gather3A_408 {strides = array<i32>} : memref<4096xf32, #tpu.memory_space<vmem>>, vector<16xf32>,
    %swap3A_419 = arith.constant 1008 : index
    %swap3A_420 = tpu.vector_load %arg8[%swap3A_419] {strides = array<i32>} : memref<4096xf32, #tpu.memory_space<vmem>>, vector<16xf32>,
    tpu.vector_store %arg8[%swap3A_419], %gather3A_412 {strides = array<i32>} : memref<4096xf32, #tpu.memory_space<vmem>>, vector<16xf32>,
    %dma_start3A_421 = arith.constant 0 : i32
    %dma_start3A_422 = tpu.memref_slice %arg8[%dma_start3A_421] : memref<4096xf32, #tpu.memory_space<vmem>> -> memref<1024xf32, #tpu.memory_space<vmem>>
    %dma_start3A_423 = arith.constant 0 : i32
    %dma_start3A_424 = tpu.memref_slice %arg5[%arg1, %dma_start3A_423] : memref<16x4096xf32, #tpu.memory_space<hbm>> -> memref<1x1024xf32, #tpu.memory_space<hbm>>
    %dma_start3A_425 = tpu.memref_squeeze %dma_start3A_424 : memref<1x1024xf32, #tpu.memory_space<hbm>> -> memref<1024xf32, #tpu.memory_space<hbm>>
    %dma_start3A_426 = arith.constant 0 : i32
    %dma_start3A_427 = tpu.memref_slice %arg5[%arg1, %dma_start3A_426] : memref<16x4096xf32, #tpu.memory_space<hbm>> -> memref<1x1024xf32, #tpu.memory_space<hbm>>
    %dma_start3A_428 = tpu.memref_squeeze %dma_start3A_427 : memref<1x1024xf32, #tpu.memory_space<hbm>> -> memref<1024xf32, #tpu.memory_space<hbm>>
    %dma_start3A_429 = arith.constant 0 : i32
    %dma_start3A_430 = tpu.memref_slice %arg8[%dma_start3A_429] : memref<4096xf32, #tpu.memory_space<vmem>> -> memref<1024xf32, #tpu.memory_space<vmem>>
    tpu.enqueue_dma source(%dma_start3A_430 : memref<1024xf32, #tpu.memory_space<vmem>>) target(%dma_start3A_428 : memref<1024xf32, #tpu.memory_space<hbm>>) target_semaphore(%arg11 : memref<!tpu.dma_semaphore, #tpu.memory_space<semaphore_mem>>)
    %add3A_431 = arith.constant 1024 : i32
    %add3A_432 = vector.broadcast %add3A_431 : i32 to vector<16xi32>
    %add3A_433 = arith.addi %add3A, %add3A_432 : vector<16xi32>
    %gather3A_434 = tpu.vector_load_idx %arg6[%add3A_433] : memref<8192xf32, #tpu.memory_space<vmem>>[vector<16xi32>], vector<16xf32>,
    %add3A_435 = arith.constant 1040 : i32
    %add3A_436 = vector.broadcast %add3A_435 : i32 to vector<16xi32>
    %add3A_437 = arith.addi %add3A, %add3A_436 : vector<16xi32>
    %gather3A_438 = tpu.vector_load_idx %arg6[%add3A_437] : memref<8192xf32, #tpu.memory_space<vmem>>[vector<16xi32>], vector<16xf32>,
    %add3A_439 = arith.constant 1056 : i32
    %add3A_440 = vector.broadcast %add3A_439 : i32 to vector<16xi32>
    %add3A_441 = arith.addi %add3A, %add3A_440 : vector<16xi32>
    %gather3A_442 = tpu.vector_load_idx %arg6[%add3A_441] : memref<8192xf32, #tpu.memory_space<vmem>>[vector<16xi32>], vector<16xf32>,
    %add3A_443 = arith.constant 1072 : i32
    %add3A_444 = vector.broadcast %add3A_443 : i32 to vector<16xi32>
    %add3A_445 = arith.addi %add3A, %add3A_444 : vector<16xi32>
    %gather3A_446 = tpu.vector_load_idx %arg6[%add3A_445] : memref<8192xf32, #tpu.memory_space<vmem>>[vector<16xi32>], vector<16xf32>,
    %swap3A_447 = arith.constant 1024 : index
    %swap3A_448 = tpu.vector_load %arg8[%swap3A_447] {strides = array<i32>} : memref<4096xf32, #tpu.memory_space<vmem>>, vector<16xf32>,
    tpu.vector_store %arg8[%swap3A_447], %gather3A_434 {strides = array<i32>} : memref<4096xf32, #tpu.memory_space<vmem>>, vector<16xf32>,
    %swap3A_449 = arith.constant 1040 : index
    %swap3A_450 = tpu.vector_load %arg8[%swap3A_449] {strides = array<i32>} : memref<4096xf32, #tpu.memory_space<vmem>>, vector<16xf32>,
    tpu.vector_store %arg8[%swap3A_449], %gather3A_438 {strides = array<i32>} : memref<4096xf32, #tpu.memory_space<vmem>>, vector<16xf32>,
    %swap3A_451 = arith.constant 1056 : index
    %swap3A_452 = tpu.vector_load %arg8[%swap3A_451] {strides = array<i32>} : memref<4096xf32, #tpu.memory_space<vmem>>, vector<16xf32>,
    tpu.vector_store %arg8[%swap3A_451], %gather3A_442 {strides = array<i32>} : memref<4096xf32, #tpu.memory_space<vmem>>, vector<16xf32>,
    %swap3A_453 = arith.constant 1072 : index
    %swap3A_454 = tpu.vector_load %arg8[%swap3A_453] {strides = array<i32>} : memref<4096xf32, #tpu.memory_space<vmem>>, vector<16xf32>,
    tpu.vector_store %arg8[%swap3A_453], %gather3A_446 {strides = array<i32>} : memref<4096xf32, #tpu.memory_space<vmem>>, vector<16xf32>,
    %add3A_455 = arith.constant 1088 : i32
    %add3A_456 = vector.broadcast %add3A_455 : i32 to vector<16xi32>
    %add3A_457 = arith.addi %add3A, %add3A_456 : vector<16xi32>
    %gather3A_458 = tpu.vector_load_idx %arg6[%add3A_457] : memref<8192xf32, #tpu.memory_space<vmem>>[vector<16xi32>], vector<16xf32>,
    %add3A_459 = arith.constant 1104 : i32
    %add3A_460 = vector.broadcast %add3A_459 : i32 to vector<16xi32>
    %add3A_461 = arith.addi %add3A, %add3A_460 : vector<16xi32>
    %gather3A_462 = tpu.vector_load_idx %arg6[%add3A_461] : memref<8192xf32, #tpu.memory_space<vmem>>[vector<16xi32>], vector<16xf32>,
    %add3A_463 = arith.constant 1120 : i32
    %add3A_464 = vector.broadcast %add3A_463 : i32 to vector<16xi32>
    %add3A_465 = arith.addi %add3A, %add3A_464 : vector<16xi32>
    %gather3A_466 = tpu.vector_load_idx %arg6[%add3A_465] : memref<8192xf32, #tpu.memory_space<vmem>>[vector<16xi32>], vector<16xf32>,
    %add3A_467 = arith.constant 1136 : i32
    %add3A_468 = vector.broadcast %add3A_467 : i32 to vector<16xi32>
    %add3A_469 = arith.addi %add3A, %add3A_468 : vector<16xi32>
    %gather3A_470 = tpu.vector_load_idx %arg6[%add3A_469] : memref<8192xf32, #tpu.memory_space<vmem>>[vector<16xi32>], vector<16xf32>,
    %swap3A_471 = arith.constant 1088 : index
    %swap3A_472 = tpu.vector_load %arg8[%swap3A_471] {strides = array<i32>} : memref<4096xf32, #tpu.memory_space<vmem>>, vector<16xf32>,
    tpu.vector_store %arg8[%swap3A_471], %gather3A_458 {strides = array<i32>} : memref<4096xf32, #tpu.memory_space<vmem>>, vector<16xf32>,
    %swap3A_473 = arith.constant 1104 : index
    %swap3A_474 = tpu.vector_load %arg8[%swap3A_473] {strides = array<i32>} : memref<4096xf32, #tpu.memory_space<vmem>>, vector<16xf32>,
    tpu.vector_store %arg8[%swap3A_473], %gather3A_462 {strides = array<i32>} : memref<4096xf32, #tpu.memory_space<vmem>>, vector<16xf32>,
    %swap3A_475 = arith.constant 1120 : index
    %swap3A_476 = tpu.vector_load %arg8[%swap3A_475] {strides = array<i32>} : memref<4096xf32, #tpu.memory_space<vmem>>, vector<16xf32>,
    tpu.vector_store %arg8[%swap3A_475], %gather3A_466 {strides = array<i32>} : memref<4096xf32, #tpu.memory_space<vmem>>, vector<16xf32>,
    %swap3A_477 = arith.constant 1136 : index
    %swap3A_478 = tpu.vector_load %arg8[%swap3A_477] {strides = array<i32>} : memref<4096xf32, #tpu.memory_space<vmem>>, vector<16xf32>,
    tpu.vector_store %arg8[%swap3A_477], %gather3A_470 {strides = array<i32>} : memref<4096xf32, #tpu.memory_space<vmem>>, vector<16xf32>,
    %add3A_479 = arith.constant 1152 : i32
    %add3A_480 = vector.broadcast %add3A_479 : i32 to vector<16xi32>
    %add3A_481 = arith.addi %add3A, %add3A_480 : vector<16xi32>
    %gather3A_482 = tpu.vector_load_idx %arg6[%add3A_481] : memref<8192xf32, #tpu.memory_space<vmem>>[vector<16xi32>], vector<16xf32>,
    %add3A_483 = arith.constant 1168 : i32
    %add3A_484 = vector.broadcast %add3A_483 : i32 to vector<16xi32>
    %add3A_485 = arith.addi %add3A, %add3A_484 : vector<16xi32>
    %gather3A_486 = tpu.vector_load_idx %arg6[%add3A_485] : memref<8192xf32, #tpu.memory_space<vmem>>[vector<16xi32>], vector<16xf32>,
    %add3A_487 = arith.constant 1184 : i32
    %add3A_488 = vector.broadcast %add3A_487 : i32 to vector<16xi32>
    %add3A_489 = arith.addi %add3A, %add3A_488 : vector<16xi32>
    %gather3A_490 = tpu.vector_load_idx %arg6[%add3A_489] : memref<8192xf32, #tpu.memory_space<vmem>>[vector<16xi32>], vector<16xf32>,
    %add3A_491 = arith.constant 1200 : i32
    %add3A_492 = vector.broadcast %add3A_491 : i32 to vector<16xi32>
    %add3A_493 = arith.addi %add3A, %add3A_492 : vector<16xi32>
    %gather3A_494 = tpu.vector_load_idx %arg6[%add3A_493] : memref<8192xf32, #tpu.memory_space<vmem>>[vector<16xi32>], vector<16xf32>,
    %swap3A_495 = arith.constant 1152 : index
    %swap3A_496 = tpu.vector_load %arg8[%swap3A_495] {strides = array<i32>} : memref<4096xf32, #tpu.memory_space<vmem>>, vector<16xf32>,
    tpu.vector_store %arg8[%swap3A_495], %gather3A_482 {strides = array<i32>} : memref<4096xf32, #tpu.memory_space<vmem>>, vector<16xf32>,
    %swap3A_497 = arith.constant 1168 : index
    %swap3A_498 = tpu.vector_load %arg8[%swap3A_497] {strides = array<i32>} : memref<4096xf32, #tpu.memory_space<vmem>>, vector<16xf32>,
    tpu.vector_store %arg8[%swap3A_497], %gather3A_486 {strides = array<i32>} : memref<4096xf32, #tpu.memory_space<vmem>>, vector<16xf32>,
    %swap3A_499 = arith.constant 1184 : index
    %swap3A_500 = tpu.vector_load %arg8[%swap3A_499] {strides = array<i32>} : memref<4096xf32, #tpu.memory_space<vmem>>, vector<16xf32>,
    tpu.vector_store %arg8[%swap3A_499], %gather3A_490 {strides = array<i32>} : memref<4096xf32, #tpu.memory_space<vmem>>, vector<16xf32>,
    %swap3A_501 = arith.constant 1200 : index
    %swap3A_502 = tpu.vector_load %arg8[%swap3A_501] {strides = array<i32>} : memref<4096xf32, #tpu.memory_space<vmem>>, vector<16xf32>,
    tpu.vector_store %arg8[%swap3A_501], %gather3A_494 {strides = array<i32>} : memref<4096xf32, #tpu.memory_space<vmem>>, vector<16xf32>,
    %add3A_503 = arith.constant 1216 : i32
    %add3A_504 = vector.broadcast %add3A_503 : i32 to vector<16xi32>
    %add3A_505 = arith.addi %add3A, %add3A_504 : vector<16xi32>
    %gather3A_506 = tpu.vector_load_idx %arg6[%add3A_505] : memref<8192xf32, #tpu.memory_space<vmem>>[vector<16xi32>], vector<16xf32>,
    %add3A_507 = arith.constant 1232 : i32
    %add3A_508 = vector.broadcast %add3A_507 : i32 to vector<16xi32>
    %add3A_509 = arith.addi %add3A, %add3A_508 : vector<16xi32>
    %gather3A_510 = tpu.vector_load_idx %arg6[%add3A_509] : memref<8192xf32, #tpu.memory_space<vmem>>[vector<16xi32>], vector<16xf32>,
    %add3A_511 = arith.constant 1248 : i32
    %add3A_512 = vector.broadcast %add3A_511 : i32 to vector<16xi32>
    %add3A_513 = arith.addi %add3A, %add3A_512 : vector<16xi32>
    %gather3A_514 = tpu.vector_load_idx %arg6[%add3A_513] : memref<8192xf32, #tpu.memory_space<vmem>>[vector<16xi32>], vector<16xf32>,
    %add3A_515 = arith.constant 1264 : i32
    %add3A_516 = vector.broadcast %add3A_515 : i32 to vector<16xi32>
    %add3A_517 = arith.addi %add3A, %add3A_516 : vector<16xi32>
    %gather3A_518 = tpu.vector_load_idx %arg6[%add3A_517] : memref<8192xf32, #tpu.memory_space<vmem>>[vector<16xi32>], vector<16xf32>,
    %swap3A_519 = arith.constant 1216 : index
    %swap3A_520 = tpu.vector_load %arg8[%swap3A_519] {strides = array<i32>} : memref<4096xf32, #tpu.memory_space<vmem>>, vector<16xf32>,
    tpu.vector_store %arg8[%swap3A_519], %gather3A_506 {strides = array<i32>} : memref<4096xf32, #tpu.memory_space<vmem>>, vector<16xf32>,
    %swap3A_521 = arith.constant 1232 : index
    %swap3A_522 = tpu.vector_load %arg8[%swap3A_521] {strides = array<i32>} : memref<4096xf32, #tpu.memory_space<vmem>>, vector<16xf32>,
    tpu.vector_store %arg8[%swap3A_521], %gather3A_510 {strides = array<i32>} : memref<4096xf32, #tpu.memory_space<vmem>>, vector<16xf32>,
    %swap3A_523 = arith.constant 1248 : index
    %swap3A_524 = tpu.vector_load %arg8[%swap3A_523] {strides = array<i32>} : memref<4096xf32, #tpu.memory_space<vmem>>, vector<16xf32>,
    tpu.vector_store %arg8[%swap3A_523], %gather3A_514 {strides = array<i32>} : memref<4096xf32, #tpu.memory_space<vmem>>, vector<16xf32>,
    %swap3A_525 = arith.constant 1264 : index
    %swap3A_526 = tpu.vector_load %arg8[%swap3A_525] {strides = array<i32>} : memref<4096xf32, #tpu.memory_space<vmem>>, vector<16xf32>,
    tpu.vector_store %arg8[%swap3A_525], %gather3A_518 {strides = array<i32>} : memref<4096xf32, #tpu.memory_space<vmem>>, vector<16xf32>,
    %add3A_527 = arith.constant 1280 : i32
    %add3A_528 = vector.broadcast %add3A_527 : i32 to vector<16xi32>
    %add3A_529 = arith.addi %add3A, %add3A_528 : vector<16xi32>
    %gather3A_530 = tpu.vector_load_idx %arg6[%add3A_529] : memref<8192xf32, #tpu.memory_space<vmem>>[vector<16xi32>], vector<16xf32>,
    %add3A_531 = arith.constant 1296 : i32
    %add3A_532 = vector.broadcast %add3A_531 : i32 to vector<16xi32>
    %add3A_533 = arith.addi %add3A, %add3A_532 : vector<16xi32>
    %gather3A_534 = tpu.vector_load_idx %arg6[%add3A_533] : memref<8192xf32, #tpu.memory_space<vmem>>[vector<16xi32>], vector<16xf32>,
    %add3A_535 = arith.constant 1312 : i32
    %add3A_536 = vector.broadcast %add3A_535 : i32 to vector<16xi32>
    %add3A_537 = arith.addi %add3A, %add3A_536 : vector<16xi32>
    %gather3A_538 = tpu.vector_load_idx %arg6[%add3A_537] : memref<8192xf32, #tpu.memory_space<vmem>>[vector<16xi32>], vector<16xf32>,
    %add3A_539 = arith.constant 1328 : i32
    %add3A_540 = vector.broadcast %add3A_539 : i32 to vector<16xi32>
    %add3A_541 = arith.addi %add3A, %add3A_540 : vector<16xi32>
    %gather3A_542 = tpu.vector_load_idx %arg6[%add3A_541] : memref<8192xf32, #tpu.memory_space<vmem>>[vector<16xi32>], vector<16xf32>,
    %swap3A_543 = arith.constant 1280 : index
    %swap3A_544 = tpu.vector_load %arg8[%swap3A_543] {strides = array<i32>} : memref<4096xf32, #tpu.memory_space<vmem>>, vector<16xf32>,
    tpu.vector_store %arg8[%swap3A_543], %gather3A_530 {strides = array<i32>} : memref<4096xf32, #tpu.memory_space<vmem>>, vector<16xf32>,
    %swap3A_545 = arith.constant 1296 : index
    %swap3A_546 = tpu.vector_load %arg8[%swap3A_545] {strides = array<i32>} : memref<4096xf32, #tpu.memory_space<vmem>>, vector<16xf32>,
    tpu.vector_store %arg8[%swap3A_545], %gather3A_534 {strides = array<i32>} : memref<4096xf32, #tpu.memory_space<vmem>>, vector<16xf32>,
    %swap3A_547 = arith.constant 1312 : index
    %swap3A_548 = tpu.vector_load %arg8[%swap3A_547] {strides = array<i32>} : memref<4096xf32, #tpu.memory_space<vmem>>, vector<16xf32>,
    tpu.vector_store %arg8[%swap3A_547], %gather3A_538 {strides = array<i32>} : memref<4096xf32, #tpu.memory_space<vmem>>, vector<16xf32>,
    %swap3A_549 = arith.constant 1328 : index
    %swap3A_550 = tpu.vector_load %arg8[%swap3A_549] {strides = array<i32>} : memref<4096xf32, #tpu.memory_space<vmem>>, vector<16xf32>,
    tpu.vector_store %arg8[%swap3A_549], %gather3A_542 {strides = array<i32>} : memref<4096xf32, #tpu.memory_space<vmem>>, vector<16xf32>,
    %add3A_551 = arith.constant 1344 : i32
    %add3A_552 = vector.broadcast %add3A_551 : i32 to vector<16xi32>
    %add3A_553 = arith.addi %add3A, %add3A_552 : vector<16xi32>
    %gather3A_554 = tpu.vector_load_idx %arg6[%add3A_553] : memref<8192xf32, #tpu.memory_space<vmem>>[vector<16xi32>], vector<16xf32>,
    %add3A_555 = arith.constant 1360 : i32
    %add3A_556 = vector.broadcast %add3A_555 : i32 to vector<16xi32>
    %add3A_557 = arith.addi %add3A, %add3A_556 : vector<16xi32>
    %gather3A_558 = tpu.vector_load_idx %arg6[%add3A_557] : memref<8192xf32, #tpu.memory_space<vmem>>[vector<16xi32>], vector<16xf32>,
    %add3A_559 = arith.constant 1376 : i32
    %add3A_560 = vector.broadcast %add3A_559 : i32 to vector<16xi32>
    %add3A_561 = arith.addi %add3A, %add3A_560 : vector<16xi32>
    %gather3A_562 = tpu.vector_load_idx %arg6[%add3A_561] : memref<8192xf32, #tpu.memory_space<vmem>>[vector<16xi32>], vector<16xf32>,
    %add3A_563 = arith.constant 1392 : i32
    %add3A_564 = vector.broadcast %add3A_563 : i32 to vector<16xi32>
    %add3A_565 = arith.addi %add3A, %add3A_564 : vector<16xi32>
    %gather3A_566 = tpu.vector_load_idx %arg6[%add3A_565] : memref<8192xf32, #tpu.memory_space<vmem>>[vector<16xi32>], vector<16xf32>,
    %swap3A_567 = arith.constant 1344 : index
    %swap3A_568 = tpu.vector_load %arg8[%swap3A_567] {strides = array<i32>} : memref<4096xf32, #tpu.memory_space<vmem>>, vector<16xf32>,
    tpu.vector_store %arg8[%swap3A_567], %gather3A_554 {strides = array<i32>} : memref<4096xf32, #tpu.memory_space<vmem>>, vector<16xf32>,
    %swap3A_569 = arith.constant 1360 : index
    %swap3A_570 = tpu.vector_load %arg8[%swap3A_569] {strides = array<i32>} : memref<4096xf32, #tpu.memory_space<vmem>>, vector<16xf32>,
    tpu.vector_store %arg8[%swap3A_569], %gather3A_558 {strides = array<i32>} : memref<4096xf32, #tpu.memory_space<vmem>>, vector<16xf32>,
    %swap3A_571 = arith.constant 1376 : index
    %swap3A_572 = tpu.vector_load %arg8[%swap3A_571] {strides = array<i32>} : memref<4096xf32, #tpu.memory_space<vmem>>, vector<16xf32>,
    tpu.vector_store %arg8[%swap3A_571], %gather3A_562 {strides = array<i32>} : memref<4096xf32, #tpu.memory_space<vmem>>, vector<16xf32>,
    %swap3A_573 = arith.constant 1392 : index
    %swap3A_574 = tpu.vector_load %arg8[%swap3A_573] {strides = array<i32>} : memref<4096xf32, #tpu.memory_space<vmem>>, vector<16xf32>,
    tpu.vector_store %arg8[%swap3A_573], %gather3A_566 {strides = array<i32>} : memref<4096xf32, #tpu.memory_space<vmem>>, vector<16xf32>,
    %add3A_575 = arith.constant 1408 : i32
    %add3A_576 = vector.broadcast %add3A_575 : i32 to vector<16xi32>
    %add3A_577 = arith.addi %add3A, %add3A_576 : vector<16xi32>
    %gather3A_578 = tpu.vector_load_idx %arg6[%add3A_577] : memref<8192xf32, #tpu.memory_space<vmem>>[vector<16xi32>], vector<16xf32>,
    %add3A_579 = arith.constant 1424 : i32
    %add3A_580 = vector.broadcast %add3A_579 : i32 to vector<16xi32>
    %add3A_581 = arith.addi %add3A, %add3A_580 : vector<16xi32>
    %gather3A_582 = tpu.vector_load_idx %arg6[%add3A_581] : memref<8192xf32, #tpu.memory_space<vmem>>[vector<16xi32>], vector<16xf32>,
    %add3A_583 = arith.constant 1440 : i32
    %add3A_584 = vector.broadcast %add3A_583 : i32 to vector<16xi32>
    %add3A_585 = arith.addi %add3A, %add3A_584 : vector<16xi32>
    %gather3A_586 = tpu.vector_load_idx %arg6[%add3A_585] : memref<8192xf32, #tpu.memory_space<vmem>>[vector<16xi32>], vector<16xf32>,
    %add3A_587 = arith.constant 1456 : i32
    %add3A_588 = vector.broadcast %add3A_587 : i32 to vector<16xi32>
    %add3A_589 = arith.addi %add3A, %add3A_588 : vector<16xi32>
    %gather3A_590 = tpu.vector_load_idx %arg6[%add3A_589] : memref<8192xf32, #tpu.memory_space<vmem>>[vector<16xi32>], vector<16xf32>,
    %swap3A_591 = arith.constant 1408 : index
    %swap3A_592 = tpu.vector_load %arg8[%swap3A_591] {strides = array<i32>} : memref<4096xf32, #tpu.memory_space<vmem>>, vector<16xf32>,
    tpu.vector_store %arg8[%swap3A_591], %gather3A_578 {strides = array<i32>} : memref<4096xf32, #tpu.memory_space<vmem>>, vector<16xf32>,
    %swap3A_593 = arith.constant 1424 : index
    %swap3A_594 = tpu.vector_load %arg8[%swap3A_593] {strides = array<i32>} : memref<4096xf32, #tpu.memory_space<vmem>>, vector<16xf32>,
    tpu.vector_store %arg8[%swap3A_593], %gather3A_582 {strides = array<i32>} : memref<4096xf32, #tpu.memory_space<vmem>>, vector<16xf32>,
    %swap3A_595 = arith.constant 1440 : index
    %swap3A_596 = tpu.vector_load %arg8[%swap3A_595] {strides = array<i32>} : memref<4096xf32, #tpu.memory_space<vmem>>, vector<16xf32>,
    tpu.vector_store %arg8[%swap3A_595], %gather3A_586 {strides = array<i32>} : memref<4096xf32, #tpu.memory_space<vmem>>, vector<16xf32>,
    %swap3A_597 = arith.constant 1456 : index
    %swap3A_598 = tpu.vector_load %arg8[%swap3A_597] {strides = array<i32>} : memref<4096xf32, #tpu.memory_space<vmem>>, vector<16xf32>,
    tpu.vector_store %arg8[%swap3A_597], %gather3A_590 {strides = array<i32>} : memref<4096xf32, #tpu.memory_space<vmem>>, vector<16xf32>,
    %add3A_599 = arith.constant 1472 : i32
    %add3A_600 = vector.broadcast %add3A_599 : i32 to vector<16xi32>
    %add3A_601 = arith.addi %add3A, %add3A_600 : vector<16xi32>
    %gather3A_602 = tpu.vector_load_idx %arg6[%add3A_601] : memref<8192xf32, #tpu.memory_space<vmem>>[vector<16xi32>], vector<16xf32>,
    %add3A_603 = arith.constant 1488 : i32
    %add3A_604 = vector.broadcast %add3A_603 : i32 to vector<16xi32>
    %add3A_605 = arith.addi %add3A, %add3A_604 : vector<16xi32>
    %gather3A_606 = tpu.vector_load_idx %arg6[%add3A_605] : memref<8192xf32, #tpu.memory_space<vmem>>[vector<16xi32>], vector<16xf32>,
    %add3A_607 = arith.constant 1504 : i32
    %add3A_608 = vector.broadcast %add3A_607 : i32 to vector<16xi32>
    %add3A_609 = arith.addi %add3A, %add3A_608 : vector<16xi32>
    %gather3A_610 = tpu.vector_load_idx %arg6[%add3A_609] : memref<8192xf32, #tpu.memory_space<vmem>>[vector<16xi32>], vector<16xf32>,
    %add3A_611 = arith.constant 1520 : i32
    %add3A_612 = vector.broadcast %add3A_611 : i32 to vector<16xi32>
    %add3A_613 = arith.addi %add3A, %add3A_612 : vector<16xi32>
    %gather3A_614 = tpu.vector_load_idx %arg6[%add3A_613] : memref<8192xf32, #tpu.memory_space<vmem>>[vector<16xi32>], vector<16xf32>,
    %swap3A_615 = arith.constant 1472 : index
    %swap3A_616 = tpu.vector_load %arg8[%swap3A_615] {strides = array<i32>} : memref<4096xf32, #tpu.memory_space<vmem>>, vector<16xf32>,
    tpu.vector_store %arg8[%swap3A_615], %gather3A_602 {strides = array<i32>} : memref<4096xf32, #tpu.memory_space<vmem>>, vector<16xf32>,
    %swap3A_617 = arith.constant 1488 : index
    %swap3A_618 = tpu.vector_load %arg8[%swap3A_617] {strides = array<i32>} : memref<4096xf32, #tpu.memory_space<vmem>>, vector<16xf32>,
    tpu.vector_store %arg8[%swap3A_617], %gather3A_606 {strides = array<i32>} : memref<4096xf32, #tpu.memory_space<vmem>>, vector<16xf32>,
    %swap3A_619 = arith.constant 1504 : index
    %swap3A_620 = tpu.vector_load %arg8[%swap3A_619] {strides = array<i32>} : memref<4096xf32, #tpu.memory_space<vmem>>, vector<16xf32>,
    tpu.vector_store %arg8[%swap3A_619], %gather3A_610 {strides = array<i32>} : memref<4096xf32, #tpu.memory_space<vmem>>, vector<16xf32>,
    %swap3A_621 = arith.constant 1520 : index
    %swap3A_622 = tpu.vector_load %arg8[%swap3A_621] {strides = array<i32>} : memref<4096xf32, #tpu.memory_space<vmem>>, vector<16xf32>,
    tpu.vector_store %arg8[%swap3A_621], %gather3A_614 {strides = array<i32>} : memref<4096xf32, #tpu.memory_space<vmem>>, vector<16xf32>,
    %add3A_623 = arith.constant 1536 : i32
    %add3A_624 = vector.broadcast %add3A_623 : i32 to vector<16xi32>
    %add3A_625 = arith.addi %add3A, %add3A_624 : vector<16xi32>
    %gather3A_626 = tpu.vector_load_idx %arg6[%add3A_625] : memref<8192xf32, #tpu.memory_space<vmem>>[vector<16xi32>], vector<16xf32>,
    %add3A_627 = arith.constant 1552 : i32
    %add3A_628 = vector.broadcast %add3A_627 : i32 to vector<16xi32>
    %add3A_629 = arith.addi %add3A, %add3A_628 : vector<16xi32>
    %gather3A_630 = tpu.vector_load_idx %arg6[%add3A_629] : memref<8192xf32, #tpu.memory_space<vmem>>[vector<16xi32>], vector<16xf32>,
    %add3A_631 = arith.constant 1568 : i32
    %add3A_632 = vector.broadcast %add3A_631 : i32 to vector<16xi32>
    %add3A_633 = arith.addi %add3A, %add3A_632 : vector<16xi32>
    %gather3A_634 = tpu.vector_load_idx %arg6[%add3A_633] : memref<8192xf32, #tpu.memory_space<vmem>>[vector<16xi32>], vector<16xf32>,
    %add3A_635 = arith.constant 1584 : i32
    %add3A_636 = vector.broadcast %add3A_635 : i32 to vector<16xi32>
    %add3A_637 = arith.addi %add3A, %add3A_636 : vector<16xi32>
    %gather3A_638 = tpu.vector_load_idx %arg6[%add3A_637] : memref<8192xf32, #tpu.memory_space<vmem>>[vector<16xi32>], vector<16xf32>,
    %swap3A_639 = arith.constant 1536 : index
    %swap3A_640 = tpu.vector_load %arg8[%swap3A_639] {strides = array<i32>} : memref<4096xf32, #tpu.memory_space<vmem>>, vector<16xf32>,
    tpu.vector_store %arg8[%swap3A_639], %gather3A_626 {strides = array<i32>} : memref<4096xf32, #tpu.memory_space<vmem>>, vector<16xf32>,
    %swap3A_641 = arith.constant 1552 : index
    %swap3A_642 = tpu.vector_load %arg8[%swap3A_641] {strides = array<i32>} : memref<4096xf32, #tpu.memory_space<vmem>>, vector<16xf32>,
    tpu.vector_store %arg8[%swap3A_641], %gather3A_630 {strides = array<i32>} : memref<4096xf32, #tpu.memory_space<vmem>>, vector<16xf32>,
    %swap3A_643 = arith.constant 1568 : index
    %swap3A_644 = tpu.vector_load %arg8[%swap3A_643] {strides = array<i32>} : memref<4096xf32, #tpu.memory_space<vmem>>, vector<16xf32>,
    tpu.vector_store %arg8[%swap3A_643], %gather3A_634 {strides = array<i32>} : memref<4096xf32, #tpu.memory_space<vmem>>, vector<16xf32>,
    %swap3A_645 = arith.constant 1584 : index
    %swap3A_646 = tpu.vector_load %arg8[%swap3A_645] {strides = array<i32>} : memref<4096xf32, #tpu.memory_space<vmem>>, vector<16xf32>,
    tpu.vector_store %arg8[%swap3A_645], %gather3A_638 {strides = array<i32>} : memref<4096xf32, #tpu.memory_space<vmem>>, vector<16xf32>,
    %add3A_647 = arith.constant 1600 : i32
    %add3A_648 = vector.broadcast %add3A_647 : i32 to vector<16xi32>
    %add3A_649 = arith.addi %add3A, %add3A_648 : vector<16xi32>
    %gather3A_650 = tpu.vector_load_idx %arg6[%add3A_649] : memref<8192xf32, #tpu.memory_space<vmem>>[vector<16xi32>], vector<16xf32>,
    %add3A_651 = arith.constant 1616 : i32
    %add3A_652 = vector.broadcast %add3A_651 : i32 to vector<16xi32>
    %add3A_653 = arith.addi %add3A, %add3A_652 : vector<16xi32>
    %gather3A_654 = tpu.vector_load_idx %arg6[%add3A_653] : memref<8192xf32, #tpu.memory_space<vmem>>[vector<16xi32>], vector<16xf32>,
    %add3A_655 = arith.constant 1632 : i32
    %add3A_656 = vector.broadcast %add3A_655 : i32 to vector<16xi32>
    %add3A_657 = arith.addi %add3A, %add3A_656 : vector<16xi32>
    %gather3A_658 = tpu.vector_load_idx %arg6[%add3A_657] : memref<8192xf32, #tpu.memory_space<vmem>>[vector<16xi32>], vector<16xf32>,
    %add3A_659 = arith.constant 1648 : i32
    %add3A_660 = vector.broadcast %add3A_659 : i32 to vector<16xi32>
    %add3A_661 = arith.addi %add3A, %add3A_660 : vector<16xi32>
    %gather3A_662 = tpu.vector_load_idx %arg6[%add3A_661] : memref<8192xf32, #tpu.memory_space<vmem>>[vector<16xi32>], vector<16xf32>,
    %swap3A_663 = arith.constant 1600 : index
    %swap3A_664 = tpu.vector_load %arg8[%swap3A_663] {strides = array<i32>} : memref<4096xf32, #tpu.memory_space<vmem>>, vector<16xf32>,
    tpu.vector_store %arg8[%swap3A_663], %gather3A_650 {strides = array<i32>} : memref<4096xf32, #tpu.memory_space<vmem>>, vector<16xf32>,
    %swap3A_665 = arith.constant 1616 : index
    %swap3A_666 = tpu.vector_load %arg8[%swap3A_665] {strides = array<i32>} : memref<4096xf32, #tpu.memory_space<vmem>>, vector<16xf32>,
    tpu.vector_store %arg8[%swap3A_665], %gather3A_654 {strides = array<i32>} : memref<4096xf32, #tpu.memory_space<vmem>>, vector<16xf32>,
    %swap3A_667 = arith.constant 1632 : index
    %swap3A_668 = tpu.vector_load %arg8[%swap3A_667] {strides = array<i32>} : memref<4096xf32, #tpu.memory_space<vmem>>, vector<16xf32>,
    tpu.vector_store %arg8[%swap3A_667], %gather3A_658 {strides = array<i32>} : memref<4096xf32, #tpu.memory_space<vmem>>, vector<16xf32>,
    %swap3A_669 = arith.constant 1648 : index
    %swap3A_670 = tpu.vector_load %arg8[%swap3A_669] {strides = array<i32>} : memref<4096xf32, #tpu.memory_space<vmem>>, vector<16xf32>,
    tpu.vector_store %arg8[%swap3A_669], %gather3A_662 {strides = array<i32>} : memref<4096xf32, #tpu.memory_space<vmem>>, vector<16xf32>,
    %add3A_671 = arith.constant 1664 : i32
    %add3A_672 = vector.broadcast %add3A_671 : i32 to vector<16xi32>
    %add3A_673 = arith.addi %add3A, %add3A_672 : vector<16xi32>
    %gather3A_674 = tpu.vector_load_idx %arg6[%add3A_673] : memref<8192xf32, #tpu.memory_space<vmem>>[vector<16xi32>], vector<16xf32>,
    %add3A_675 = arith.constant 1680 : i32
    %add3A_676 = vector.broadcast %add3A_675 : i32 to vector<16xi32>
    %add3A_677 = arith.addi %add3A, %add3A_676 : vector<16xi32>
    %gather3A_678 = tpu.vector_load_idx %arg6[%add3A_677] : memref<8192xf32, #tpu.memory_space<vmem>>[vector<16xi32>], vector<16xf32>,
    %add3A_679 = arith.constant 1696 : i32
    %add3A_680 = vector.broadcast %add3A_679 : i32 to vector<16xi32>
    %add3A_681 = arith.addi %add3A, %add3A_680 : vector<16xi32>
    %gather3A_682 = tpu.vector_load_idx %arg6[%add3A_681] : memref<8192xf32, #tpu.memory_space<vmem>>[vector<16xi32>], vector<16xf32>,
    %add3A_683 = arith.constant 1712 : i32
    %add3A_684 = vector.broadcast %add3A_683 : i32 to vector<16xi32>
    %add3A_685 = arith.addi %add3A, %add3A_684 : vector<16xi32>
    %gather3A_686 = tpu.vector_load_idx %arg6[%add3A_685] : memref<8192xf32, #tpu.memory_space<vmem>>[vector<16xi32>], vector<16xf32>,
    %swap3A_687 = arith.constant 1664 : index
    %swap3A_688 = tpu.vector_load %arg8[%swap3A_687] {strides = array<i32>} : memref<4096xf32, #tpu.memory_space<vmem>>, vector<16xf32>,
    tpu.vector_store %arg8[%swap3A_687], %gather3A_674 {strides = array<i32>} : memref<4096xf32, #tpu.memory_space<vmem>>, vector<16xf32>,
    %swap3A_689 = arith.constant 1680 : index
    %swap3A_690 = tpu.vector_load %arg8[%swap3A_689] {strides = array<i32>} : memref<4096xf32, #tpu.memory_space<vmem>>, vector<16xf32>,
    tpu.vector_store %arg8[%swap3A_689], %gather3A_678 {strides = array<i32>} : memref<4096xf32, #tpu.memory_space<vmem>>, vector<16xf32>,
    %swap3A_691 = arith.constant 1696 : index
    %swap3A_692 = tpu.vector_load %arg8[%swap3A_691] {strides = array<i32>} : memref<4096xf32, #tpu.memory_space<vmem>>, vector<16xf32>,
    tpu.vector_store %arg8[%swap3A_691], %gather3A_682 {strides = array<i32>} : memref<4096xf32, #tpu.memory_space<vmem>>, vector<16xf32>,
    %swap3A_693 = arith.constant 1712 : index
    %swap3A_694 = tpu.vector_load %arg8[%swap3A_693] {strides = array<i32>} : memref<4096xf32, #tpu.memory_space<vmem>>, vector<16xf32>,
    tpu.vector_store %arg8[%swap3A_693], %gather3A_686 {strides = array<i32>} : memref<4096xf32, #tpu.memory_space<vmem>>, vector<16xf32>,
    %add3A_695 = arith.constant 1728 : i32
    %add3A_696 = vector.broadcast %add3A_695 : i32 to vector<16xi32>
    %add3A_697 = arith.addi %add3A, %add3A_696 : vector<16xi32>
    %gather3A_698 = tpu.vector_load_idx %arg6[%add3A_697] : memref<8192xf32, #tpu.memory_space<vmem>>[vector<16xi32>], vector<16xf32>,
    %add3A_699 = arith.constant 1744 : i32
    %add3A_700 = vector.broadcast %add3A_699 : i32 to vector<16xi32>
    %add3A_701 = arith.addi %add3A, %add3A_700 : vector<16xi32>
    %gather3A_702 = tpu.vector_load_idx %arg6[%add3A_701] : memref<8192xf32, #tpu.memory_space<vmem>>[vector<16xi32>], vector<16xf32>,
    %add3A_703 = arith.constant 1760 : i32
    %add3A_704 = vector.broadcast %add3A_703 : i32 to vector<16xi32>
    %add3A_705 = arith.addi %add3A, %add3A_704 : vector<16xi32>
    %gather3A_706 = tpu.vector_load_idx %arg6[%add3A_705] : memref<8192xf32, #tpu.memory_space<vmem>>[vector<16xi32>], vector<16xf32>,
    %add3A_707 = arith.constant 1776 : i32
    %add3A_708 = vector.broadcast %add3A_707 : i32 to vector<16xi32>
    %add3A_709 = arith.addi %add3A, %add3A_708 : vector<16xi32>
    %gather3A_710 = tpu.vector_load_idx %arg6[%add3A_709] : memref<8192xf32, #tpu.memory_space<vmem>>[vector<16xi32>], vector<16xf32>,
    %swap3A_711 = arith.constant 1728 : index
    %swap3A_712 = tpu.vector_load %arg8[%swap3A_711] {strides = array<i32>} : memref<4096xf32, #tpu.memory_space<vmem>>, vector<16xf32>,
    tpu.vector_store %arg8[%swap3A_711], %gather3A_698 {strides = array<i32>} : memref<4096xf32, #tpu.memory_space<vmem>>, vector<16xf32>,
    %swap3A_713 = arith.constant 1744 : index
    %swap3A_714 = tpu.vector_load %arg8[%swap3A_713] {strides = array<i32>} : memref<4096xf32, #tpu.memory_space<vmem>>, vector<16xf32>,
    tpu.vector_store %arg8[%swap3A_713], %gather3A_702 {strides = array<i32>} : memref<4096xf32, #tpu.memory_space<vmem>>, vector<16xf32>,
    %swap3A_715 = arith.constant 1760 : index
    %swap3A_716 = tpu.vector_load %arg8[%swap3A_715] {strides = array<i32>} : memref<4096xf32, #tpu.memory_space<vmem>>, vector<16xf32>,
    tpu.vector_store %arg8[%swap3A_715], %gather3A_706 {strides = array<i32>} : memref<4096xf32, #tpu.memory_space<vmem>>, vector<16xf32>,
    %swap3A_717 = arith.constant 1776 : index
    %swap3A_718 = tpu.vector_load %arg8[%swap3A_717] {strides = array<i32>} : memref<4096xf32, #tpu.memory_space<vmem>>, vector<16xf32>,
    tpu.vector_store %arg8[%swap3A_717], %gather3A_710 {strides = array<i32>} : memref<4096xf32, #tpu.memory_space<vmem>>, vector<16xf32>,
    %add3A_719 = arith.constant 1792 : i32
    %add3A_720 = vector.broadcast %add3A_719 : i32 to vector<16xi32>
    %add3A_721 = arith.addi %add3A, %add3A_720 : vector<16xi32>
    %gather3A_722 = tpu.vector_load_idx %arg6[%add3A_721] : memref<8192xf32, #tpu.memory_space<vmem>>[vector<16xi32>], vector<16xf32>,
    %add3A_723 = arith.constant 1808 : i32
    %add3A_724 = vector.broadcast %add3A_723 : i32 to vector<16xi32>
    %add3A_725 = arith.addi %add3A, %add3A_724 : vector<16xi32>
    %gather3A_726 = tpu.vector_load_idx %arg6[%add3A_725] : memref<8192xf32, #tpu.memory_space<vmem>>[vector<16xi32>], vector<16xf32>,
    %add3A_727 = arith.constant 1824 : i32
    %add3A_728 = vector.broadcast %add3A_727 : i32 to vector<16xi32>
    %add3A_729 = arith.addi %add3A, %add3A_728 : vector<16xi32>
    %gather3A_730 = tpu.vector_load_idx %arg6[%add3A_729] : memref<8192xf32, #tpu.memory_space<vmem>>[vector<16xi32>], vector<16xf32>,
    %add3A_731 = arith.constant 1840 : i32
    %add3A_732 = vector.broadcast %add3A_731 : i32 to vector<16xi32>
    %add3A_733 = arith.addi %add3A, %add3A_732 : vector<16xi32>
    %gather3A_734 = tpu.vector_load_idx %arg6[%add3A_733] : memref<8192xf32, #tpu.memory_space<vmem>>[vector<16xi32>], vector<16xf32>,
    %swap3A_735 = arith.constant 1792 : index
    %swap3A_736 = tpu.vector_load %arg8[%swap3A_735] {strides = array<i32>} : memref<4096xf32, #tpu.memory_space<vmem>>, vector<16xf32>,
    tpu.vector_store %arg8[%swap3A_735], %gather3A_722 {strides = array<i32>} : memref<4096xf32, #tpu.memory_space<vmem>>, vector<16xf32>,
    %swap3A_737 = arith.constant 1808 : index
    %swap3A_738 = tpu.vector_load %arg8[%swap3A_737] {strides = array<i32>} : memref<4096xf32, #tpu.memory_space<vmem>>, vector<16xf32>,
    tpu.vector_store %arg8[%swap3A_737], %gather3A_726 {strides = array<i32>} : memref<4096xf32, #tpu.memory_space<vmem>>, vector<16xf32>,
    %swap3A_739 = arith.constant 1824 : index
    %swap3A_740 = tpu.vector_load %arg8[%swap3A_739] {strides = array<i32>} : memref<4096xf32, #tpu.memory_space<vmem>>, vector<16xf32>,
    tpu.vector_store %arg8[%swap3A_739], %gather3A_730 {strides = array<i32>} : memref<4096xf32, #tpu.memory_space<vmem>>, vector<16xf32>,
    %swap3A_741 = arith.constant 1840 : index
    %swap3A_742 = tpu.vector_load %arg8[%swap3A_741] {strides = array<i32>} : memref<4096xf32, #tpu.memory_space<vmem>>, vector<16xf32>,
    tpu.vector_store %arg8[%swap3A_741], %gather3A_734 {strides = array<i32>} : memref<4096xf32, #tpu.memory_space<vmem>>, vector<16xf32>,
    %add3A_743 = arith.constant 1856 : i32
    %add3A_744 = vector.broadcast %add3A_743 : i32 to vector<16xi32>
    %add3A_745 = arith.addi %add3A, %add3A_744 : vector<16xi32>
    %gather3A_746 = tpu.vector_load_idx %arg6[%add3A_745] : memref<8192xf32, #tpu.memory_space<vmem>>[vector<16xi32>], vector<16xf32>,
    %add3A_747 = arith.constant 1872 : i32
    %add3A_748 = vector.broadcast %add3A_747 : i32 to vector<16xi32>
    %add3A_749 = arith.addi %add3A, %add3A_748 : vector<16xi32>
    %gather3A_750 = tpu.vector_load_idx %arg6[%add3A_749] : memref<8192xf32, #tpu.memory_space<vmem>>[vector<16xi32>], vector<16xf32>,
    %add3A_751 = arith.constant 1888 : i32
    %add3A_752 = vector.broadcast %add3A_751 : i32 to vector<16xi32>
    %add3A_753 = arith.addi %add3A, %add3A_752 : vector<16xi32>
    %gather3A_754 = tpu.vector_load_idx %arg6[%add3A_753] : memref<8192xf32, #tpu.memory_space<vmem>>[vector<16xi32>], vector<16xf32>,
    %add3A_755 = arith.constant 1904 : i32
    %add3A_756 = vector.broadcast %add3A_755 : i32 to vector<16xi32>
    %add3A_757 = arith.addi %add3A, %add3A_756 : vector<16xi32>
    %gather3A_758 = tpu.vector_load_idx %arg6[%add3A_757] : memref<8192xf32, #tpu.memory_space<vmem>>[vector<16xi32>], vector<16xf32>,
    %swap3A_759 = arith.constant 1856 : index
    %swap3A_760 = tpu.vector_load %arg8[%swap3A_759] {strides = array<i32>} : memref<4096xf32, #tpu.memory_space<vmem>>, vector<16xf32>,
    tpu.vector_store %arg8[%swap3A_759], %gather3A_746 {strides = array<i32>} : memref<4096xf32, #tpu.memory_space<vmem>>, vector<16xf32>,
    %swap3A_761 = arith.constant 1872 : index
    %swap3A_762 = tpu.vector_load %arg8[%swap3A_761] {strides = array<i32>} : memref<4096xf32, #tpu.memory_space<vmem>>, vector<16xf32>,
    tpu.vector_store %arg8[%swap3A_761], %gather3A_750 {strides = array<i32>} : memref<4096xf32, #tpu.memory_space<vmem>>, vector<16xf32>,
    %swap3A_763 = arith.constant 1888 : index
    %swap3A_764 = tpu.vector_load %arg8[%swap3A_763] {strides = array<i32>} : memref<4096xf32, #tpu.memory_space<vmem>>, vector<16xf32>,
    tpu.vector_store %arg8[%swap3A_763], %gather3A_754 {strides = array<i32>} : memref<4096xf32, #tpu.memory_space<vmem>>, vector<16xf32>,
    %swap3A_765 = arith.constant 1904 : index
    %swap3A_766 = tpu.vector_load %arg8[%swap3A_765] {strides = array<i32>} : memref<4096xf32, #tpu.memory_space<vmem>>, vector<16xf32>,
    tpu.vector_store %arg8[%swap3A_765], %gather3A_758 {strides = array<i32>} : memref<4096xf32, #tpu.memory_space<vmem>>, vector<16xf32>,
    %add3A_767 = arith.constant 1920 : i32
    %add3A_768 = vector.broadcast %add3A_767 : i32 to vector<16xi32>
    %add3A_769 = arith.addi %add3A, %add3A_768 : vector<16xi32>
    %gather3A_770 = tpu.vector_load_idx %arg6[%add3A_769] : memref<8192xf32, #tpu.memory_space<vmem>>[vector<16xi32>], vector<16xf32>,
    %add3A_771 = arith.constant 1936 : i32
    %add3A_772 = vector.broadcast %add3A_771 : i32 to vector<16xi32>
    %add3A_773 = arith.addi %add3A, %add3A_772 : vector<16xi32>
    %gather3A_774 = tpu.vector_load_idx %arg6[%add3A_773] : memref<8192xf32, #tpu.memory_space<vmem>>[vector<16xi32>], vector<16xf32>,
    %add3A_775 = arith.constant 1952 : i32
    %add3A_776 = vector.broadcast %add3A_775 : i32 to vector<16xi32>
    %add3A_777 = arith.addi %add3A, %add3A_776 : vector<16xi32>
    %gather3A_778 = tpu.vector_load_idx %arg6[%add3A_777] : memref<8192xf32, #tpu.memory_space<vmem>>[vector<16xi32>], vector<16xf32>,
    %add3A_779 = arith.constant 1968 : i32
    %add3A_780 = vector.broadcast %add3A_779 : i32 to vector<16xi32>
    %add3A_781 = arith.addi %add3A, %add3A_780 : vector<16xi32>
    %gather3A_782 = tpu.vector_load_idx %arg6[%add3A_781] : memref<8192xf32, #tpu.memory_space<vmem>>[vector<16xi32>], vector<16xf32>,
    %swap3A_783 = arith.constant 1920 : index
    %swap3A_784 = tpu.vector_load %arg8[%swap3A_783] {strides = array<i32>} : memref<4096xf32, #tpu.memory_space<vmem>>, vector<16xf32>,
    tpu.vector_store %arg8[%swap3A_783], %gather3A_770 {strides = array<i32>} : memref<4096xf32, #tpu.memory_space<vmem>>, vector<16xf32>,
    %swap3A_785 = arith.constant 1936 : index
    %swap3A_786 = tpu.vector_load %arg8[%swap3A_785] {strides = array<i32>} : memref<4096xf32, #tpu.memory_space<vmem>>, vector<16xf32>,
    tpu.vector_store %arg8[%swap3A_785], %gather3A_774 {strides = array<i32>} : memref<4096xf32, #tpu.memory_space<vmem>>, vector<16xf32>,
    %swap3A_787 = arith.constant 1952 : index
    %swap3A_788 = tpu.vector_load %arg8[%swap3A_787] {strides = array<i32>} : memref<4096xf32, #tpu.memory_space<vmem>>, vector<16xf32>,
    tpu.vector_store %arg8[%swap3A_787], %gather3A_778 {strides = array<i32>} : memref<4096xf32, #tpu.memory_space<vmem>>, vector<16xf32>,
    %swap3A_789 = arith.constant 1968 : index
    %swap3A_790 = tpu.vector_load %arg8[%swap3A_789] {strides = array<i32>} : memref<4096xf32, #tpu.memory_space<vmem>>, vector<16xf32>,
    tpu.vector_store %arg8[%swap3A_789], %gather3A_782 {strides = array<i32>} : memref<4096xf32, #tpu.memory_space<vmem>>, vector<16xf32>,
    %add3A_791 = arith.constant 1984 : i32
    %add3A_792 = vector.broadcast %add3A_791 : i32 to vector<16xi32>
    %add3A_793 = arith.addi %add3A, %add3A_792 : vector<16xi32>
    %gather3A_794 = tpu.vector_load_idx %arg6[%add3A_793] : memref<8192xf32, #tpu.memory_space<vmem>>[vector<16xi32>], vector<16xf32>,
    %add3A_795 = arith.constant 2000 : i32
    %add3A_796 = vector.broadcast %add3A_795 : i32 to vector<16xi32>
    %add3A_797 = arith.addi %add3A, %add3A_796 : vector<16xi32>
    %gather3A_798 = tpu.vector_load_idx %arg6[%add3A_797] : memref<8192xf32, #tpu.memory_space<vmem>>[vector<16xi32>], vector<16xf32>,
    %add3A_799 = arith.constant 2016 : i32
    %add3A_800 = vector.broadcast %add3A_799 : i32 to vector<16xi32>
    %add3A_801 = arith.addi %add3A, %add3A_800 : vector<16xi32>
    %gather3A_802 = tpu.vector_load_idx %arg6[%add3A_801] : memref<8192xf32, #tpu.memory_space<vmem>>[vector<16xi32>], vector<16xf32>,
    %add3A_803 = arith.constant 2032 : i32
    %add3A_804 = vector.broadcast %add3A_803 : i32 to vector<16xi32>
    %add3A_805 = arith.addi %add3A, %add3A_804 : vector<16xi32>
    %gather3A_806 = tpu.vector_load_idx %arg6[%add3A_805] : memref<8192xf32, #tpu.memory_space<vmem>>[vector<16xi32>], vector<16xf32>,
    %swap3A_807 = arith.constant 1984 : index
    %swap3A_808 = tpu.vector_load %arg8[%swap3A_807] {strides = array<i32>} : memref<4096xf32, #tpu.memory_space<vmem>>, vector<16xf32>,
    tpu.vector_store %arg8[%swap3A_807], %gather3A_794 {strides = array<i32>} : memref<4096xf32, #tpu.memory_space<vmem>>, vector<16xf32>,
    %swap3A_809 = arith.constant 2000 : index
    %swap3A_810 = tpu.vector_load %arg8[%swap3A_809] {strides = array<i32>} : memref<4096xf32, #tpu.memory_space<vmem>>, vector<16xf32>,
    tpu.vector_store %arg8[%swap3A_809], %gather3A_798 {strides = array<i32>} : memref<4096xf32, #tpu.memory_space<vmem>>, vector<16xf32>,
    %swap3A_811 = arith.constant 2016 : index
    %swap3A_812 = tpu.vector_load %arg8[%swap3A_811] {strides = array<i32>} : memref<4096xf32, #tpu.memory_space<vmem>>, vector<16xf32>,
    tpu.vector_store %arg8[%swap3A_811], %gather3A_802 {strides = array<i32>} : memref<4096xf32, #tpu.memory_space<vmem>>, vector<16xf32>,
    %swap3A_813 = arith.constant 2032 : index
    %swap3A_814 = tpu.vector_load %arg8[%swap3A_813] {strides = array<i32>} : memref<4096xf32, #tpu.memory_space<vmem>>, vector<16xf32>,
    tpu.vector_store %arg8[%swap3A_813], %gather3A_806 {strides = array<i32>} : memref<4096xf32, #tpu.memory_space<vmem>>, vector<16xf32>,
    %dma_start3A_815 = arith.constant 1024 : i32
    %dma_start3A_816 = tpu.memref_slice %arg8[%dma_start3A_815] : memref<4096xf32, #tpu.memory_space<vmem>> -> memref<1024xf32, #tpu.memory_space<vmem>>
    %dma_start3A_817 = arith.constant 1024 : i32
    %dma_start3A_818 = tpu.memref_slice %arg5[%arg1, %dma_start3A_817] : memref<16x4096xf32, #tpu.memory_space<hbm>> -> memref<1x1024xf32, #tpu.memory_space<hbm>>
    %dma_start3A_819 = tpu.memref_squeeze %dma_start3A_818 : memref<1x1024xf32, #tpu.memory_space<hbm>> -> memref<1024xf32, #tpu.memory_space<hbm>>
    %dma_start3A_820 = arith.constant 1024 : i32
    %dma_start3A_821 = tpu.memref_slice %arg5[%arg1, %dma_start3A_820] : memref<16x4096xf32, #tpu.memory_space<hbm>> -> memref<1x1024xf32, #tpu.memory_space<hbm>>
    %dma_start3A_822 = tpu.memref_squeeze %dma_start3A_821 : memref<1x1024xf32, #tpu.memory_space<hbm>> -> memref<1024xf32, #tpu.memory_space<hbm>>
    %dma_start3A_823 = arith.constant 1024 : i32
    %dma_start3A_824 = tpu.memref_slice %arg8[%dma_start3A_823] : memref<4096xf32, #tpu.memory_space<vmem>> -> memref<1024xf32, #tpu.memory_space<vmem>>
    tpu.enqueue_dma source(%dma_start3A_824 : memref<1024xf32, #tpu.memory_space<vmem>>) target(%dma_start3A_822 : memref<1024xf32, #tpu.memory_space<hbm>>) target_semaphore(%arg11 : memref<!tpu.dma_semaphore, #tpu.memory_space<semaphore_mem>>)
    %add3A_825 = arith.constant 2048 : i32
    %add3A_826 = vector.broadcast %add3A_825 : i32 to vector<16xi32>
    %add3A_827 = arith.addi %add3A, %add3A_826 : vector<16xi32>
    %gather3A_828 = tpu.vector_load_idx %arg6[%add3A_827] : memref<8192xf32, #tpu.memory_space<vmem>>[vector<16xi32>], vector<16xf32>,
    %add3A_829 = arith.constant 2064 : i32
    %add3A_830 = vector.broadcast %add3A_829 : i32 to vector<16xi32>
    %add3A_831 = arith.addi %add3A, %add3A_830 : vector<16xi32>
    %gather3A_832 = tpu.vector_load_idx %arg6[%add3A_831] : memref<8192xf32, #tpu.memory_space<vmem>>[vector<16xi32>], vector<16xf32>,
    %add3A_833 = arith.constant 2080 : i32
    %add3A_834 = vector.broadcast %add3A_833 : i32 to vector<16xi32>
    %add3A_835 = arith.addi %add3A, %add3A_834 : vector<16xi32>
    %gather3A_836 = tpu.vector_load_idx %arg6[%add3A_835] : memref<8192xf32, #tpu.memory_space<vmem>>[vector<16xi32>], vector<16xf32>,
    %add3A_837 = arith.constant 2096 : i32
    %add3A_838 = vector.broadcast %add3A_837 : i32 to vector<16xi32>
    %add3A_839 = arith.addi %add3A, %add3A_838 : vector<16xi32>
    %gather3A_840 = tpu.vector_load_idx %arg6[%add3A_839] : memref<8192xf32, #tpu.memory_space<vmem>>[vector<16xi32>], vector<16xf32>,
    %swap3A_841 = arith.constant 2048 : index
    %swap3A_842 = tpu.vector_load %arg8[%swap3A_841] {strides = array<i32>} : memref<4096xf32, #tpu.memory_space<vmem>>, vector<16xf32>,
    tpu.vector_store %arg8[%swap3A_841], %gather3A_828 {strides = array<i32>} : memref<4096xf32, #tpu.memory_space<vmem>>, vector<16xf32>,
    %swap3A_843 = arith.constant 2064 : index
    %swap3A_844 = tpu.vector_load %arg8[%swap3A_843] {strides = array<i32>} : memref<4096xf32, #tpu.memory_space<vmem>>, vector<16xf32>,
    tpu.vector_store %arg8[%swap3A_843], %gather3A_832 {strides = array<i32>} : memref<4096xf32, #tpu.memory_space<vmem>>, vector<16xf32>,
    %swap3A_845 = arith.constant 2080 : index
    %swap3A_846 = tpu.vector_load %arg8[%swap3A_845] {strides = array<i32>} : memref<4096xf32, #tpu.memory_space<vmem>>, vector<16xf32>,
    tpu.vector_store %arg8[%swap3A_845], %gather3A_836 {strides = array<i32>} : memref<4096xf32, #tpu.memory_space<vmem>>, vector<16xf32>,
    %swap3A_847 = arith.constant 2096 : index
    %swap3A_848 = tpu.vector_load %arg8[%swap3A_847] {strides = array<i32>} : memref<4096xf32, #tpu.memory_space<vmem>>, vector<16xf32>,
    tpu.vector_store %arg8[%swap3A_847], %gather3A_840 {strides = array<i32>} : memref<4096xf32, #tpu.memory_space<vmem>>, vector<16xf32>,
    %add3A_849 = arith.constant 2112 : i32
    %add3A_850 = vector.broadcast %add3A_849 : i32 to vector<16xi32>
    %add3A_851 = arith.addi %add3A, %add3A_850 : vector<16xi32>
    %gather3A_852 = tpu.vector_load_idx %arg6[%add3A_851] : memref<8192xf32, #tpu.memory_space<vmem>>[vector<16xi32>], vector<16xf32>,
    %add3A_853 = arith.constant 2128 : i32
    %add3A_854 = vector.broadcast %add3A_853 : i32 to vector<16xi32>
    %add3A_855 = arith.addi %add3A, %add3A_854 : vector<16xi32>
    %gather3A_856 = tpu.vector_load_idx %arg6[%add3A_855] : memref<8192xf32, #tpu.memory_space<vmem>>[vector<16xi32>], vector<16xf32>,
    %add3A_857 = arith.constant 2144 : i32
    %add3A_858 = vector.broadcast %add3A_857 : i32 to vector<16xi32>
    %add3A_859 = arith.addi %add3A, %add3A_858 : vector<16xi32>
    %gather3A_860 = tpu.vector_load_idx %arg6[%add3A_859] : memref<8192xf32, #tpu.memory_space<vmem>>[vector<16xi32>], vector<16xf32>,
    %add3A_861 = arith.constant 2160 : i32
    %add3A_862 = vector.broadcast %add3A_861 : i32 to vector<16xi32>
    %add3A_863 = arith.addi %add3A, %add3A_862 : vector<16xi32>
    %gather3A_864 = tpu.vector_load_idx %arg6[%add3A_863] : memref<8192xf32, #tpu.memory_space<vmem>>[vector<16xi32>], vector<16xf32>,
    %swap3A_865 = arith.constant 2112 : index
    %swap3A_866 = tpu.vector_load %arg8[%swap3A_865] {strides = array<i32>} : memref<4096xf32, #tpu.memory_space<vmem>>, vector<16xf32>,
    tpu.vector_store %arg8[%swap3A_865], %gather3A_852 {strides = array<i32>} : memref<4096xf32, #tpu.memory_space<vmem>>, vector<16xf32>,
    %swap3A_867 = arith.constant 2128 : index
    %swap3A_868 = tpu.vector_load %arg8[%swap3A_867] {strides = array<i32>} : memref<4096xf32, #tpu.memory_space<vmem>>, vector<16xf32>,
    tpu.vector_store %arg8[%swap3A_867], %gather3A_856 {strides = array<i32>} : memref<4096xf32, #tpu.memory_space<vmem>>, vector<16xf32>,
    %swap3A_869 = arith.constant 2144 : index
    %swap3A_870 = tpu.vector_load %arg8[%swap3A_869] {strides = array<i32>} : memref<4096xf32, #tpu.memory_space<vmem>>, vector<16xf32>,
    tpu.vector_store %arg8[%swap3A_869], %gather3A_860 {strides = array<i32>} : memref<4096xf32, #tpu.memory_space<vmem>>, vector<16xf32>,
    %swap3A_871 = arith.constant 2160 : index
    %swap3A_872 = tpu.vector_load %arg8[%swap3A_871] {strides = array<i32>} : memref<4096xf32, #tpu.memory_space<vmem>>, vector<16xf32>,
    tpu.vector_store %arg8[%swap3A_871], %gather3A_864 {strides = array<i32>} : memref<4096xf32, #tpu.memory_space<vmem>>, vector<16xf32>,
    %add3A_873 = arith.constant 2176 : i32
    %add3A_874 = vector.broadcast %add3A_873 : i32 to vector<16xi32>
    %add3A_875 = arith.addi %add3A, %add3A_874 : vector<16xi32>
    %gather3A_876 = tpu.vector_load_idx %arg6[%add3A_875] : memref<8192xf32, #tpu.memory_space<vmem>>[vector<16xi32>], vector<16xf32>,
    %add3A_877 = arith.constant 2192 : i32
    %add3A_878 = vector.broadcast %add3A_877 : i32 to vector<16xi32>
    %add3A_879 = arith.addi %add3A, %add3A_878 : vector<16xi32>
    %gather3A_880 = tpu.vector_load_idx %arg6[%add3A_879] : memref<8192xf32, #tpu.memory_space<vmem>>[vector<16xi32>], vector<16xf32>,
    %add3A_881 = arith.constant 2208 : i32
    %add3A_882 = vector.broadcast %add3A_881 : i32 to vector<16xi32>
    %add3A_883 = arith.addi %add3A, %add3A_882 : vector<16xi32>
    %gather3A_884 = tpu.vector_load_idx %arg6[%add3A_883] : memref<8192xf32, #tpu.memory_space<vmem>>[vector<16xi32>], vector<16xf32>,
    %add3A_885 = arith.constant 2224 : i32
    %add3A_886 = vector.broadcast %add3A_885 : i32 to vector<16xi32>
    %add3A_887 = arith.addi %add3A, %add3A_886 : vector<16xi32>
    %gather3A_888 = tpu.vector_load_idx %arg6[%add3A_887] : memref<8192xf32, #tpu.memory_space<vmem>>[vector<16xi32>], vector<16xf32>,
    %swap3A_889 = arith.constant 2176 : index
    %swap3A_890 = tpu.vector_load %arg8[%swap3A_889] {strides = array<i32>} : memref<4096xf32, #tpu.memory_space<vmem>>, vector<16xf32>,
    tpu.vector_store %arg8[%swap3A_889], %gather3A_876 {strides = array<i32>} : memref<4096xf32, #tpu.memory_space<vmem>>, vector<16xf32>,
    %swap3A_891 = arith.constant 2192 : index
    %swap3A_892 = tpu.vector_load %arg8[%swap3A_891] {strides = array<i32>} : memref<4096xf32, #tpu.memory_space<vmem>>, vector<16xf32>,
    tpu.vector_store %arg8[%swap3A_891], %gather3A_880 {strides = array<i32>} : memref<4096xf32, #tpu.memory_space<vmem>>, vector<16xf32>,
    %swap3A_893 = arith.constant 2208 : index
    %swap3A_894 = tpu.vector_load %arg8[%swap3A_893] {strides = array<i32>} : memref<4096xf32, #tpu.memory_space<vmem>>, vector<16xf32>,
    tpu.vector_store %arg8[%swap3A_893], %gather3A_884 {strides = array<i32>} : memref<4096xf32, #tpu.memory_space<vmem>>, vector<16xf32>,
    %swap3A_895 = arith.constant 2224 : index
    %swap3A_896 = tpu.vector_load %arg8[%swap3A_895] {strides = array<i32>} : memref<4096xf32, #tpu.memory_space<vmem>>, vector<16xf32>,
    tpu.vector_store %arg8[%swap3A_895], %gather3A_888 {strides = array<i32>} : memref<4096xf32, #tpu.memory_space<vmem>>, vector<16xf32>,
    %add3A_897 = arith.constant 2240 : i32
    %add3A_898 = vector.broadcast %add3A_897 : i32 to vector<16xi32>
    %add3A_899 = arith.addi %add3A, %add3A_898 : vector<16xi32>
    %gather3A_900 = tpu.vector_load_idx %arg6[%add3A_899] : memref<8192xf32, #tpu.memory_space<vmem>>[vector<16xi32>], vector<16xf32>,
    %add3A_901 = arith.constant 2256 : i32
    %add3A_902 = vector.broadcast %add3A_901 : i32 to vector<16xi32>
    %add3A_903 = arith.addi %add3A, %add3A_902 : vector<16xi32>
    %gather3A_904 = tpu.vector_load_idx %arg6[%add3A_903] : memref<8192xf32, #tpu.memory_space<vmem>>[vector<16xi32>], vector<16xf32>,
    %add3A_905 = arith.constant 2272 : i32
    %add3A_906 = vector.broadcast %add3A_905 : i32 to vector<16xi32>
    %add3A_907 = arith.addi %add3A, %add3A_906 : vector<16xi32>
    %gather3A_908 = tpu.vector_load_idx %arg6[%add3A_907] : memref<8192xf32, #tpu.memory_space<vmem>>[vector<16xi32>], vector<16xf32>,
    %add3A_909 = arith.constant 2288 : i32
    %add3A_910 = vector.broadcast %add3A_909 : i32 to vector<16xi32>
    %add3A_911 = arith.addi %add3A, %add3A_910 : vector<16xi32>
    %gather3A_912 = tpu.vector_load_idx %arg6[%add3A_911] : memref<8192xf32, #tpu.memory_space<vmem>>[vector<16xi32>], vector<16xf32>,
    %swap3A_913 = arith.constant 2240 : index
    %swap3A_914 = tpu.vector_load %arg8[%swap3A_913] {strides = array<i32>} : memref<4096xf32, #tpu.memory_space<vmem>>, vector<16xf32>,
    tpu.vector_store %arg8[%swap3A_913], %gather3A_900 {strides = array<i32>} : memref<4096xf32, #tpu.memory_space<vmem>>, vector<16xf32>,
    %swap3A_915 = arith.constant 2256 : index
    %swap3A_916 = tpu.vector_load %arg8[%swap3A_915] {strides = array<i32>} : memref<4096xf32, #tpu.memory_space<vmem>>, vector<16xf32>,
    tpu.vector_store %arg8[%swap3A_915], %gather3A_904 {strides = array<i32>} : memref<4096xf32, #tpu.memory_space<vmem>>, vector<16xf32>,
    %swap3A_917 = arith.constant 2272 : index
    %swap3A_918 = tpu.vector_load %arg8[%swap3A_917] {strides = array<i32>} : memref<4096xf32, #tpu.memory_space<vmem>>, vector<16xf32>,
    tpu.vector_store %arg8[%swap3A_917], %gather3A_908 {strides = array<i32>} : memref<4096xf32, #tpu.memory_space<vmem>>, vector<16xf32>,
    %swap3A_919 = arith.constant 2288 : index
    %swap3A_920 = tpu.vector_load %arg8[%swap3A_919] {strides = array<i32>} : memref<4096xf32, #tpu.memory_space<vmem>>, vector<16xf32>,
    tpu.vector_store %arg8[%swap3A_919], %gather3A_912 {strides = array<i32>} : memref<4096xf32, #tpu.memory_space<vmem>>, vector<16xf32>,
    %add3A_921 = arith.constant 2304 : i32
    %add3A_922 = vector.broadcast %add3A_921 : i32 to vector<16xi32>
    %add3A_923 = arith.addi %add3A, %add3A_922 : vector<16xi32>
    %gather3A_924 = tpu.vector_load_idx %arg6[%add3A_923] : memref<8192xf32, #tpu.memory_space<vmem>>[vector<16xi32>], vector<16xf32>,
    %add3A_925 = arith.constant 2320 : i32
    %add3A_926 = vector.broadcast %add3A_925 : i32 to vector<16xi32>
    %add3A_927 = arith.addi %add3A, %add3A_926 : vector<16xi32>
    %gather3A_928 = tpu.vector_load_idx %arg6[%add3A_927] : memref<8192xf32, #tpu.memory_space<vmem>>[vector<16xi32>], vector<16xf32>,
    %add3A_929 = arith.constant 2336 : i32
    %add3A_930 = vector.broadcast %add3A_929 : i32 to vector<16xi32>
    %add3A_931 = arith.addi %add3A, %add3A_930 : vector<16xi32>
    %gather3A_932 = tpu.vector_load_idx %arg6[%add3A_931] : memref<8192xf32, #tpu.memory_space<vmem>>[vector<16xi32>], vector<16xf32>,
    %add3A_933 = arith.constant 2352 : i32
    %add3A_934 = vector.broadcast %add3A_933 : i32 to vector<16xi32>
    %add3A_935 = arith.addi %add3A, %add3A_934 : vector<16xi32>
    %gather3A_936 = tpu.vector_load_idx %arg6[%add3A_935] : memref<8192xf32, #tpu.memory_space<vmem>>[vector<16xi32>], vector<16xf32>,
    %swap3A_937 = arith.constant 2304 : index
    %swap3A_938 = tpu.vector_load %arg8[%swap3A_937] {strides = array<i32>} : memref<4096xf32, #tpu.memory_space<vmem>>, vector<16xf32>,
    tpu.vector_store %arg8[%swap3A_937], %gather3A_924 {strides = array<i32>} : memref<4096xf32, #tpu.memory_space<vmem>>, vector<16xf32>,
    %swap3A_939 = arith.constant 2320 : index
    %swap3A_940 = tpu.vector_load %arg8[%swap3A_939] {strides = array<i32>} : memref<4096xf32, #tpu.memory_space<vmem>>, vector<16xf32>,
    tpu.vector_store %arg8[%swap3A_939], %gather3A_928 {strides = array<i32>} : memref<4096xf32, #tpu.memory_space<vmem>>, vector<16xf32>,
    %swap3A_941 = arith.constant 2336 : index
    %swap3A_942 = tpu.vector_load %arg8[%swap3A_941] {strides = array<i32>} : memref<4096xf32, #tpu.memory_space<vmem>>, vector<16xf32>,
    tpu.vector_store %arg8[%swap3A_941], %gather3A_932 {strides = array<i32>} : memref<4096xf32, #tpu.memory_space<vmem>>, vector<16xf32>,
    %swap3A_943 = arith.constant 2352 : index
    %swap3A_944 = tpu.vector_load %arg8[%swap3A_943] {strides = array<i32>} : memref<4096xf32, #tpu.memory_space<vmem>>, vector<16xf32>,
    tpu.vector_store %arg8[%swap3A_943], %gather3A_936 {strides = array<i32>} : memref<4096xf32, #tpu.memory_space<vmem>>, vector<16xf32>,
    %add3A_945 = arith.constant 2368 : i32
    %add3A_946 = vector.broadcast %add3A_945 : i32 to vector<16xi32>
    %add3A_947 = arith.addi %add3A, %add3A_946 : vector<16xi32>
    %gather3A_948 = tpu.vector_load_idx %arg6[%add3A_947] : memref<8192xf32, #tpu.memory_space<vmem>>[vector<16xi32>], vector<16xf32>,
    %add3A_949 = arith.constant 2384 : i32
    %add3A_950 = vector.broadcast %add3A_949 : i32 to vector<16xi32>
    %add3A_951 = arith.addi %add3A, %add3A_950 : vector<16xi32>
    %gather3A_952 = tpu.vector_load_idx %arg6[%add3A_951] : memref<8192xf32, #tpu.memory_space<vmem>>[vector<16xi32>], vector<16xf32>,
    %add3A_953 = arith.constant 2400 : i32
    %add3A_954 = vector.broadcast %add3A_953 : i32 to vector<16xi32>
    %add3A_955 = arith.addi %add3A, %add3A_954 : vector<16xi32>
    %gather3A_956 = tpu.vector_load_idx %arg6[%add3A_955] : memref<8192xf32, #tpu.memory_space<vmem>>[vector<16xi32>], vector<16xf32>,
    %add3A_957 = arith.constant 2416 : i32
    %add3A_958 = vector.broadcast %add3A_957 : i32 to vector<16xi32>
    %add3A_959 = arith.addi %add3A, %add3A_958 : vector<16xi32>
    %gather3A_960 = tpu.vector_load_idx %arg6[%add3A_959] : memref<8192xf32, #tpu.memory_space<vmem>>[vector<16xi32>], vector<16xf32>,
    %swap3A_961 = arith.constant 2368 : index
    %swap3A_962 = tpu.vector_load %arg8[%swap3A_961] {strides = array<i32>} : memref<4096xf32, #tpu.memory_space<vmem>>, vector<16xf32>,
    tpu.vector_store %arg8[%swap3A_961], %gather3A_948 {strides = array<i32>} : memref<4096xf32, #tpu.memory_space<vmem>>, vector<16xf32>,
    %swap3A_963 = arith.constant 2384 : index
    %swap3A_964 = tpu.vector_load %arg8[%swap3A_963] {strides = array<i32>} : memref<4096xf32, #tpu.memory_space<vmem>>, vector<16xf32>,
    tpu.vector_store %arg8[%swap3A_963], %gather3A_952 {strides = array<i32>} : memref<4096xf32, #tpu.memory_space<vmem>>, vector<16xf32>,
    %swap3A_965 = arith.constant 2400 : index
    %swap3A_966 = tpu.vector_load %arg8[%swap3A_965] {strides = array<i32>} : memref<4096xf32, #tpu.memory_space<vmem>>, vector<16xf32>,
    tpu.vector_store %arg8[%swap3A_965], %gather3A_956 {strides = array<i32>} : memref<4096xf32, #tpu.memory_space<vmem>>, vector<16xf32>,
    %swap3A_967 = arith.constant 2416 : index
    %swap3A_968 = tpu.vector_load %arg8[%swap3A_967] {strides = array<i32>} : memref<4096xf32, #tpu.memory_space<vmem>>, vector<16xf32>,
    tpu.vector_store %arg8[%swap3A_967], %gather3A_960 {strides = array<i32>} : memref<4096xf32, #tpu.memory_space<vmem>>, vector<16xf32>,
    %add3A_969 = arith.constant 2432 : i32
    %add3A_970 = vector.broadcast %add3A_969 : i32 to vector<16xi32>
    %add3A_971 = arith.addi %add3A, %add3A_970 : vector<16xi32>
    %gather3A_972 = tpu.vector_load_idx %arg6[%add3A_971] : memref<8192xf32, #tpu.memory_space<vmem>>[vector<16xi32>], vector<16xf32>,
    %add3A_973 = arith.constant 2448 : i32
    %add3A_974 = vector.broadcast %add3A_973 : i32 to vector<16xi32>
    %add3A_975 = arith.addi %add3A, %add3A_974 : vector<16xi32>
    %gather3A_976 = tpu.vector_load_idx %arg6[%add3A_975] : memref<8192xf32, #tpu.memory_space<vmem>>[vector<16xi32>], vector<16xf32>,
    %add3A_977 = arith.constant 2464 : i32
    %add3A_978 = vector.broadcast %add3A_977 : i32 to vector<16xi32>
    %add3A_979 = arith.addi %add3A, %add3A_978 : vector<16xi32>
    %gather3A_980 = tpu.vector_load_idx %arg6[%add3A_979] : memref<8192xf32, #tpu.memory_space<vmem>>[vector<16xi32>], vector<16xf32>,
    %add3A_981 = arith.constant 2480 : i32
    %add3A_982 = vector.broadcast %add3A_981 : i32 to vector<16xi32>
    %add3A_983 = arith.addi %add3A, %add3A_982 : vector<16xi32>
    %gather3A_984 = tpu.vector_load_idx %arg6[%add3A_983] : memref<8192xf32, #tpu.memory_space<vmem>>[vector<16xi32>], vector<16xf32>,
    %swap3A_985 = arith.constant 2432 : index
    %swap3A_986 = tpu.vector_load %arg8[%swap3A_985] {strides = array<i32>} : memref<4096xf32, #tpu.memory_space<vmem>>, vector<16xf32>,
    tpu.vector_store %arg8[%swap3A_985], %gather3A_972 {strides = array<i32>} : memref<4096xf32, #tpu.memory_space<vmem>>, vector<16xf32>,
    %swap3A_987 = arith.constant 2448 : index
    %swap3A_988 = tpu.vector_load %arg8[%swap3A_987] {strides = array<i32>} : memref<4096xf32, #tpu.memory_space<vmem>>, vector<16xf32>,
    tpu.vector_store %arg8[%swap3A_987], %gather3A_976 {strides = array<i32>} : memref<4096xf32, #tpu.memory_space<vmem>>, vector<16xf32>,
    %swap3A_989 = arith.constant 2464 : index
    %swap3A_990 = tpu.vector_load %arg8[%swap3A_989] {strides = array<i32>} : memref<4096xf32, #tpu.memory_space<vmem>>, vector<16xf32>,
    tpu.vector_store %arg8[%swap3A_989], %gather3A_980 {strides = array<i32>} : memref<4096xf32, #tpu.memory_space<vmem>>, vector<16xf32>,
    %swap3A_991 = arith.constant 2480 : index
    %swap3A_992 = tpu.vector_load %arg8[%swap3A_991] {strides = array<i32>} : memref<4096xf32, #tpu.memory_space<vmem>>, vector<16xf32>,
    tpu.vector_store %arg8[%swap3A_991], %gather3A_984 {strides = array<i32>} : memref<4096xf32, #tpu.memory_space<vmem>>, vector<16xf32>,
    %add3A_993 = arith.constant 2496 : i32
    %add3A_994 = vector.broadcast %add3A_993 : i32 to vector<16xi32>
    %add3A_995 = arith.addi %add3A, %add3A_994 : vector<16xi32>
    %gather3A_996 = tpu.vector_load_idx %arg6[%add3A_995] : memref<8192xf32, #tpu.memory_space<vmem>>[vector<16xi32>], vector<16xf32>,
    %add3A_997 = arith.constant 2512 : i32
    %add3A_998 = vector.broadcast %add3A_997 : i32 to vector<16xi32>
    %add3A_999 = arith.addi %add3A, %add3A_998 : vector<16xi32>
    %gather3A_1000 = tpu.vector_load_idx %arg6[%add3A_999] : memref<8192xf32, #tpu.memory_space<vmem>>[vector<16xi32>], vector<16xf32>,
    %add3A_1001 = arith.constant 2528 : i32
    %add3A_1002 = vector.broadcast %add3A_1001 : i32 to vector<16xi32>
    %add3A_1003 = arith.addi %add3A, %add3A_1002 : vector<16xi32>
    %gather3A_1004 = tpu.vector_load_idx %arg6[%add3A_1003] : memref<8192xf32, #tpu.memory_space<vmem>>[vector<16xi32>], vector<16xf32>,
    %add3A_1005 = arith.constant 2544 : i32
    %add3A_1006 = vector.broadcast %add3A_1005 : i32 to vector<16xi32>
    %add3A_1007 = arith.addi %add3A, %add3A_1006 : vector<16xi32>
    %gather3A_1008 = tpu.vector_load_idx %arg6[%add3A_1007] : memref<8192xf32, #tpu.memory_space<vmem>>[vector<16xi32>], vector<16xf32>,
    %swap3A_1009 = arith.constant 2496 : index
    %swap3A_1010 = tpu.vector_load %arg8[%swap3A_1009] {strides = array<i32>} : memref<4096xf32, #tpu.memory_space<vmem>>, vector<16xf32>,
    tpu.vector_store %arg8[%swap3A_1009], %gather3A_996 {strides = array<i32>} : memref<4096xf32, #tpu.memory_space<vmem>>, vector<16xf32>,
    %swap3A_1011 = arith.constant 2512 : index
    %swap3A_1012 = tpu.vector_load %arg8[%swap3A_1011] {strides = array<i32>} : memref<4096xf32, #tpu.memory_space<vmem>>, vector<16xf32>,
    tpu.vector_store %arg8[%swap3A_1011], %gather3A_1000 {strides = array<i32>} : memref<4096xf32, #tpu.memory_space<vmem>>, vector<16xf32>,
    %swap3A_1013 = arith.constant 2528 : index
    %swap3A_1014 = tpu.vector_load %arg8[%swap3A_1013] {strides = array<i32>} : memref<4096xf32, #tpu.memory_space<vmem>>, vector<16xf32>,
    tpu.vector_store %arg8[%swap3A_1013], %gather3A_1004 {strides = array<i32>} : memref<4096xf32, #tpu.memory_space<vmem>>, vector<16xf32>,
    %swap3A_1015 = arith.constant 2544 : index
    %swap3A_1016 = tpu.vector_load %arg8[%swap3A_1015] {strides = array<i32>} : memref<4096xf32, #tpu.memory_space<vmem>>, vector<16xf32>,
    tpu.vector_store %arg8[%swap3A_1015], %gather3A_1008 {strides = array<i32>} : memref<4096xf32, #tpu.memory_space<vmem>>, vector<16xf32>,
    %add3A_1017 = arith.constant 2560 : i32
    %add3A_1018 = vector.broadcast %add3A_1017 : i32 to vector<16xi32>
    %add3A_1019 = arith.addi %add3A, %add3A_1018 : vector<16xi32>
    %gather3A_1020 = tpu.vector_load_idx %arg6[%add3A_1019] : memref<8192xf32, #tpu.memory_space<vmem>>[vector<16xi32>], vector<16xf32>,
    %add3A_1021 = arith.constant 2576 : i32
    %add3A_1022 = vector.broadcast %add3A_1021 : i32 to vector<16xi32>
    %add3A_1023 = arith.addi %add3A, %add3A_1022 : vector<16xi32>
    %gather3A_1024 = tpu.vector_load_idx %arg6[%add3A_1023] : memref<8192xf32, #tpu.memory_space<vmem>>[vector<16xi32>], vector<16xf32>,
    %add3A_1025 = arith.constant 2592 : i32
    %add3A_1026 = vector.broadcast %add3A_1025 : i32 to vector<16xi32>
    %add3A_1027 = arith.addi %add3A, %add3A_1026 : vector<16xi32>
    %gather3A_1028 = tpu.vector_load_idx %arg6[%add3A_1027] : memref<8192xf32, #tpu.memory_space<vmem>>[vector<16xi32>], vector<16xf32>,
    %add3A_1029 = arith.constant 2608 : i32
    %add3A_1030 = vector.broadcast %add3A_1029 : i32 to vector<16xi32>
    %add3A_1031 = arith.addi %add3A, %add3A_1030 : vector<16xi32>
    %gather3A_1032 = tpu.vector_load_idx %arg6[%add3A_1031] : memref<8192xf32, #tpu.memory_space<vmem>>[vector<16xi32>], vector<16xf32>,
    %swap3A_1033 = arith.constant 2560 : index
    %swap3A_1034 = tpu.vector_load %arg8[%swap3A_1033] {strides = array<i32>} : memref<4096xf32, #tpu.memory_space<vmem>>, vector<16xf32>,
    tpu.vector_store %arg8[%swap3A_1033], %gather3A_1020 {strides = array<i32>} : memref<4096xf32, #tpu.memory_space<vmem>>, vector<16xf32>,
    %swap3A_1035 = arith.constant 2576 : index
    %swap3A_1036 = tpu.vector_load %arg8[%swap3A_1035] {strides = array<i32>} : memref<4096xf32, #tpu.memory_space<vmem>>, vector<16xf32>,
    tpu.vector_store %arg8[%swap3A_1035], %gather3A_1024 {strides = array<i32>} : memref<4096xf32, #tpu.memory_space<vmem>>, vector<16xf32>,
    %swap3A_1037 = arith.constant 2592 : index
    %swap3A_1038 = tpu.vector_load %arg8[%swap3A_1037] {strides = array<i32>} : memref<4096xf32, #tpu.memory_space<vmem>>, vector<16xf32>,
    tpu.vector_store %arg8[%swap3A_1037], %gather3A_1028 {strides = array<i32>} : memref<4096xf32, #tpu.memory_space<vmem>>, vector<16xf32>,
    %swap3A_1039 = arith.constant 2608 : index
    %swap3A_1040 = tpu.vector_load %arg8[%swap3A_1039] {strides = array<i32>} : memref<4096xf32, #tpu.memory_space<vmem>>, vector<16xf32>,
    tpu.vector_store %arg8[%swap3A_1039], %gather3A_1032 {strides = array<i32>} : memref<4096xf32, #tpu.memory_space<vmem>>, vector<16xf32>,
    %add3A_1041 = arith.constant 2624 : i32
    %add3A_1042 = vector.broadcast %add3A_1041 : i32 to vector<16xi32>
    %add3A_1043 = arith.addi %add3A, %add3A_1042 : vector<16xi32>
    %gather3A_1044 = tpu.vector_load_idx %arg6[%add3A_1043] : memref<8192xf32, #tpu.memory_space<vmem>>[vector<16xi32>], vector<16xf32>,
    %add3A_1045 = arith.constant 2640 : i32
    %add3A_1046 = vector.broadcast %add3A_1045 : i32 to vector<16xi32>
    %add3A_1047 = arith.addi %add3A, %add3A_1046 : vector<16xi32>
    %gather3A_1048 = tpu.vector_load_idx %arg6[%add3A_1047] : memref<8192xf32, #tpu.memory_space<vmem>>[vector<16xi32>], vector<16xf32>,
    %add3A_1049 = arith.constant 2656 : i32
    %add3A_1050 = vector.broadcast %add3A_1049 : i32 to vector<16xi32>
    %add3A_1051 = arith.addi %add3A, %add3A_1050 : vector<16xi32>
    %gather3A_1052 = tpu.vector_load_idx %arg6[%add3A_1051] : memref<8192xf32, #tpu.memory_space<vmem>>[vector<16xi32>], vector<16xf32>,
    %add3A_1053 = arith.constant 2672 : i32
    %add3A_1054 = vector.broadcast %add3A_1053 : i32 to vector<16xi32>
    %add3A_1055 = arith.addi %add3A, %add3A_1054 : vector<16xi32>
    %gather3A_1056 = tpu.vector_load_idx %arg6[%add3A_1055] : memref<8192xf32, #tpu.memory_space<vmem>>[vector<16xi32>], vector<16xf32>,
    %swap3A_1057 = arith.constant 2624 : index
    %swap3A_1058 = tpu.vector_load %arg8[%swap3A_1057] {strides = array<i32>} : memref<4096xf32, #tpu.memory_space<vmem>>, vector<16xf32>,
    tpu.vector_store %arg8[%swap3A_1057], %gather3A_1044 {strides = array<i32>} : memref<4096xf32, #tpu.memory_space<vmem>>, vector<16xf32>,
    %swap3A_1059 = arith.constant 2640 : index
    %swap3A_1060 = tpu.vector_load %arg8[%swap3A_1059] {strides = array<i32>} : memref<4096xf32, #tpu.memory_space<vmem>>, vector<16xf32>,
    tpu.vector_store %arg8[%swap3A_1059], %gather3A_1048 {strides = array<i32>} : memref<4096xf32, #tpu.memory_space<vmem>>, vector<16xf32>,
    %swap3A_1061 = arith.constant 2656 : index
    %swap3A_1062 = tpu.vector_load %arg8[%swap3A_1061] {strides = array<i32>} : memref<4096xf32, #tpu.memory_space<vmem>>, vector<16xf32>,
    tpu.vector_store %arg8[%swap3A_1061], %gather3A_1052 {strides = array<i32>} : memref<4096xf32, #tpu.memory_space<vmem>>, vector<16xf32>,
    %swap3A_1063 = arith.constant 2672 : index
    %swap3A_1064 = tpu.vector_load %arg8[%swap3A_1063] {strides = array<i32>} : memref<4096xf32, #tpu.memory_space<vmem>>, vector<16xf32>,
    tpu.vector_store %arg8[%swap3A_1063], %gather3A_1056 {strides = array<i32>} : memref<4096xf32, #tpu.memory_space<vmem>>, vector<16xf32>,
    %add3A_1065 = arith.constant 2688 : i32
    %add3A_1066 = vector.broadcast %add3A_1065 : i32 to vector<16xi32>
    %add3A_1067 = arith.addi %add3A, %add3A_1066 : vector<16xi32>
    %gather3A_1068 = tpu.vector_load_idx %arg6[%add3A_1067] : memref<8192xf32, #tpu.memory_space<vmem>>[vector<16xi32>], vector<16xf32>,
    %add3A_1069 = arith.constant 2704 : i32
    %add3A_1070 = vector.broadcast %add3A_1069 : i32 to vector<16xi32>
    %add3A_1071 = arith.addi %add3A, %add3A_1070 : vector<16xi32>
    %gather3A_1072 = tpu.vector_load_idx %arg6[%add3A_1071] : memref<8192xf32, #tpu.memory_space<vmem>>[vector<16xi32>], vector<16xf32>,
    %add3A_1073 = arith.constant 2720 : i32
    %add3A_1074 = vector.broadcast %add3A_1073 : i32 to vector<16xi32>
    %add3A_1075 = arith.addi %add3A, %add3A_1074 : vector<16xi32>
    %gather3A_1076 = tpu.vector_load_idx %arg6[%add3A_1075] : memref<8192xf32, #tpu.memory_space<vmem>>[vector<16xi32>], vector<16xf32>,
    %add3A_1077 = arith.constant 2736 : i32
    %add3A_1078 = vector.broadcast %add3A_1077 : i32 to vector<16xi32>
    %add3A_1079 = arith.addi %add3A, %add3A_1078 : vector<16xi32>
    %gather3A_1080 = tpu.vector_load_idx %arg6[%add3A_1079] : memref<8192xf32, #tpu.memory_space<vmem>>[vector<16xi32>], vector<16xf32>,
    %swap3A_1081 = arith.constant 2688 : index
    %swap3A_1082 = tpu.vector_load %arg8[%swap3A_1081] {strides = array<i32>} : memref<4096xf32, #tpu.memory_space<vmem>>, vector<16xf32>,
    tpu.vector_store %arg8[%swap3A_1081], %gather3A_1068 {strides = array<i32>} : memref<4096xf32, #tpu.memory_space<vmem>>, vector<16xf32>,
    %swap3A_1083 = arith.constant 2704 : index
    %swap3A_1084 = tpu.vector_load %arg8[%swap3A_1083] {strides = array<i32>} : memref<4096xf32, #tpu.memory_space<vmem>>, vector<16xf32>,
    tpu.vector_store %arg8[%swap3A_1083], %gather3A_1072 {strides = array<i32>} : memref<4096xf32, #tpu.memory_space<vmem>>, vector<16xf32>,
    %swap3A_1085 = arith.constant 2720 : index
    %swap3A_1086 = tpu.vector_load %arg8[%swap3A_1085] {strides = array<i32>} : memref<4096xf32, #tpu.memory_space<vmem>>, vector<16xf32>,
    tpu.vector_store %arg8[%swap3A_1085], %gather3A_1076 {strides = array<i32>} : memref<4096xf32, #tpu.memory_space<vmem>>, vector<16xf32>,
    %swap3A_1087 = arith.constant 2736 : index
    %swap3A_1088 = tpu.vector_load %arg8[%swap3A_1087] {strides = array<i32>} : memref<4096xf32, #tpu.memory_space<vmem>>, vector<16xf32>,
    tpu.vector_store %arg8[%swap3A_1087], %gather3A_1080 {strides = array<i32>} : memref<4096xf32, #tpu.memory_space<vmem>>, vector<16xf32>,
    %add3A_1089 = arith.constant 2752 : i32
    %add3A_1090 = vector.broadcast %add3A_1089 : i32 to vector<16xi32>
    %add3A_1091 = arith.addi %add3A, %add3A_1090 : vector<16xi32>
    %gather3A_1092 = tpu.vector_load_idx %arg6[%add3A_1091] : memref<8192xf32, #tpu.memory_space<vmem>>[vector<16xi32>], vector<16xf32>,
    %add3A_1093 = arith.constant 2768 : i32
    %add3A_1094 = vector.broadcast %add3A_1093 : i32 to vector<16xi32>
    %add3A_1095 = arith.addi %add3A, %add3A_1094 : vector<16xi32>
    %gather3A_1096 = tpu.vector_load_idx %arg6[%add3A_1095] : memref<8192xf32, #tpu.memory_space<vmem>>[vector<16xi32>], vector<16xf32>,
    %add3A_1097 = arith.constant 2784 : i32
    %add3A_1098 = vector.broadcast %add3A_1097 : i32 to vector<16xi32>
    %add3A_1099 = arith.addi %add3A, %add3A_1098 : vector<16xi32>
    %gather3A_1100 = tpu.vector_load_idx %arg6[%add3A_1099] : memref<8192xf32, #tpu.memory_space<vmem>>[vector<16xi32>], vector<16xf32>,
    %add3A_1101 = arith.constant 2800 : i32
    %add3A_1102 = vector.broadcast %add3A_1101 : i32 to vector<16xi32>
    %add3A_1103 = arith.addi %add3A, %add3A_1102 : vector<16xi32>
    %gather3A_1104 = tpu.vector_load_idx %arg6[%add3A_1103] : memref<8192xf32, #tpu.memory_space<vmem>>[vector<16xi32>], vector<16xf32>,
    %swap3A_1105 = arith.constant 2752 : index
    %swap3A_1106 = tpu.vector_load %arg8[%swap3A_1105] {strides = array<i32>} : memref<4096xf32, #tpu.memory_space<vmem>>, vector<16xf32>,
    tpu.vector_store %arg8[%swap3A_1105], %gather3A_1092 {strides = array<i32>} : memref<4096xf32, #tpu.memory_space<vmem>>, vector<16xf32>,
    %swap3A_1107 = arith.constant 2768 : index
    %swap3A_1108 = tpu.vector_load %arg8[%swap3A_1107] {strides = array<i32>} : memref<4096xf32, #tpu.memory_space<vmem>>, vector<16xf32>,
    tpu.vector_store %arg8[%swap3A_1107], %gather3A_1096 {strides = array<i32>} : memref<4096xf32, #tpu.memory_space<vmem>>, vector<16xf32>,
    %swap3A_1109 = arith.constant 2784 : index
    %swap3A_1110 = tpu.vector_load %arg8[%swap3A_1109] {strides = array<i32>} : memref<4096xf32, #tpu.memory_space<vmem>>, vector<16xf32>,
    tpu.vector_store %arg8[%swap3A_1109], %gather3A_1100 {strides = array<i32>} : memref<4096xf32, #tpu.memory_space<vmem>>, vector<16xf32>,
    %swap3A_1111 = arith.constant 2800 : index
    %swap3A_1112 = tpu.vector_load %arg8[%swap3A_1111] {strides = array<i32>} : memref<4096xf32, #tpu.memory_space<vmem>>, vector<16xf32>,
    tpu.vector_store %arg8[%swap3A_1111], %gather3A_1104 {strides = array<i32>} : memref<4096xf32, #tpu.memory_space<vmem>>, vector<16xf32>,
    %add3A_1113 = arith.constant 2816 : i32
    %add3A_1114 = vector.broadcast %add3A_1113 : i32 to vector<16xi32>
    %add3A_1115 = arith.addi %add3A, %add3A_1114 : vector<16xi32>
    %gather3A_1116 = tpu.vector_load_idx %arg6[%add3A_1115] : memref<8192xf32, #tpu.memory_space<vmem>>[vector<16xi32>], vector<16xf32>,
    %add3A_1117 = arith.constant 2832 : i32
    %add3A_1118 = vector.broadcast %add3A_1117 : i32 to vector<16xi32>
    %add3A_1119 = arith.addi %add3A, %add3A_1118 : vector<16xi32>
    %gather3A_1120 = tpu.vector_load_idx %arg6[%add3A_1119] : memref<8192xf32, #tpu.memory_space<vmem>>[vector<16xi32>], vector<16xf32>,
    %add3A_1121 = arith.constant 2848 : i32
    %add3A_1122 = vector.broadcast %add3A_1121 : i32 to vector<16xi32>
    %add3A_1123 = arith.addi %add3A, %add3A_1122 : vector<16xi32>
    %gather3A_1124 = tpu.vector_load_idx %arg6[%add3A_1123] : memref<8192xf32, #tpu.memory_space<vmem>>[vector<16xi32>], vector<16xf32>,
    %add3A_1125 = arith.constant 2864 : i32
    %add3A_1126 = vector.broadcast %add3A_1125 : i32 to vector<16xi32>
    %add3A_1127 = arith.addi %add3A, %add3A_1126 : vector<16xi32>
    %gather3A_1128 = tpu.vector_load_idx %arg6[%add3A_1127] : memref<8192xf32, #tpu.memory_space<vmem>>[vector<16xi32>], vector<16xf32>,
    %swap3A_1129 = arith.constant 2816 : index
    %swap3A_1130 = tpu.vector_load %arg8[%swap3A_1129] {strides = array<i32>} : memref<4096xf32, #tpu.memory_space<vmem>>, vector<16xf32>,
    tpu.vector_store %arg8[%swap3A_1129], %gather3A_1116 {strides = array<i32>} : memref<4096xf32, #tpu.memory_space<vmem>>, vector<16xf32>,
    %swap3A_1131 = arith.constant 2832 : index
    %swap3A_1132 = tpu.vector_load %arg8[%swap3A_1131] {strides = array<i32>} : memref<4096xf32, #tpu.memory_space<vmem>>, vector<16xf32>,
    tpu.vector_store %arg8[%swap3A_1131], %gather3A_1120 {strides = array<i32>} : memref<4096xf32, #tpu.memory_space<vmem>>, vector<16xf32>,
    %swap3A_1133 = arith.constant 2848 : index
    %swap3A_1134 = tpu.vector_load %arg8[%swap3A_1133] {strides = array<i32>} : memref<4096xf32, #tpu.memory_space<vmem>>, vector<16xf32>,
    tpu.vector_store %arg8[%swap3A_1133], %gather3A_1124 {strides = array<i32>} : memref<4096xf32, #tpu.memory_space<vmem>>, vector<16xf32>,
    %swap3A_1135 = arith.constant 2864 : index
    %swap3A_1136 = tpu.vector_load %arg8[%swap3A_1135] {strides = array<i32>} : memref<4096xf32, #tpu.memory_space<vmem>>, vector<16xf32>,
    tpu.vector_store %arg8[%swap3A_1135], %gather3A_1128 {strides = array<i32>} : memref<4096xf32, #tpu.memory_space<vmem>>, vector<16xf32>,
    %add3A_1137 = arith.constant 2880 : i32
    %add3A_1138 = vector.broadcast %add3A_1137 : i32 to vector<16xi32>
    %add3A_1139 = arith.addi %add3A, %add3A_1138 : vector<16xi32>
    %gather3A_1140 = tpu.vector_load_idx %arg6[%add3A_1139] : memref<8192xf32, #tpu.memory_space<vmem>>[vector<16xi32>], vector<16xf32>,
    %add3A_1141 = arith.constant 2896 : i32
    %add3A_1142 = vector.broadcast %add3A_1141 : i32 to vector<16xi32>
    %add3A_1143 = arith.addi %add3A, %add3A_1142 : vector<16xi32>
    %gather3A_1144 = tpu.vector_load_idx %arg6[%add3A_1143] : memref<8192xf32, #tpu.memory_space<vmem>>[vector<16xi32>], vector<16xf32>,
    %add3A_1145 = arith.constant 2912 : i32
    %add3A_1146 = vector.broadcast %add3A_1145 : i32 to vector<16xi32>
    %add3A_1147 = arith.addi %add3A, %add3A_1146 : vector<16xi32>
    %gather3A_1148 = tpu.vector_load_idx %arg6[%add3A_1147] : memref<8192xf32, #tpu.memory_space<vmem>>[vector<16xi32>], vector<16xf32>,
    %add3A_1149 = arith.constant 2928 : i32
    %add3A_1150 = vector.broadcast %add3A_1149 : i32 to vector<16xi32>
    %add3A_1151 = arith.addi %add3A, %add3A_1150 : vector<16xi32>
    %gather3A_1152 = tpu.vector_load_idx %arg6[%add3A_1151] : memref<8192xf32, #tpu.memory_space<vmem>>[vector<16xi32>], vector<16xf32>,
    %swap3A_1153 = arith.constant 2880 : index
    %swap3A_1154 = tpu.vector_load %arg8[%swap3A_1153] {strides = array<i32>} : memref<4096xf32, #tpu.memory_space<vmem>>, vector<16xf32>,
    tpu.vector_store %arg8[%swap3A_1153], %gather3A_1140 {strides = array<i32>} : memref<4096xf32, #tpu.memory_space<vmem>>, vector<16xf32>,
    %swap3A_1155 = arith.constant 2896 : index
    %swap3A_1156 = tpu.vector_load %arg8[%swap3A_1155] {strides = array<i32>} : memref<4096xf32, #tpu.memory_space<vmem>>, vector<16xf32>,
    tpu.vector_store %arg8[%swap3A_1155], %gather3A_1144 {strides = array<i32>} : memref<4096xf32, #tpu.memory_space<vmem>>, vector<16xf32>,
    %swap3A_1157 = arith.constant 2912 : index
    %swap3A_1158 = tpu.vector_load %arg8[%swap3A_1157] {strides = array<i32>} : memref<4096xf32, #tpu.memory_space<vmem>>, vector<16xf32>,
    tpu.vector_store %arg8[%swap3A_1157], %gather3A_1148 {strides = array<i32>} : memref<4096xf32, #tpu.memory_space<vmem>>, vector<16xf32>,
    %swap3A_1159 = arith.constant 2928 : index
    %swap3A_1160 = tpu.vector_load %arg8[%swap3A_1159] {strides = array<i32>} : memref<4096xf32, #tpu.memory_space<vmem>>, vector<16xf32>,
    tpu.vector_store %arg8[%swap3A_1159], %gather3A_1152 {strides = array<i32>} : memref<4096xf32, #tpu.memory_space<vmem>>, vector<16xf32>,
    %add3A_1161 = arith.constant 2944 : i32
    %add3A_1162 = vector.broadcast %add3A_1161 : i32 to vector<16xi32>
    %add3A_1163 = arith.addi %add3A, %add3A_1162 : vector<16xi32>
    %gather3A_1164 = tpu.vector_load_idx %arg6[%add3A_1163] : memref<8192xf32, #tpu.memory_space<vmem>>[vector<16xi32>], vector<16xf32>,
    %add3A_1165 = arith.constant 2960 : i32
    %add3A_1166 = vector.broadcast %add3A_1165 : i32 to vector<16xi32>
    %add3A_1167 = arith.addi %add3A, %add3A_1166 : vector<16xi32>
    %gather3A_1168 = tpu.vector_load_idx %arg6[%add3A_1167] : memref<8192xf32, #tpu.memory_space<vmem>>[vector<16xi32>], vector<16xf32>,
    %add3A_1169 = arith.constant 2976 : i32
    %add3A_1170 = vector.broadcast %add3A_1169 : i32 to vector<16xi32>
    %add3A_1171 = arith.addi %add3A, %add3A_1170 : vector<16xi32>
    %gather3A_1172 = tpu.vector_load_idx %arg6[%add3A_1171] : memref<8192xf32, #tpu.memory_space<vmem>>[vector<16xi32>], vector<16xf32>,
    %add3A_1173 = arith.constant 2992 : i32
    %add3A_1174 = vector.broadcast %add3A_1173 : i32 to vector<16xi32>
    %add3A_1175 = arith.addi %add3A, %add3A_1174 : vector<16xi32>
    %gather3A_1176 = tpu.vector_load_idx %arg6[%add3A_1175] : memref<8192xf32, #tpu.memory_space<vmem>>[vector<16xi32>], vector<16xf32>,
    %swap3A_1177 = arith.constant 2944 : index
    %swap3A_1178 = tpu.vector_load %arg8[%swap3A_1177] {strides = array<i32>} : memref<4096xf32, #tpu.memory_space<vmem>>, vector<16xf32>,
    tpu.vector_store %arg8[%swap3A_1177], %gather3A_1164 {strides = array<i32>} : memref<4096xf32, #tpu.memory_space<vmem>>, vector<16xf32>,
    %swap3A_1179 = arith.constant 2960 : index
    %swap3A_1180 = tpu.vector_load %arg8[%swap3A_1179] {strides = array<i32>} : memref<4096xf32, #tpu.memory_space<vmem>>, vector<16xf32>,
    tpu.vector_store %arg8[%swap3A_1179], %gather3A_1168 {strides = array<i32>} : memref<4096xf32, #tpu.memory_space<vmem>>, vector<16xf32>,
    %swap3A_1181 = arith.constant 2976 : index
    %swap3A_1182 = tpu.vector_load %arg8[%swap3A_1181] {strides = array<i32>} : memref<4096xf32, #tpu.memory_space<vmem>>, vector<16xf32>,
    tpu.vector_store %arg8[%swap3A_1181], %gather3A_1172 {strides = array<i32>} : memref<4096xf32, #tpu.memory_space<vmem>>, vector<16xf32>,
    %swap3A_1183 = arith.constant 2992 : index
    %swap3A_1184 = tpu.vector_load %arg8[%swap3A_1183] {strides = array<i32>} : memref<4096xf32, #tpu.memory_space<vmem>>, vector<16xf32>,
    tpu.vector_store %arg8[%swap3A_1183], %gather3A_1176 {strides = array<i32>} : memref<4096xf32, #tpu.memory_space<vmem>>, vector<16xf32>,
    %add3A_1185 = arith.constant 3008 : i32
    %add3A_1186 = vector.broadcast %add3A_1185 : i32 to vector<16xi32>
    %add3A_1187 = arith.addi %add3A, %add3A_1186 : vector<16xi32>
    %gather3A_1188 = tpu.vector_load_idx %arg6[%add3A_1187] : memref<8192xf32, #tpu.memory_space<vmem>>[vector<16xi32>], vector<16xf32>,
    %add3A_1189 = arith.constant 3024 : i32
    %add3A_1190 = vector.broadcast %add3A_1189 : i32 to vector<16xi32>
    %add3A_1191 = arith.addi %add3A, %add3A_1190 : vector<16xi32>
    %gather3A_1192 = tpu.vector_load_idx %arg6[%add3A_1191] : memref<8192xf32, #tpu.memory_space<vmem>>[vector<16xi32>], vector<16xf32>,
    %add3A_1193 = arith.constant 3040 : i32
    %add3A_1194 = vector.broadcast %add3A_1193 : i32 to vector<16xi32>
    %add3A_1195 = arith.addi %add3A, %add3A_1194 : vector<16xi32>
    %gather3A_1196 = tpu.vector_load_idx %arg6[%add3A_1195] : memref<8192xf32, #tpu.memory_space<vmem>>[vector<16xi32>], vector<16xf32>,
    %add3A_1197 = arith.constant 3056 : i32
    %add3A_1198 = vector.broadcast %add3A_1197 : i32 to vector<16xi32>
    %add3A_1199 = arith.addi %add3A, %add3A_1198 : vector<16xi32>
    %gather3A_1200 = tpu.vector_load_idx %arg6[%add3A_1199] : memref<8192xf32, #tpu.memory_space<vmem>>[vector<16xi32>], vector<16xf32>,
    %swap3A_1201 = arith.constant 3008 : index
    %swap3A_1202 = tpu.vector_load %arg8[%swap3A_1201] {strides = array<i32>} : memref<4096xf32, #tpu.memory_space<vmem>>, vector<16xf32>,
    tpu.vector_store %arg8[%swap3A_1201], %gather3A_1188 {strides = array<i32>} : memref<4096xf32, #tpu.memory_space<vmem>>, vector<16xf32>,
    %swap3A_1203 = arith.constant 3024 : index
    %swap3A_1204 = tpu.vector_load %arg8[%swap3A_1203] {strides = array<i32>} : memref<4096xf32, #tpu.memory_space<vmem>>, vector<16xf32>,
    tpu.vector_store %arg8[%swap3A_1203], %gather3A_1192 {strides = array<i32>} : memref<4096xf32, #tpu.memory_space<vmem>>, vector<16xf32>,
    %swap3A_1205 = arith.constant 3040 : index
    %swap3A_1206 = tpu.vector_load %arg8[%swap3A_1205] {strides = array<i32>} : memref<4096xf32, #tpu.memory_space<vmem>>, vector<16xf32>,
    tpu.vector_store %arg8[%swap3A_1205], %gather3A_1196 {strides = array<i32>} : memref<4096xf32, #tpu.memory_space<vmem>>, vector<16xf32>,
    %swap3A_1207 = arith.constant 3056 : index
    %swap3A_1208 = tpu.vector_load %arg8[%swap3A_1207] {strides = array<i32>} : memref<4096xf32, #tpu.memory_space<vmem>>, vector<16xf32>,
    tpu.vector_store %arg8[%swap3A_1207], %gather3A_1200 {strides = array<i32>} : memref<4096xf32, #tpu.memory_space<vmem>>, vector<16xf32>,
    %dma_start3A_1209 = arith.constant 2048 : i32
    %dma_start3A_1210 = tpu.memref_slice %arg8[%dma_start3A_1209] : memref<4096xf32, #tpu.memory_space<vmem>> -> memref<1024xf32, #tpu.memory_space<vmem>>
    %dma_start3A_1211 = arith.constant 2048 : i32
    %dma_start3A_1212 = tpu.memref_slice %arg5[%arg1, %dma_start3A_1211] : memref<16x4096xf32, #tpu.memory_space<hbm>> -> memref<1x1024xf32, #tpu.memory_space<hbm>>
    %dma_start3A_1213 = tpu.memref_squeeze %dma_start3A_1212 : memref<1x1024xf32, #tpu.memory_space<hbm>> -> memref<1024xf32, #tpu.memory_space<hbm>>
    %dma_start3A_1214 = arith.constant 2048 : i32
    %dma_start3A_1215 = tpu.memref_slice %arg5[%arg1, %dma_start3A_1214] : memref<16x4096xf32, #tpu.memory_space<hbm>> -> memref<1x1024xf32, #tpu.memory_space<hbm>>
    %dma_start3A_1216 = tpu.memref_squeeze %dma_start3A_1215 : memref<1x1024xf32, #tpu.memory_space<hbm>> -> memref<1024xf32, #tpu.memory_space<hbm>>
    %dma_start3A_1217 = arith.constant 2048 : i32
    %dma_start3A_1218 = tpu.memref_slice %arg8[%dma_start3A_1217] : memref<4096xf32, #tpu.memory_space<vmem>> -> memref<1024xf32, #tpu.memory_space<vmem>>
    tpu.enqueue_dma source(%dma_start3A_1218 : memref<1024xf32, #tpu.memory_space<vmem>>) target(%dma_start3A_1216 : memref<1024xf32, #tpu.memory_space<hbm>>) target_semaphore(%arg11 : memref<!tpu.dma_semaphore, #tpu.memory_space<semaphore_mem>>)
    %add3A_1219 = arith.constant 3072 : i32
    %add3A_1220 = vector.broadcast %add3A_1219 : i32 to vector<16xi32>
    %add3A_1221 = arith.addi %add3A, %add3A_1220 : vector<16xi32>
    %gather3A_1222 = tpu.vector_load_idx %arg6[%add3A_1221] : memref<8192xf32, #tpu.memory_space<vmem>>[vector<16xi32>], vector<16xf32>,
    %add3A_1223 = arith.constant 3088 : i32
    %add3A_1224 = vector.broadcast %add3A_1223 : i32 to vector<16xi32>
    %add3A_1225 = arith.addi %add3A, %add3A_1224 : vector<16xi32>
    %gather3A_1226 = tpu.vector_load_idx %arg6[%add3A_1225] : memref<8192xf32, #tpu.memory_space<vmem>>[vector<16xi32>], vector<16xf32>,
    %add3A_1227 = arith.constant 3104 : i32
    %add3A_1228 = vector.broadcast %add3A_1227 : i32 to vector<16xi32>
    %add3A_1229 = arith.addi %add3A, %add3A_1228 : vector<16xi32>
    %gather3A_1230 = tpu.vector_load_idx %arg6[%add3A_1229] : memref<8192xf32, #tpu.memory_space<vmem>>[vector<16xi32>], vector<16xf32>,
    %add3A_1231 = arith.constant 3120 : i32
    %add3A_1232 = vector.broadcast %add3A_1231 : i32 to vector<16xi32>
    %add3A_1233 = arith.addi %add3A, %add3A_1232 : vector<16xi32>
    %gather3A_1234 = tpu.vector_load_idx %arg6[%add3A_1233] : memref<8192xf32, #tpu.memory_space<vmem>>[vector<16xi32>], vector<16xf32>,
    %swap3A_1235 = arith.constant 3072 : index
    %swap3A_1236 = tpu.vector_load %arg8[%swap3A_1235] {strides = array<i32>} : memref<4096xf32, #tpu.memory_space<vmem>>, vector<16xf32>,
    tpu.vector_store %arg8[%swap3A_1235], %gather3A_1222 {strides = array<i32>} : memref<4096xf32, #tpu.memory_space<vmem>>, vector<16xf32>,
    %swap3A_1237 = arith.constant 3088 : index
    %swap3A_1238 = tpu.vector_load %arg8[%swap3A_1237] {strides = array<i32>} : memref<4096xf32, #tpu.memory_space<vmem>>, vector<16xf32>,
    tpu.vector_store %arg8[%swap3A_1237], %gather3A_1226 {strides = array<i32>} : memref<4096xf32, #tpu.memory_space<vmem>>, vector<16xf32>,
    %swap3A_1239 = arith.constant 3104 : index
    %swap3A_1240 = tpu.vector_load %arg8[%swap3A_1239] {strides = array<i32>} : memref<4096xf32, #tpu.memory_space<vmem>>, vector<16xf32>,
    tpu.vector_store %arg8[%swap3A_1239], %gather3A_1230 {strides = array<i32>} : memref<4096xf32, #tpu.memory_space<vmem>>, vector<16xf32>,
    %swap3A_1241 = arith.constant 3120 : index
    %swap3A_1242 = tpu.vector_load %arg8[%swap3A_1241] {strides = array<i32>} : memref<4096xf32, #tpu.memory_space<vmem>>, vector<16xf32>,
    tpu.vector_store %arg8[%swap3A_1241], %gather3A_1234 {strides = array<i32>} : memref<4096xf32, #tpu.memory_space<vmem>>, vector<16xf32>,
    %add3A_1243 = arith.constant 3136 : i32
    %add3A_1244 = vector.broadcast %add3A_1243 : i32 to vector<16xi32>
    %add3A_1245 = arith.addi %add3A, %add3A_1244 : vector<16xi32>
    %gather3A_1246 = tpu.vector_load_idx %arg6[%add3A_1245] : memref<8192xf32, #tpu.memory_space<vmem>>[vector<16xi32>], vector<16xf32>,
    %add3A_1247 = arith.constant 3152 : i32
    %add3A_1248 = vector.broadcast %add3A_1247 : i32 to vector<16xi32>
    %add3A_1249 = arith.addi %add3A, %add3A_1248 : vector<16xi32>
    %gather3A_1250 = tpu.vector_load_idx %arg6[%add3A_1249] : memref<8192xf32, #tpu.memory_space<vmem>>[vector<16xi32>], vector<16xf32>,
    %add3A_1251 = arith.constant 3168 : i32
    %add3A_1252 = vector.broadcast %add3A_1251 : i32 to vector<16xi32>
    %add3A_1253 = arith.addi %add3A, %add3A_1252 : vector<16xi32>
    %gather3A_1254 = tpu.vector_load_idx %arg6[%add3A_1253] : memref<8192xf32, #tpu.memory_space<vmem>>[vector<16xi32>], vector<16xf32>,
    %add3A_1255 = arith.constant 3184 : i32
    %add3A_1256 = vector.broadcast %add3A_1255 : i32 to vector<16xi32>
    %add3A_1257 = arith.addi %add3A, %add3A_1256 : vector<16xi32>
    %gather3A_1258 = tpu.vector_load_idx %arg6[%add3A_1257] : memref<8192xf32, #tpu.memory_space<vmem>>[vector<16xi32>], vector<16xf32>,
    %swap3A_1259 = arith.constant 3136 : index
    %swap3A_1260 = tpu.vector_load %arg8[%swap3A_1259] {strides = array<i32>} : memref<4096xf32, #tpu.memory_space<vmem>>, vector<16xf32>,
    tpu.vector_store %arg8[%swap3A_1259], %gather3A_1246 {strides = array<i32>} : memref<4096xf32, #tpu.memory_space<vmem>>, vector<16xf32>,
    %swap3A_1261 = arith.constant 3152 : index
    %swap3A_1262 = tpu.vector_load %arg8[%swap3A_1261] {strides = array<i32>} : memref<4096xf32, #tpu.memory_space<vmem>>, vector<16xf32>,
    tpu.vector_store %arg8[%swap3A_1261], %gather3A_1250 {strides = array<i32>} : memref<4096xf32, #tpu.memory_space<vmem>>, vector<16xf32>,
    %swap3A_1263 = arith.constant 3168 : index
    %swap3A_1264 = tpu.vector_load %arg8[%swap3A_1263] {strides = array<i32>} : memref<4096xf32, #tpu.memory_space<vmem>>, vector<16xf32>,
    tpu.vector_store %arg8[%swap3A_1263], %gather3A_1254 {strides = array<i32>} : memref<4096xf32, #tpu.memory_space<vmem>>, vector<16xf32>,
    %swap3A_1265 = arith.constant 3184 : index
    %swap3A_1266 = tpu.vector_load %arg8[%swap3A_1265] {strides = array<i32>} : memref<4096xf32, #tpu.memory_space<vmem>>, vector<16xf32>,
    tpu.vector_store %arg8[%swap3A_1265], %gather3A_1258 {strides = array<i32>} : memref<4096xf32, #tpu.memory_space<vmem>>, vector<16xf32>,
    %add3A_1267 = arith.constant 3200 : i32
    %add3A_1268 = vector.broadcast %add3A_1267 : i32 to vector<16xi32>
    %add3A_1269 = arith.addi %add3A, %add3A_1268 : vector<16xi32>
    %gather3A_1270 = tpu.vector_load_idx %arg6[%add3A_1269] : memref<8192xf32, #tpu.memory_space<vmem>>[vector<16xi32>], vector<16xf32>,
    %add3A_1271 = arith.constant 3216 : i32
    %add3A_1272 = vector.broadcast %add3A_1271 : i32 to vector<16xi32>
    %add3A_1273 = arith.addi %add3A, %add3A_1272 : vector<16xi32>
    %gather3A_1274 = tpu.vector_load_idx %arg6[%add3A_1273] : memref<8192xf32, #tpu.memory_space<vmem>>[vector<16xi32>], vector<16xf32>,
    %add3A_1275 = arith.constant 3232 : i32
    %add3A_1276 = vector.broadcast %add3A_1275 : i32 to vector<16xi32>
    %add3A_1277 = arith.addi %add3A, %add3A_1276 : vector<16xi32>
    %gather3A_1278 = tpu.vector_load_idx %arg6[%add3A_1277] : memref<8192xf32, #tpu.memory_space<vmem>>[vector<16xi32>], vector<16xf32>,
    %add3A_1279 = arith.constant 3248 : i32
    %add3A_1280 = vector.broadcast %add3A_1279 : i32 to vector<16xi32>
    %add3A_1281 = arith.addi %add3A, %add3A_1280 : vector<16xi32>
    %gather3A_1282 = tpu.vector_load_idx %arg6[%add3A_1281] : memref<8192xf32, #tpu.memory_space<vmem>>[vector<16xi32>], vector<16xf32>,
    %swap3A_1283 = arith.constant 3200 : index
    %swap3A_1284 = tpu.vector_load %arg8[%swap3A_1283] {strides = array<i32>} : memref<4096xf32, #tpu.memory_space<vmem>>, vector<16xf32>,
    tpu.vector_store %arg8[%swap3A_1283], %gather3A_1270 {strides = array<i32>} : memref<4096xf32, #tpu.memory_space<vmem>>, vector<16xf32>,
    %swap3A_1285 = arith.constant 3216 : index
    %swap3A_1286 = tpu.vector_load %arg8[%swap3A_1285] {strides = array<i32>} : memref<4096xf32, #tpu.memory_space<vmem>>, vector<16xf32>,
    tpu.vector_store %arg8[%swap3A_1285], %gather3A_1274 {strides = array<i32>} : memref<4096xf32, #tpu.memory_space<vmem>>, vector<16xf32>,
    %swap3A_1287 = arith.constant 3232 : index
    %swap3A_1288 = tpu.vector_load %arg8[%swap3A_1287] {strides = array<i32>} : memref<4096xf32, #tpu.memory_space<vmem>>, vector<16xf32>,
    tpu.vector_store %arg8[%swap3A_1287], %gather3A_1278 {strides = array<i32>} : memref<4096xf32, #tpu.memory_space<vmem>>, vector<16xf32>,
    %swap3A_1289 = arith.constant 3248 : index
    %swap3A_1290 = tpu.vector_load %arg8[%swap3A_1289] {strides = array<i32>} : memref<4096xf32, #tpu.memory_space<vmem>>, vector<16xf32>,
    tpu.vector_store %arg8[%swap3A_1289], %gather3A_1282 {strides = array<i32>} : memref<4096xf32, #tpu.memory_space<vmem>>, vector<16xf32>,
    %add3A_1291 = arith.constant 3264 : i32
    %add3A_1292 = vector.broadcast %add3A_1291 : i32 to vector<16xi32>
    %add3A_1293 = arith.addi %add3A, %add3A_1292 : vector<16xi32>
    %gather3A_1294 = tpu.vector_load_idx %arg6[%add3A_1293] : memref<8192xf32, #tpu.memory_space<vmem>>[vector<16xi32>], vector<16xf32>,
    %add3A_1295 = arith.constant 3280 : i32
    %add3A_1296 = vector.broadcast %add3A_1295 : i32 to vector<16xi32>
    %add3A_1297 = arith.addi %add3A, %add3A_1296 : vector<16xi32>
    %gather3A_1298 = tpu.vector_load_idx %arg6[%add3A_1297] : memref<8192xf32, #tpu.memory_space<vmem>>[vector<16xi32>], vector<16xf32>,
    %add3A_1299 = arith.constant 3296 : i32
    %add3A_1300 = vector.broadcast %add3A_1299 : i32 to vector<16xi32>
    %add3A_1301 = arith.addi %add3A, %add3A_1300 : vector<16xi32>
    %gather3A_1302 = tpu.vector_load_idx %arg6[%add3A_1301] : memref<8192xf32, #tpu.memory_space<vmem>>[vector<16xi32>], vector<16xf32>,
    %add3A_1303 = arith.constant 3312 : i32
    %add3A_1304 = vector.broadcast %add3A_1303 : i32 to vector<16xi32>
    %add3A_1305 = arith.addi %add3A, %add3A_1304 : vector<16xi32>
    %gather3A_1306 = tpu.vector_load_idx %arg6[%add3A_1305] : memref<8192xf32, #tpu.memory_space<vmem>>[vector<16xi32>], vector<16xf32>,
    %swap3A_1307 = arith.constant 3264 : index
    %swap3A_1308 = tpu.vector_load %arg8[%swap3A_1307] {strides = array<i32>} : memref<4096xf32, #tpu.memory_space<vmem>>, vector<16xf32>,
    tpu.vector_store %arg8[%swap3A_1307], %gather3A_1294 {strides = array<i32>} : memref<4096xf32, #tpu.memory_space<vmem>>, vector<16xf32>,
    %swap3A_1309 = arith.constant 3280 : index
    %swap3A_1310 = tpu.vector_load %arg8[%swap3A_1309] {strides = array<i32>} : memref<4096xf32, #tpu.memory_space<vmem>>, vector<16xf32>,
    tpu.vector_store %arg8[%swap3A_1309], %gather3A_1298 {strides = array<i32>} : memref<4096xf32, #tpu.memory_space<vmem>>, vector<16xf32>,
    %swap3A_1311 = arith.constant 3296 : index
    %swap3A_1312 = tpu.vector_load %arg8[%swap3A_1311] {strides = array<i32>} : memref<4096xf32, #tpu.memory_space<vmem>>, vector<16xf32>,
    tpu.vector_store %arg8[%swap3A_1311], %gather3A_1302 {strides = array<i32>} : memref<4096xf32, #tpu.memory_space<vmem>>, vector<16xf32>,
    %swap3A_1313 = arith.constant 3312 : index
    %swap3A_1314 = tpu.vector_load %arg8[%swap3A_1313] {strides = array<i32>} : memref<4096xf32, #tpu.memory_space<vmem>>, vector<16xf32>,
    tpu.vector_store %arg8[%swap3A_1313], %gather3A_1306 {strides = array<i32>} : memref<4096xf32, #tpu.memory_space<vmem>>, vector<16xf32>,
    %add3A_1315 = arith.constant 3328 : i32
    %add3A_1316 = vector.broadcast %add3A_1315 : i32 to vector<16xi32>
    %add3A_1317 = arith.addi %add3A, %add3A_1316 : vector<16xi32>
    %gather3A_1318 = tpu.vector_load_idx %arg6[%add3A_1317] : memref<8192xf32, #tpu.memory_space<vmem>>[vector<16xi32>], vector<16xf32>,
    %add3A_1319 = arith.constant 3344 : i32
    %add3A_1320 = vector.broadcast %add3A_1319 : i32 to vector<16xi32>
    %add3A_1321 = arith.addi %add3A, %add3A_1320 : vector<16xi32>
    %gather3A_1322 = tpu.vector_load_idx %arg6[%add3A_1321] : memref<8192xf32, #tpu.memory_space<vmem>>[vector<16xi32>], vector<16xf32>,
    %add3A_1323 = arith.constant 3360 : i32
    %add3A_1324 = vector.broadcast %add3A_1323 : i32 to vector<16xi32>
    %add3A_1325 = arith.addi %add3A, %add3A_1324 : vector<16xi32>
    %gather3A_1326 = tpu.vector_load_idx %arg6[%add3A_1325] : memref<8192xf32, #tpu.memory_space<vmem>>[vector<16xi32>], vector<16xf32>,
    %add3A_1327 = arith.constant 3376 : i32
    %add3A_1328 = vector.broadcast %add3A_1327 : i32 to vector<16xi32>
    %add3A_1329 = arith.addi %add3A, %add3A_1328 : vector<16xi32>
    %gather3A_1330 = tpu.vector_load_idx %arg6[%add3A_1329] : memref<8192xf32, #tpu.memory_space<vmem>>[vector<16xi32>], vector<16xf32>,
    %swap3A_1331 = arith.constant 3328 : index
    %swap3A_1332 = tpu.vector_load %arg8[%swap3A_1331] {strides = array<i32>} : memref<4096xf32, #tpu.memory_space<vmem>>, vector<16xf32>,
    tpu.vector_store %arg8[%swap3A_1331], %gather3A_1318 {strides = array<i32>} : memref<4096xf32, #tpu.memory_space<vmem>>, vector<16xf32>,
    %swap3A_1333 = arith.constant 3344 : index
    %swap3A_1334 = tpu.vector_load %arg8[%swap3A_1333] {strides = array<i32>} : memref<4096xf32, #tpu.memory_space<vmem>>, vector<16xf32>,
    tpu.vector_store %arg8[%swap3A_1333], %gather3A_1322 {strides = array<i32>} : memref<4096xf32, #tpu.memory_space<vmem>>, vector<16xf32>,
    %swap3A_1335 = arith.constant 3360 : index
    %swap3A_1336 = tpu.vector_load %arg8[%swap3A_1335] {strides = array<i32>} : memref<4096xf32, #tpu.memory_space<vmem>>, vector<16xf32>,
    tpu.vector_store %arg8[%swap3A_1335], %gather3A_1326 {strides = array<i32>} : memref<4096xf32, #tpu.memory_space<vmem>>, vector<16xf32>,
    %swap3A_1337 = arith.constant 3376 : index
    %swap3A_1338 = tpu.vector_load %arg8[%swap3A_1337] {strides = array<i32>} : memref<4096xf32, #tpu.memory_space<vmem>>, vector<16xf32>,
    tpu.vector_store %arg8[%swap3A_1337], %gather3A_1330 {strides = array<i32>} : memref<4096xf32, #tpu.memory_space<vmem>>, vector<16xf32>,
    %add3A_1339 = arith.constant 3392 : i32
    %add3A_1340 = vector.broadcast %add3A_1339 : i32 to vector<16xi32>
    %add3A_1341 = arith.addi %add3A, %add3A_1340 : vector<16xi32>
    %gather3A_1342 = tpu.vector_load_idx %arg6[%add3A_1341] : memref<8192xf32, #tpu.memory_space<vmem>>[vector<16xi32>], vector<16xf32>,
    %add3A_1343 = arith.constant 3408 : i32
    %add3A_1344 = vector.broadcast %add3A_1343 : i32 to vector<16xi32>
    %add3A_1345 = arith.addi %add3A, %add3A_1344 : vector<16xi32>
    %gather3A_1346 = tpu.vector_load_idx %arg6[%add3A_1345] : memref<8192xf32, #tpu.memory_space<vmem>>[vector<16xi32>], vector<16xf32>,
    %add3A_1347 = arith.constant 3424 : i32
    %add3A_1348 = vector.broadcast %add3A_1347 : i32 to vector<16xi32>
    %add3A_1349 = arith.addi %add3A, %add3A_1348 : vector<16xi32>
    %gather3A_1350 = tpu.vector_load_idx %arg6[%add3A_1349] : memref<8192xf32, #tpu.memory_space<vmem>>[vector<16xi32>], vector<16xf32>,
    %add3A_1351 = arith.constant 3440 : i32
    %add3A_1352 = vector.broadcast %add3A_1351 : i32 to vector<16xi32>
    %add3A_1353 = arith.addi %add3A, %add3A_1352 : vector<16xi32>
    %gather3A_1354 = tpu.vector_load_idx %arg6[%add3A_1353] : memref<8192xf32, #tpu.memory_space<vmem>>[vector<16xi32>], vector<16xf32>,
    %swap3A_1355 = arith.constant 3392 : index
    %swap3A_1356 = tpu.vector_load %arg8[%swap3A_1355] {strides = array<i32>} : memref<4096xf32, #tpu.memory_space<vmem>>, vector<16xf32>,
    tpu.vector_store %arg8[%swap3A_1355], %gather3A_1342 {strides = array<i32>} : memref<4096xf32, #tpu.memory_space<vmem>>, vector<16xf32>,
    %swap3A_1357 = arith.constant 3408 : index
    %swap3A_1358 = tpu.vector_load %arg8[%swap3A_1357] {strides = array<i32>} : memref<4096xf32, #tpu.memory_space<vmem>>, vector<16xf32>,
    tpu.vector_store %arg8[%swap3A_1357], %gather3A_1346 {strides = array<i32>} : memref<4096xf32, #tpu.memory_space<vmem>>, vector<16xf32>,
    %swap3A_1359 = arith.constant 3424 : index
    %swap3A_1360 = tpu.vector_load %arg8[%swap3A_1359] {strides = array<i32>} : memref<4096xf32, #tpu.memory_space<vmem>>, vector<16xf32>,
    tpu.vector_store %arg8[%swap3A_1359], %gather3A_1350 {strides = array<i32>} : memref<4096xf32, #tpu.memory_space<vmem>>, vector<16xf32>,
    %swap3A_1361 = arith.constant 3440 : index
    %swap3A_1362 = tpu.vector_load %arg8[%swap3A_1361] {strides = array<i32>} : memref<4096xf32, #tpu.memory_space<vmem>>, vector<16xf32>,
    tpu.vector_store %arg8[%swap3A_1361], %gather3A_1354 {strides = array<i32>} : memref<4096xf32, #tpu.memory_space<vmem>>, vector<16xf32>,
    %add3A_1363 = arith.constant 3456 : i32
    %add3A_1364 = vector.broadcast %add3A_1363 : i32 to vector<16xi32>
    %add3A_1365 = arith.addi %add3A, %add3A_1364 : vector<16xi32>
    %gather3A_1366 = tpu.vector_load_idx %arg6[%add3A_1365] : memref<8192xf32, #tpu.memory_space<vmem>>[vector<16xi32>], vector<16xf32>,
    %add3A_1367 = arith.constant 3472 : i32
    %add3A_1368 = vector.broadcast %add3A_1367 : i32 to vector<16xi32>
    %add3A_1369 = arith.addi %add3A, %add3A_1368 : vector<16xi32>
    %gather3A_1370 = tpu.vector_load_idx %arg6[%add3A_1369] : memref<8192xf32, #tpu.memory_space<vmem>>[vector<16xi32>], vector<16xf32>,
    %add3A_1371 = arith.constant 3488 : i32
    %add3A_1372 = vector.broadcast %add3A_1371 : i32 to vector<16xi32>
    %add3A_1373 = arith.addi %add3A, %add3A_1372 : vector<16xi32>
    %gather3A_1374 = tpu.vector_load_idx %arg6[%add3A_1373] : memref<8192xf32, #tpu.memory_space<vmem>>[vector<16xi32>], vector<16xf32>,
    %add3A_1375 = arith.constant 3504 : i32
    %add3A_1376 = vector.broadcast %add3A_1375 : i32 to vector<16xi32>
    %add3A_1377 = arith.addi %add3A, %add3A_1376 : vector<16xi32>
    %gather3A_1378 = tpu.vector_load_idx %arg6[%add3A_1377] : memref<8192xf32, #tpu.memory_space<vmem>>[vector<16xi32>], vector<16xf32>,
    %swap3A_1379 = arith.constant 3456 : index
    %swap3A_1380 = tpu.vector_load %arg8[%swap3A_1379] {strides = array<i32>} : memref<4096xf32, #tpu.memory_space<vmem>>, vector<16xf32>,
    tpu.vector_store %arg8[%swap3A_1379], %gather3A_1366 {strides = array<i32>} : memref<4096xf32, #tpu.memory_space<vmem>>, vector<16xf32>,
    %swap3A_1381 = arith.constant 3472 : index
    %swap3A_1382 = tpu.vector_load %arg8[%swap3A_1381] {strides = array<i32>} : memref<4096xf32, #tpu.memory_space<vmem>>, vector<16xf32>,
    tpu.vector_store %arg8[%swap3A_1381], %gather3A_1370 {strides = array<i32>} : memref<4096xf32, #tpu.memory_space<vmem>>, vector<16xf32>,
    %swap3A_1383 = arith.constant 3488 : index
    %swap3A_1384 = tpu.vector_load %arg8[%swap3A_1383] {strides = array<i32>} : memref<4096xf32, #tpu.memory_space<vmem>>, vector<16xf32>,
    tpu.vector_store %arg8[%swap3A_1383], %gather3A_1374 {strides = array<i32>} : memref<4096xf32, #tpu.memory_space<vmem>>, vector<16xf32>,
    %swap3A_1385 = arith.constant 3504 : index
    %swap3A_1386 = tpu.vector_load %arg8[%swap3A_1385] {strides = array<i32>} : memref<4096xf32, #tpu.memory_space<vmem>>, vector<16xf32>,
    tpu.vector_store %arg8[%swap3A_1385], %gather3A_1378 {strides = array<i32>} : memref<4096xf32, #tpu.memory_space<vmem>>, vector<16xf32>,
    %add3A_1387 = arith.constant 3520 : i32
    %add3A_1388 = vector.broadcast %add3A_1387 : i32 to vector<16xi32>
    %add3A_1389 = arith.addi %add3A, %add3A_1388 : vector<16xi32>
    %gather3A_1390 = tpu.vector_load_idx %arg6[%add3A_1389] : memref<8192xf32, #tpu.memory_space<vmem>>[vector<16xi32>], vector<16xf32>,
    %add3A_1391 = arith.constant 3536 : i32
    %add3A_1392 = vector.broadcast %add3A_1391 : i32 to vector<16xi32>
    %add3A_1393 = arith.addi %add3A, %add3A_1392 : vector<16xi32>
    %gather3A_1394 = tpu.vector_load_idx %arg6[%add3A_1393] : memref<8192xf32, #tpu.memory_space<vmem>>[vector<16xi32>], vector<16xf32>,
    %add3A_1395 = arith.constant 3552 : i32
    %add3A_1396 = vector.broadcast %add3A_1395 : i32 to vector<16xi32>
    %add3A_1397 = arith.addi %add3A, %add3A_1396 : vector<16xi32>
    %gather3A_1398 = tpu.vector_load_idx %arg6[%add3A_1397] : memref<8192xf32, #tpu.memory_space<vmem>>[vector<16xi32>], vector<16xf32>,
    %add3A_1399 = arith.constant 3568 : i32
    %add3A_1400 = vector.broadcast %add3A_1399 : i32 to vector<16xi32>
    %add3A_1401 = arith.addi %add3A, %add3A_1400 : vector<16xi32>
    %gather3A_1402 = tpu.vector_load_idx %arg6[%add3A_1401] : memref<8192xf32, #tpu.memory_space<vmem>>[vector<16xi32>], vector<16xf32>,
    %swap3A_1403 = arith.constant 3520 : index
    %swap3A_1404 = tpu.vector_load %arg8[%swap3A_1403] {strides = array<i32>} : memref<4096xf32, #tpu.memory_space<vmem>>, vector<16xf32>,
    tpu.vector_store %arg8[%swap3A_1403], %gather3A_1390 {strides = array<i32>} : memref<4096xf32, #tpu.memory_space<vmem>>, vector<16xf32>,
    %swap3A_1405 = arith.constant 3536 : index
    %swap3A_1406 = tpu.vector_load %arg8[%swap3A_1405] {strides = array<i32>} : memref<4096xf32, #tpu.memory_space<vmem>>, vector<16xf32>,
    tpu.vector_store %arg8[%swap3A_1405], %gather3A_1394 {strides = array<i32>} : memref<4096xf32, #tpu.memory_space<vmem>>, vector<16xf32>,
    %swap3A_1407 = arith.constant 3552 : index
    %swap3A_1408 = tpu.vector_load %arg8[%swap3A_1407] {strides = array<i32>} : memref<4096xf32, #tpu.memory_space<vmem>>, vector<16xf32>,
    tpu.vector_store %arg8[%swap3A_1407], %gather3A_1398 {strides = array<i32>} : memref<4096xf32, #tpu.memory_space<vmem>>, vector<16xf32>,
    %swap3A_1409 = arith.constant 3568 : index
    %swap3A_1410 = tpu.vector_load %arg8[%swap3A_1409] {strides = array<i32>} : memref<4096xf32, #tpu.memory_space<vmem>>, vector<16xf32>,
    tpu.vector_store %arg8[%swap3A_1409], %gather3A_1402 {strides = array<i32>} : memref<4096xf32, #tpu.memory_space<vmem>>, vector<16xf32>,
    %add3A_1411 = arith.constant 3584 : i32
    %add3A_1412 = vector.broadcast %add3A_1411 : i32 to vector<16xi32>
    %add3A_1413 = arith.addi %add3A, %add3A_1412 : vector<16xi32>
    %gather3A_1414 = tpu.vector_load_idx %arg6[%add3A_1413] : memref<8192xf32, #tpu.memory_space<vmem>>[vector<16xi32>], vector<16xf32>,
    %add3A_1415 = arith.constant 3600 : i32
    %add3A_1416 = vector.broadcast %add3A_1415 : i32 to vector<16xi32>
    %add3A_1417 = arith.addi %add3A, %add3A_1416 : vector<16xi32>
    %gather3A_1418 = tpu.vector_load_idx %arg6[%add3A_1417] : memref<8192xf32, #tpu.memory_space<vmem>>[vector<16xi32>], vector<16xf32>,
    %add3A_1419 = arith.constant 3616 : i32
    %add3A_1420 = vector.broadcast %add3A_1419 : i32 to vector<16xi32>
    %add3A_1421 = arith.addi %add3A, %add3A_1420 : vector<16xi32>
    %gather3A_1422 = tpu.vector_load_idx %arg6[%add3A_1421] : memref<8192xf32, #tpu.memory_space<vmem>>[vector<16xi32>], vector<16xf32>,
    %add3A_1423 = arith.constant 3632 : i32
    %add3A_1424 = vector.broadcast %add3A_1423 : i32 to vector<16xi32>
    %add3A_1425 = arith.addi %add3A, %add3A_1424 : vector<16xi32>
    %gather3A_1426 = tpu.vector_load_idx %arg6[%add3A_1425] : memref<8192xf32, #tpu.memory_space<vmem>>[vector<16xi32>], vector<16xf32>,
    %swap3A_1427 = arith.constant 3584 : index
    %swap3A_1428 = tpu.vector_load %arg8[%swap3A_1427] {strides = array<i32>} : memref<4096xf32, #tpu.memory_space<vmem>>, vector<16xf32>,
    tpu.vector_store %arg8[%swap3A_1427], %gather3A_1414 {strides = array<i32>} : memref<4096xf32, #tpu.memory_space<vmem>>, vector<16xf32>,
    %swap3A_1429 = arith.constant 3600 : index
    %swap3A_1430 = tpu.vector_load %arg8[%swap3A_1429] {strides = array<i32>} : memref<4096xf32, #tpu.memory_space<vmem>>, vector<16xf32>,
    tpu.vector_store %arg8[%swap3A_1429], %gather3A_1418 {strides = array<i32>} : memref<4096xf32, #tpu.memory_space<vmem>>, vector<16xf32>,
    %swap3A_1431 = arith.constant 3616 : index
    %swap3A_1432 = tpu.vector_load %arg8[%swap3A_1431] {strides = array<i32>} : memref<4096xf32, #tpu.memory_space<vmem>>, vector<16xf32>,
    tpu.vector_store %arg8[%swap3A_1431], %gather3A_1422 {strides = array<i32>} : memref<4096xf32, #tpu.memory_space<vmem>>, vector<16xf32>,
    %swap3A_1433 = arith.constant 3632 : index
    %swap3A_1434 = tpu.vector_load %arg8[%swap3A_1433] {strides = array<i32>} : memref<4096xf32, #tpu.memory_space<vmem>>, vector<16xf32>,
    tpu.vector_store %arg8[%swap3A_1433], %gather3A_1426 {strides = array<i32>} : memref<4096xf32, #tpu.memory_space<vmem>>, vector<16xf32>,
    %add3A_1435 = arith.constant 3648 : i32
    %add3A_1436 = vector.broadcast %add3A_1435 : i32 to vector<16xi32>
    %add3A_1437 = arith.addi %add3A, %add3A_1436 : vector<16xi32>
    %gather3A_1438 = tpu.vector_load_idx %arg6[%add3A_1437] : memref<8192xf32, #tpu.memory_space<vmem>>[vector<16xi32>], vector<16xf32>,
    %add3A_1439 = arith.constant 3664 : i32
    %add3A_1440 = vector.broadcast %add3A_1439 : i32 to vector<16xi32>
    %add3A_1441 = arith.addi %add3A, %add3A_1440 : vector<16xi32>
    %gather3A_1442 = tpu.vector_load_idx %arg6[%add3A_1441] : memref<8192xf32, #tpu.memory_space<vmem>>[vector<16xi32>], vector<16xf32>,
    %add3A_1443 = arith.constant 3680 : i32
    %add3A_1444 = vector.broadcast %add3A_1443 : i32 to vector<16xi32>
    %add3A_1445 = arith.addi %add3A, %add3A_1444 : vector<16xi32>
    %gather3A_1446 = tpu.vector_load_idx %arg6[%add3A_1445] : memref<8192xf32, #tpu.memory_space<vmem>>[vector<16xi32>], vector<16xf32>,
    %add3A_1447 = arith.constant 3696 : i32
    %add3A_1448 = vector.broadcast %add3A_1447 : i32 to vector<16xi32>
    %add3A_1449 = arith.addi %add3A, %add3A_1448 : vector<16xi32>
    %gather3A_1450 = tpu.vector_load_idx %arg6[%add3A_1449] : memref<8192xf32, #tpu.memory_space<vmem>>[vector<16xi32>], vector<16xf32>,
    %swap3A_1451 = arith.constant 3648 : index
    %swap3A_1452 = tpu.vector_load %arg8[%swap3A_1451] {strides = array<i32>} : memref<4096xf32, #tpu.memory_space<vmem>>, vector<16xf32>,
    tpu.vector_store %arg8[%swap3A_1451], %gather3A_1438 {strides = array<i32>} : memref<4096xf32, #tpu.memory_space<vmem>>, vector<16xf32>,
    %swap3A_1453 = arith.constant 3664 : index
    %swap3A_1454 = tpu.vector_load %arg8[%swap3A_1453] {strides = array<i32>} : memref<4096xf32, #tpu.memory_space<vmem>>, vector<16xf32>,
    tpu.vector_store %arg8[%swap3A_1453], %gather3A_1442 {strides = array<i32>} : memref<4096xf32, #tpu.memory_space<vmem>>, vector<16xf32>,
    %swap3A_1455 = arith.constant 3680 : index
    %swap3A_1456 = tpu.vector_load %arg8[%swap3A_1455] {strides = array<i32>} : memref<4096xf32, #tpu.memory_space<vmem>>, vector<16xf32>,
    tpu.vector_store %arg8[%swap3A_1455], %gather3A_1446 {strides = array<i32>} : memref<4096xf32, #tpu.memory_space<vmem>>, vector<16xf32>,
    %swap3A_1457 = arith.constant 3696 : index
    %swap3A_1458 = tpu.vector_load %arg8[%swap3A_1457] {strides = array<i32>} : memref<4096xf32, #tpu.memory_space<vmem>>, vector<16xf32>,
    tpu.vector_store %arg8[%swap3A_1457], %gather3A_1450 {strides = array<i32>} : memref<4096xf32, #tpu.memory_space<vmem>>, vector<16xf32>,
    %add3A_1459 = arith.constant 3712 : i32
    %add3A_1460 = vector.broadcast %add3A_1459 : i32 to vector<16xi32>
    %add3A_1461 = arith.addi %add3A, %add3A_1460 : vector<16xi32>
    %gather3A_1462 = tpu.vector_load_idx %arg6[%add3A_1461] : memref<8192xf32, #tpu.memory_space<vmem>>[vector<16xi32>], vector<16xf32>,
    %add3A_1463 = arith.constant 3728 : i32
    %add3A_1464 = vector.broadcast %add3A_1463 : i32 to vector<16xi32>
    %add3A_1465 = arith.addi %add3A, %add3A_1464 : vector<16xi32>
    %gather3A_1466 = tpu.vector_load_idx %arg6[%add3A_1465] : memref<8192xf32, #tpu.memory_space<vmem>>[vector<16xi32>], vector<16xf32>,
    %add3A_1467 = arith.constant 3744 : i32
    %add3A_1468 = vector.broadcast %add3A_1467 : i32 to vector<16xi32>
    %add3A_1469 = arith.addi %add3A, %add3A_1468 : vector<16xi32>
    %gather3A_1470 = tpu.vector_load_idx %arg6[%add3A_1469] : memref<8192xf32, #tpu.memory_space<vmem>>[vector<16xi32>], vector<16xf32>,
    %add3A_1471 = arith.constant 3760 : i32
    %add3A_1472 = vector.broadcast %add3A_1471 : i32 to vector<16xi32>
    %add3A_1473 = arith.addi %add3A, %add3A_1472 : vector<16xi32>
    %gather3A_1474 = tpu.vector_load_idx %arg6[%add3A_1473] : memref<8192xf32, #tpu.memory_space<vmem>>[vector<16xi32>], vector<16xf32>,
    %swap3A_1475 = arith.constant 3712 : index
    %swap3A_1476 = tpu.vector_load %arg8[%swap3A_1475] {strides = array<i32>} : memref<4096xf32, #tpu.memory_space<vmem>>, vector<16xf32>,
    tpu.vector_store %arg8[%swap3A_1475], %gather3A_1462 {strides = array<i32>} : memref<4096xf32, #tpu.memory_space<vmem>>, vector<16xf32>,
    %swap3A_1477 = arith.constant 3728 : index
    %swap3A_1478 = tpu.vector_load %arg8[%swap3A_1477] {strides = array<i32>} : memref<4096xf32, #tpu.memory_space<vmem>>, vector<16xf32>,
    tpu.vector_store %arg8[%swap3A_1477], %gather3A_1466 {strides = array<i32>} : memref<4096xf32, #tpu.memory_space<vmem>>, vector<16xf32>,
    %swap3A_1479 = arith.constant 3744 : index
    %swap3A_1480 = tpu.vector_load %arg8[%swap3A_1479] {strides = array<i32>} : memref<4096xf32, #tpu.memory_space<vmem>>, vector<16xf32>,
    tpu.vector_store %arg8[%swap3A_1479], %gather3A_1470 {strides = array<i32>} : memref<4096xf32, #tpu.memory_space<vmem>>, vector<16xf32>,
    %swap3A_1481 = arith.constant 3760 : index
    %swap3A_1482 = tpu.vector_load %arg8[%swap3A_1481] {strides = array<i32>} : memref<4096xf32, #tpu.memory_space<vmem>>, vector<16xf32>,
    tpu.vector_store %arg8[%swap3A_1481], %gather3A_1474 {strides = array<i32>} : memref<4096xf32, #tpu.memory_space<vmem>>, vector<16xf32>,
    %add3A_1483 = arith.constant 3776 : i32
    %add3A_1484 = vector.broadcast %add3A_1483 : i32 to vector<16xi32>
    %add3A_1485 = arith.addi %add3A, %add3A_1484 : vector<16xi32>
    %gather3A_1486 = tpu.vector_load_idx %arg6[%add3A_1485] : memref<8192xf32, #tpu.memory_space<vmem>>[vector<16xi32>], vector<16xf32>,
    %add3A_1487 = arith.constant 3792 : i32
    %add3A_1488 = vector.broadcast %add3A_1487 : i32 to vector<16xi32>
    %add3A_1489 = arith.addi %add3A, %add3A_1488 : vector<16xi32>
    %gather3A_1490 = tpu.vector_load_idx %arg6[%add3A_1489] : memref<8192xf32, #tpu.memory_space<vmem>>[vector<16xi32>], vector<16xf32>,
    %add3A_1491 = arith.constant 3808 : i32
    %add3A_1492 = vector.broadcast %add3A_1491 : i32 to vector<16xi32>
    %add3A_1493 = arith.addi %add3A, %add3A_1492 : vector<16xi32>
    %gather3A_1494 = tpu.vector_load_idx %arg6[%add3A_1493] : memref<8192xf32, #tpu.memory_space<vmem>>[vector<16xi32>], vector<16xf32>,
    %add3A_1495 = arith.constant 3824 : i32
    %add3A_1496 = vector.broadcast %add3A_1495 : i32 to vector<16xi32>
    %add3A_1497 = arith.addi %add3A, %add3A_1496 : vector<16xi32>
    %gather3A_1498 = tpu.vector_load_idx %arg6[%add3A_1497] : memref<8192xf32, #tpu.memory_space<vmem>>[vector<16xi32>], vector<16xf32>,
    %swap3A_1499 = arith.constant 3776 : index
    %swap3A_1500 = tpu.vector_load %arg8[%swap3A_1499] {strides = array<i32>} : memref<4096xf32, #tpu.memory_space<vmem>>, vector<16xf32>,
    tpu.vector_store %arg8[%swap3A_1499], %gather3A_1486 {strides = array<i32>} : memref<4096xf32, #tpu.memory_space<vmem>>, vector<16xf32>,
    %swap3A_1501 = arith.constant 3792 : index
    %swap3A_1502 = tpu.vector_load %arg8[%swap3A_1501] {strides = array<i32>} : memref<4096xf32, #tpu.memory_space<vmem>>, vector<16xf32>,
    tpu.vector_store %arg8[%swap3A_1501], %gather3A_1490 {strides = array<i32>} : memref<4096xf32, #tpu.memory_space<vmem>>, vector<16xf32>,
    %swap3A_1503 = arith.constant 3808 : index
    %swap3A_1504 = tpu.vector_load %arg8[%swap3A_1503] {strides = array<i32>} : memref<4096xf32, #tpu.memory_space<vmem>>, vector<16xf32>,
    tpu.vector_store %arg8[%swap3A_1503], %gather3A_1494 {strides = array<i32>} : memref<4096xf32, #tpu.memory_space<vmem>>, vector<16xf32>,
    %swap3A_1505 = arith.constant 3824 : index
    %swap3A_1506 = tpu.vector_load %arg8[%swap3A_1505] {strides = array<i32>} : memref<4096xf32, #tpu.memory_space<vmem>>, vector<16xf32>,
    tpu.vector_store %arg8[%swap3A_1505], %gather3A_1498 {strides = array<i32>} : memref<4096xf32, #tpu.memory_space<vmem>>, vector<16xf32>,
    %add3A_1507 = arith.constant 3840 : i32
    %add3A_1508 = vector.broadcast %add3A_1507 : i32 to vector<16xi32>
    %add3A_1509 = arith.addi %add3A, %add3A_1508 : vector<16xi32>
    %gather3A_1510 = tpu.vector_load_idx %arg6[%add3A_1509] : memref<8192xf32, #tpu.memory_space<vmem>>[vector<16xi32>], vector<16xf32>,
    %add3A_1511 = arith.constant 3856 : i32
    %add3A_1512 = vector.broadcast %add3A_1511 : i32 to vector<16xi32>
    %add3A_1513 = arith.addi %add3A, %add3A_1512 : vector<16xi32>
    %gather3A_1514 = tpu.vector_load_idx %arg6[%add3A_1513] : memref<8192xf32, #tpu.memory_space<vmem>>[vector<16xi32>], vector<16xf32>,
    %add3A_1515 = arith.constant 3872 : i32
    %add3A_1516 = vector.broadcast %add3A_1515 : i32 to vector<16xi32>
    %add3A_1517 = arith.addi %add3A, %add3A_1516 : vector<16xi32>
    %gather3A_1518 = tpu.vector_load_idx %arg6[%add3A_1517] : memref<8192xf32, #tpu.memory_space<vmem>>[vector<16xi32>], vector<16xf32>,
    %add3A_1519 = arith.constant 3888 : i32
    %add3A_1520 = vector.broadcast %add3A_1519 : i32 to vector<16xi32>
    %add3A_1521 = arith.addi %add3A, %add3A_1520 : vector<16xi32>
    %gather3A_1522 = tpu.vector_load_idx %arg6[%add3A_1521] : memref<8192xf32, #tpu.memory_space<vmem>>[vector<16xi32>], vector<16xf32>,
    %swap3A_1523 = arith.constant 3840 : index
    %swap3A_1524 = tpu.vector_load %arg8[%swap3A_1523] {strides = array<i32>} : memref<4096xf32, #tpu.memory_space<vmem>>, vector<16xf32>,
    tpu.vector_store %arg8[%swap3A_1523], %gather3A_1510 {strides = array<i32>} : memref<4096xf32, #tpu.memory_space<vmem>>, vector<16xf32>,
    %swap3A_1525 = arith.constant 3856 : index
    %swap3A_1526 = tpu.vector_load %arg8[%swap3A_1525] {strides = array<i32>} : memref<4096xf32, #tpu.memory_space<vmem>>, vector<16xf32>,
    tpu.vector_store %arg8[%swap3A_1525], %gather3A_1514 {strides = array<i32>} : memref<4096xf32, #tpu.memory_space<vmem>>, vector<16xf32>,
    %swap3A_1527 = arith.constant 3872 : index
    %swap3A_1528 = tpu.vector_load %arg8[%swap3A_1527] {strides = array<i32>} : memref<4096xf32, #tpu.memory_space<vmem>>, vector<16xf32>,
    tpu.vector_store %arg8[%swap3A_1527], %gather3A_1518 {strides = array<i32>} : memref<4096xf32, #tpu.memory_space<vmem>>, vector<16xf32>,
    %swap3A_1529 = arith.constant 3888 : index
    %swap3A_1530 = tpu.vector_load %arg8[%swap3A_1529] {strides = array<i32>} : memref<4096xf32, #tpu.memory_space<vmem>>, vector<16xf32>,
    tpu.vector_store %arg8[%swap3A_1529], %gather3A_1522 {strides = array<i32>} : memref<4096xf32, #tpu.memory_space<vmem>>, vector<16xf32>,
    %add3A_1531 = arith.constant 3904 : i32
    %add3A_1532 = vector.broadcast %add3A_1531 : i32 to vector<16xi32>
    %add3A_1533 = arith.addi %add3A, %add3A_1532 : vector<16xi32>
    %gather3A_1534 = tpu.vector_load_idx %arg6[%add3A_1533] : memref<8192xf32, #tpu.memory_space<vmem>>[vector<16xi32>], vector<16xf32>,
    %add3A_1535 = arith.constant 3920 : i32
    %add3A_1536 = vector.broadcast %add3A_1535 : i32 to vector<16xi32>
    %add3A_1537 = arith.addi %add3A, %add3A_1536 : vector<16xi32>
    %gather3A_1538 = tpu.vector_load_idx %arg6[%add3A_1537] : memref<8192xf32, #tpu.memory_space<vmem>>[vector<16xi32>], vector<16xf32>,
    %add3A_1539 = arith.constant 3936 : i32
    %add3A_1540 = vector.broadcast %add3A_1539 : i32 to vector<16xi32>
    %add3A_1541 = arith.addi %add3A, %add3A_1540 : vector<16xi32>
    %gather3A_1542 = tpu.vector_load_idx %arg6[%add3A_1541] : memref<8192xf32, #tpu.memory_space<vmem>>[vector<16xi32>], vector<16xf32>,
    %add3A_1543 = arith.constant 3952 : i32
    %add3A_1544 = vector.broadcast %add3A_1543 : i32 to vector<16xi32>
    %add3A_1545 = arith.addi %add3A, %add3A_1544 : vector<16xi32>
    %gather3A_1546 = tpu.vector_load_idx %arg6[%add3A_1545] : memref<8192xf32, #tpu.memory_space<vmem>>[vector<16xi32>], vector<16xf32>,
    %swap3A_1547 = arith.constant 3904 : index
    %swap3A_1548 = tpu.vector_load %arg8[%swap3A_1547] {strides = array<i32>} : memref<4096xf32, #tpu.memory_space<vmem>>, vector<16xf32>,
    tpu.vector_store %arg8[%swap3A_1547], %gather3A_1534 {strides = array<i32>} : memref<4096xf32, #tpu.memory_space<vmem>>, vector<16xf32>,
    %swap3A_1549 = arith.constant 3920 : index
    %swap3A_1550 = tpu.vector_load %arg8[%swap3A_1549] {strides = array<i32>} : memref<4096xf32, #tpu.memory_space<vmem>>, vector<16xf32>,
    tpu.vector_store %arg8[%swap3A_1549], %gather3A_1538 {strides = array<i32>} : memref<4096xf32, #tpu.memory_space<vmem>>, vector<16xf32>,
    %swap3A_1551 = arith.constant 3936 : index
    %swap3A_1552 = tpu.vector_load %arg8[%swap3A_1551] {strides = array<i32>} : memref<4096xf32, #tpu.memory_space<vmem>>, vector<16xf32>,
    tpu.vector_store %arg8[%swap3A_1551], %gather3A_1542 {strides = array<i32>} : memref<4096xf32, #tpu.memory_space<vmem>>, vector<16xf32>,
    %swap3A_1553 = arith.constant 3952 : index
    %swap3A_1554 = tpu.vector_load %arg8[%swap3A_1553] {strides = array<i32>} : memref<4096xf32, #tpu.memory_space<vmem>>, vector<16xf32>,
    tpu.vector_store %arg8[%swap3A_1553], %gather3A_1546 {strides = array<i32>} : memref<4096xf32, #tpu.memory_space<vmem>>, vector<16xf32>,
    %add3A_1555 = arith.constant 3968 : i32
    %add3A_1556 = vector.broadcast %add3A_1555 : i32 to vector<16xi32>
    %add3A_1557 = arith.addi %add3A, %add3A_1556 : vector<16xi32>
    %gather3A_1558 = tpu.vector_load_idx %arg6[%add3A_1557] : memref<8192xf32, #tpu.memory_space<vmem>>[vector<16xi32>], vector<16xf32>,
    %add3A_1559 = arith.constant 3984 : i32
    %add3A_1560 = vector.broadcast %add3A_1559 : i32 to vector<16xi32>
    %add3A_1561 = arith.addi %add3A, %add3A_1560 : vector<16xi32>
    %gather3A_1562 = tpu.vector_load_idx %arg6[%add3A_1561] : memref<8192xf32, #tpu.memory_space<vmem>>[vector<16xi32>], vector<16xf32>,
    %add3A_1563 = arith.constant 4000 : i32
    %add3A_1564 = vector.broadcast %add3A_1563 : i32 to vector<16xi32>
    %add3A_1565 = arith.addi %add3A, %add3A_1564 : vector<16xi32>
    %gather3A_1566 = tpu.vector_load_idx %arg6[%add3A_1565] : memref<8192xf32, #tpu.memory_space<vmem>>[vector<16xi32>], vector<16xf32>,
    %add3A_1567 = arith.constant 4016 : i32
    %add3A_1568 = vector.broadcast %add3A_1567 : i32 to vector<16xi32>
    %add3A_1569 = arith.addi %add3A, %add3A_1568 : vector<16xi32>
    %gather3A_1570 = tpu.vector_load_idx %arg6[%add3A_1569] : memref<8192xf32, #tpu.memory_space<vmem>>[vector<16xi32>], vector<16xf32>,
    %swap3A_1571 = arith.constant 3968 : index
    %swap3A_1572 = tpu.vector_load %arg8[%swap3A_1571] {strides = array<i32>} : memref<4096xf32, #tpu.memory_space<vmem>>, vector<16xf32>,
    tpu.vector_store %arg8[%swap3A_1571], %gather3A_1558 {strides = array<i32>} : memref<4096xf32, #tpu.memory_space<vmem>>, vector<16xf32>,
    %swap3A_1573 = arith.constant 3984 : index
    %swap3A_1574 = tpu.vector_load %arg8[%swap3A_1573] {strides = array<i32>} : memref<4096xf32, #tpu.memory_space<vmem>>, vector<16xf32>,
    tpu.vector_store %arg8[%swap3A_1573], %gather3A_1562 {strides = array<i32>} : memref<4096xf32, #tpu.memory_space<vmem>>, vector<16xf32>,
    %swap3A_1575 = arith.constant 4000 : index
    %swap3A_1576 = tpu.vector_load %arg8[%swap3A_1575] {strides = array<i32>} : memref<4096xf32, #tpu.memory_space<vmem>>, vector<16xf32>,
    tpu.vector_store %arg8[%swap3A_1575], %gather3A_1566 {strides = array<i32>} : memref<4096xf32, #tpu.memory_space<vmem>>, vector<16xf32>,
    %swap3A_1577 = arith.constant 4016 : index
    %swap3A_1578 = tpu.vector_load %arg8[%swap3A_1577] {strides = array<i32>} : memref<4096xf32, #tpu.memory_space<vmem>>, vector<16xf32>,
    tpu.vector_store %arg8[%swap3A_1577], %gather3A_1570 {strides = array<i32>} : memref<4096xf32, #tpu.memory_space<vmem>>, vector<16xf32>,
    %add3A_1579 = arith.constant 4032 : i32
    %add3A_1580 = vector.broadcast %add3A_1579 : i32 to vector<16xi32>
    %add3A_1581 = arith.addi %add3A, %add3A_1580 : vector<16xi32>
    %gather3A_1582 = tpu.vector_load_idx %arg6[%add3A_1581] : memref<8192xf32, #tpu.memory_space<vmem>>[vector<16xi32>], vector<16xf32>,
    %add3A_1583 = arith.constant 4048 : i32
    %add3A_1584 = vector.broadcast %add3A_1583 : i32 to vector<16xi32>
    %add3A_1585 = arith.addi %add3A, %add3A_1584 : vector<16xi32>
    %gather3A_1586 = tpu.vector_load_idx %arg6[%add3A_1585] : memref<8192xf32, #tpu.memory_space<vmem>>[vector<16xi32>], vector<16xf32>,
    %add3A_1587 = arith.constant 4064 : i32
    %add3A_1588 = vector.broadcast %add3A_1587 : i32 to vector<16xi32>
    %add3A_1589 = arith.addi %add3A, %add3A_1588 : vector<16xi32>
    %gather3A_1590 = tpu.vector_load_idx %arg6[%add3A_1589] : memref<8192xf32, #tpu.memory_space<vmem>>[vector<16xi32>], vector<16xf32>,
    %add3A_1591 = arith.constant 4080 : i32
    %add3A_1592 = vector.broadcast %add3A_1591 : i32 to vector<16xi32>
    %add3A_1593 = arith.addi %add3A, %add3A_1592 : vector<16xi32>
    %gather3A_1594 = tpu.vector_load_idx %arg6[%add3A_1593] : memref<8192xf32, #tpu.memory_space<vmem>>[vector<16xi32>], vector<16xf32>,
    %swap3A_1595 = arith.constant 4032 : index
    %swap3A_1596 = tpu.vector_load %arg8[%swap3A_1595] {strides = array<i32>} : memref<4096xf32, #tpu.memory_space<vmem>>, vector<16xf32>,
    tpu.vector_store %arg8[%swap3A_1595], %gather3A_1582 {strides = array<i32>} : memref<4096xf32, #tpu.memory_space<vmem>>, vector<16xf32>,
    %swap3A_1597 = arith.constant 4048 : index
    %swap3A_1598 = tpu.vector_load %arg8[%swap3A_1597] {strides = array<i32>} : memref<4096xf32, #tpu.memory_space<vmem>>, vector<16xf32>,
    tpu.vector_store %arg8[%swap3A_1597], %gather3A_1586 {strides = array<i32>} : memref<4096xf32, #tpu.memory_space<vmem>>, vector<16xf32>,
    %swap3A_1599 = arith.constant 4064 : index
    %swap3A_1600 = tpu.vector_load %arg8[%swap3A_1599] {strides = array<i32>} : memref<4096xf32, #tpu.memory_space<vmem>>, vector<16xf32>,
    tpu.vector_store %arg8[%swap3A_1599], %gather3A_1590 {strides = array<i32>} : memref<4096xf32, #tpu.memory_space<vmem>>, vector<16xf32>,
    %swap3A_1601 = arith.constant 4080 : index
    %swap3A_1602 = tpu.vector_load %arg8[%swap3A_1601] {strides = array<i32>} : memref<4096xf32, #tpu.memory_space<vmem>>, vector<16xf32>,
    tpu.vector_store %arg8[%swap3A_1601], %gather3A_1594 {strides = array<i32>} : memref<4096xf32, #tpu.memory_space<vmem>>, vector<16xf32>,
    %dma_start3A_1603 = arith.constant 3072 : i32
    %dma_start3A_1604 = tpu.memref_slice %arg8[%dma_start3A_1603] : memref<4096xf32, #tpu.memory_space<vmem>> -> memref<1024xf32, #tpu.memory_space<vmem>>
    %dma_start3A_1605 = arith.constant 3072 : i32
    %dma_start3A_1606 = tpu.memref_slice %arg5[%arg1, %dma_start3A_1605] : memref<16x4096xf32, #tpu.memory_space<hbm>> -> memref<1x1024xf32, #tpu.memory_space<hbm>>
    %dma_start3A_1607 = tpu.memref_squeeze %dma_start3A_1606 : memref<1x1024xf32, #tpu.memory_space<hbm>> -> memref<1024xf32, #tpu.memory_space<hbm>>
    %dma_start3A_1608 = arith.constant 3072 : i32
    %dma_start3A_1609 = tpu.memref_slice %arg5[%arg1, %dma_start3A_1608] : memref<16x4096xf32, #tpu.memory_space<hbm>> -> memref<1x1024xf32, #tpu.memory_space<hbm>>
    %dma_start3A_1610 = tpu.memref_squeeze %dma_start3A_1609 : memref<1x1024xf32, #tpu.memory_space<hbm>> -> memref<1024xf32, #tpu.memory_space<hbm>>
    %dma_start3A_1611 = arith.constant 3072 : i32
    %dma_start3A_1612 = tpu.memref_slice %arg8[%dma_start3A_1611] : memref<4096xf32, #tpu.memory_space<vmem>> -> memref<1024xf32, #tpu.memory_space<vmem>>
    tpu.enqueue_dma source(%dma_start3A_1612 : memref<1024xf32, #tpu.memory_space<vmem>>) target(%dma_start3A_1610 : memref<1024xf32, #tpu.memory_space<hbm>>) target_semaphore(%arg11 : memref<!tpu.dma_semaphore, #tpu.memory_space<semaphore_mem>>)
    %dma_wait3A_1613 = arith.constant 0 : i32
    %dma_wait3A_1614 = tpu.memref_slice %arg8[%dma_wait3A_1613] : memref<4096xf32, #tpu.memory_space<vmem>> -> memref<1024xf32, #tpu.memory_space<vmem>>
    %dma_wait3A_1615 = arith.constant 0 : i32
    %dma_wait3A_1616 = tpu.memref_slice %arg5[%arg1, %dma_wait3A_1615] : memref<16x4096xf32, #tpu.memory_space<hbm>> -> memref<1x1024xf32, #tpu.memory_space<hbm>>
    %dma_wait3A_1617 = tpu.memref_squeeze %dma_wait3A_1616 : memref<1x1024xf32, #tpu.memory_space<hbm>> -> memref<1024xf32, #tpu.memory_space<hbm>>
    %dma_wait3A_1618 = arith.constant 0 : i32
    %dma_wait3A_1619 = tpu.memref_slice %arg5[%arg1, %dma_wait3A_1618] : memref<16x4096xf32, #tpu.memory_space<hbm>> -> memref<1x1024xf32, #tpu.memory_space<hbm>>
    %dma_wait3A_1620 = tpu.memref_squeeze %dma_wait3A_1619 : memref<1x1024xf32, #tpu.memory_space<hbm>> -> memref<1024xf32, #tpu.memory_space<hbm>>
    %dma_wait3A_1621 = arith.constant 0 : i32
    %dma_wait3A_1622 = tpu.memref_slice %arg8[%dma_wait3A_1621] : memref<4096xf32, #tpu.memory_space<vmem>> -> memref<1024xf32, #tpu.memory_space<vmem>>
    tpu.wait_dma2 semaphore(%arg11 : memref<!tpu.dma_semaphore, #tpu.memory_space<semaphore_mem>>) src(%dma_wait3A_1622 : memref<1024xf32, #tpu.memory_space<vmem>>) dst(%dma_wait3A_1620 : memref<1024xf32, #tpu.memory_space<hbm>>)
    %dma_wait3A_1623 = arith.constant 1024 : i32
    %dma_wait3A_1624 = tpu.memref_slice %arg8[%dma_wait3A_1623] : memref<4096xf32, #tpu.memory_space<vmem>> -> memref<1024xf32, #tpu.memory_space<vmem>>
    %dma_wait3A_1625 = arith.constant 1024 : i32
    %dma_wait3A_1626 = tpu.memref_slice %arg5[%arg1, %dma_wait3A_1625] : memref<16x4096xf32, #tpu.memory_space<hbm>> -> memref<1x1024xf32, #tpu.memory_space<hbm>>
    %dma_wait3A_1627 = tpu.memref_squeeze %dma_wait3A_1626 : memref<1x1024xf32, #tpu.memory_space<hbm>> -> memref<1024xf32, #tpu.memory_space<hbm>>
    %dma_wait3A_1628 = arith.constant 1024 : i32
    %dma_wait3A_1629 = tpu.memref_slice %arg5[%arg1, %dma_wait3A_1628] : memref<16x4096xf32, #tpu.memory_space<hbm>> -> memref<1x1024xf32, #tpu.memory_space<hbm>>
    %dma_wait3A_1630 = tpu.memref_squeeze %dma_wait3A_1629 : memref<1x1024xf32, #tpu.memory_space<hbm>> -> memref<1024xf32, #tpu.memory_space<hbm>>
    %dma_wait3A_1631 = arith.constant 1024 : i32
    %dma_wait3A_1632 = tpu.memref_slice %arg8[%dma_wait3A_1631] : memref<4096xf32, #tpu.memory_space<vmem>> -> memref<1024xf32, #tpu.memory_space<vmem>>
    tpu.wait_dma2 semaphore(%arg11 : memref<!tpu.dma_semaphore, #tpu.memory_space<semaphore_mem>>) src(%dma_wait3A_1632 : memref<1024xf32, #tpu.memory_space<vmem>>) dst(%dma_wait3A_1630 : memref<1024xf32, #tpu.memory_space<hbm>>)
    %dma_wait3A_1633 = arith.constant 2048 : i32
    %dma_wait3A_1634 = tpu.memref_slice %arg8[%dma_wait3A_1633] : memref<4096xf32, #tpu.memory_space<vmem>> -> memref<1024xf32, #tpu.memory_space<vmem>>
    %dma_wait3A_1635 = arith.constant 2048 : i32
    %dma_wait3A_1636 = tpu.memref_slice %arg5[%arg1, %dma_wait3A_1635] : memref<16x4096xf32, #tpu.memory_space<hbm>> -> memref<1x1024xf32, #tpu.memory_space<hbm>>
    %dma_wait3A_1637 = tpu.memref_squeeze %dma_wait3A_1636 : memref<1x1024xf32, #tpu.memory_space<hbm>> -> memref<1024xf32, #tpu.memory_space<hbm>>
    %dma_wait3A_1638 = arith.constant 2048 : i32
    %dma_wait3A_1639 = tpu.memref_slice %arg5[%arg1, %dma_wait3A_1638] : memref<16x4096xf32, #tpu.memory_space<hbm>> -> memref<1x1024xf32, #tpu.memory_space<hbm>>
    %dma_wait3A_1640 = tpu.memref_squeeze %dma_wait3A_1639 : memref<1x1024xf32, #tpu.memory_space<hbm>> -> memref<1024xf32, #tpu.memory_space<hbm>>
    %dma_wait3A_1641 = arith.constant 2048 : i32
    %dma_wait3A_1642 = tpu.memref_slice %arg8[%dma_wait3A_1641] : memref<4096xf32, #tpu.memory_space<vmem>> -> memref<1024xf32, #tpu.memory_space<vmem>>
    tpu.wait_dma2 semaphore(%arg11 : memref<!tpu.dma_semaphore, #tpu.memory_space<semaphore_mem>>) src(%dma_wait3A_1642 : memref<1024xf32, #tpu.memory_space<vmem>>) dst(%dma_wait3A_1640 : memref<1024xf32, #tpu.memory_space<hbm>>)
    %dma_wait3A_1643 = arith.constant 3072 : i32
    %dma_wait3A_1644 = tpu.memref_slice %arg8[%dma_wait3A_1643] : memref<4096xf32, #tpu.memory_space<vmem>> -> memref<1024xf32, #tpu.memory_space<vmem>>
    %dma_wait3A_1645 = arith.constant 3072 : i32
    %dma_wait3A_1646 = tpu.memref_slice %arg5[%arg1, %dma_wait3A_1645] : memref<16x4096xf32, #tpu.memory_space<hbm>> -> memref<1x1024xf32, #tpu.memory_space<hbm>>
    %dma_wait3A_1647 = tpu.memref_squeeze %dma_wait3A_1646 : memref<1x1024xf32, #tpu.memory_space<hbm>> -> memref<1024xf32, #tpu.memory_space<hbm>>
    %dma_wait3A_1648 = arith.constant 3072 : i32
    %dma_wait3A_1649 = tpu.memref_slice %arg5[%arg1, %dma_wait3A_1648] : memref<16x4096xf32, #tpu.memory_space<hbm>> -> memref<1x1024xf32, #tpu.memory_space<hbm>>
    %dma_wait3A_1650 = tpu.memref_squeeze %dma_wait3A_1649 : memref<1x1024xf32, #tpu.memory_space<hbm>> -> memref<1024xf32, #tpu.memory_space<hbm>>
    %dma_wait3A_1651 = arith.constant 3072 : i32
    %dma_wait3A_1652 = tpu.memref_slice %arg8[%dma_wait3A_1651] : memref<4096xf32, #tpu.memory_space<vmem>> -> memref<1024xf32, #tpu.memory_space<vmem>>
    tpu.wait_dma2 semaphore(%arg11 : memref<!tpu.dma_semaphore, #tpu.memory_space<semaphore_mem>>) src(%dma_wait3A_1652 : memref<1024xf32, #tpu.memory_space<vmem>>) dst(%dma_wait3A_1650 : memref<1024xf32, #tpu.memory_space<hbm>>)
    return
  }
}

</mosaic_0001>

<sc_bundles>
// kernel: kernel.3.cloned.1.call-start
scs
__scs_entry_jumppad:
0x0: {  	(pc) =	sbr.rel $0x88, $3  }
0x1: {  	(tag) =	ssettag $0x0;
	lr =	simm.s32 $0x1  }
0x2: {  	[smem:$0x3F9E] =	sst lr;
	_ =	strace $0xD0000000  }
0x3: {  	_ = 	snop  }
0x4: {  	_ = 	snop  }
0x5: {  	_ = 	snop  }
0x6: {  	_ = 	snop  }
0x7: {  	_ = 	snop  }
__scs_overlays_trampoline_lowered:
0x8: {  	[smem:$0x3FAD] =	sst s0  }
0x9: {  	[smem:$0x3FAE] =	sst s1  }
0xa: {  	[smem:$0x3FAF] =	sst s2  }
0xb: {  	[smem:$0x3FB0] =	sst s3  }
0xc: {  	[smem:$0x3FB1] =	sst s4  }
0xd: {  	[smem:$0x3FB2] =	sst s5  }
0xe: {  	[smem:$0x3FB3] =	sst s6  }
0xf: {  	[smem:$0x3FB4] =	sst s7  }
0x10: {  	[smem:$0x3FB5] =	sst s8  }
0x11: {  	[smem:$0x3FB6] =	sst s9;
	s0 =	simm.s32 @!p0 $0x0  }
0x12: {  	s1 =	sld [smem:$0x3F9C];
	s0 =	simm.s32 @p0 $0x1  }
0x13: {  	[smem:$0x3FB7] =	sst s0;
	s0 =	simm.s32 @!p1 $0x0  }
0x14: {  	s2 =	sld [smem:$0x3F9B];
	s0 =	simm.s32 @p1 $0x1  }
0x15: {  	[smem:$0x3FB8] =	sst s0;
	s0 =	simm.s32 @!p2 $0x0  }
0x16: {  	s3 =	sld [smem:$0x3FDB];
	s0 =	simm.s32 @p2 $0x1  }
0x17: {  	s4 =	simm.s32 $0x1BF5;
	[smem:$0x3FBA] =	sst s0  }
0x18: {  	s0 =	sld [smem:$0x3F9D];
	_ =	swait.ge [sflag:s4], $0x0  }
0x19: {  	s7 =	sld [smem:$0x3F9E]  }
0x1a: {  	s8 =	sadd.s32 $0xFFFFE003, lr  }
0x1b: {  	s9 =	sadd.s32 $0xFFFFFEF7, lr;
	s5 =	simm.s32 $0xFFFFFFFF;
	p2 =	slt.u32 s8, $0xFFFFF086  }
0x1c: {  	p1 =	slt.u32 s9, $0xF7A;
	s5 =	simm.s32 @!p2 $0x0  }
0x1d: {  	s5 =	simm.s32 @p1 $0x1;
	p0 =	seq.s32 s7, s2  }
0x1e: {  	s7 =	smul.u32 @!p0 $0xF7A, s2;
	p2 =	seq.s32 @!p0 s5, $0x0  }
0x1f: {  	s9 =	smul.u32 $0xF7A, s1;
	s8 =	simm.s32 @!p0 $0x1BF5;
	p2 =	por !p2, p0  }
0x20: {  	[sflag:s8] =	ssyncset.s32 @!p0 $0xFFFFF086;
	s6 =	sadd.s32 @!p0 s3, s7;
	s7 =	simm.s32 @!p0 $0x108  }
0x21: {  	s3 =	sadd.s32 s3, s9;
	s6 =	sadd.s32 @!p0 $0x88, s6;
	s7 =	simm.s32 @p2 $0x1082  }
0x22: {  	[simem:s7], [sflag:s8] =	dma.local @!p0 [hbm:s6], $0xF7A  }
0x23: {  	s9 =	sor.u32 $0xD0000000, s2;
	s6 =	simm.s32 $0x108;
	_ =	swait.ge @!p0 [sflag:s8], $0x0  }
0x24: {  	s3 =	sadd.s32 $0x88, s3;
	s6 =	simm.s32 @!p1 $0x1082;
	[sflag:s4] =	ssyncset.s32 $0xFFFFF086  }
0x25: {  	[simem:s6], [sflag:s4] =	dma.local [hbm:s3], $0xF7A  }
0x26: {  	[smem:$0x3F9E] =	sst s1;
	(tag) =	ssettag s2;
	_ =	strace s9  }
0x27: {  	s1 =	sld [smem:$0x3FAE]  }
0x28: {  	s2 =	sld [smem:$0x3FAF]  }
0x29: {  	s4 =	sld [smem:$0x3FB1]  }
0x2a: {  	p0 =	seq.s32 s5, $0x0;
	s5 =	sld [smem:$0x3FB2]  }
0x2b: {  	s6 =	sld [smem:$0x3FB3]  }
0x2c: {  	s7 =	sld [smem:$0x3FB4]  }
0x2d: {  	s3 =	simm.s32 $0x108;
	s8 =	sld [smem:$0x3FB5]  }
0x2e: {  	s3 =	simm.s32 @!p0 $0x1082;
	s9 =	sld [smem:$0x3FB6]  }
0x2f: {  	lr =	sadd.s32 s0, s3;
	s0 =	sld [smem:$0x3FAD]  }
0x30: {  	s3 =	sld [smem:$0x3FB0]  }
0x31: {  	[smem:$0x3FB9] =	sst s10  }
0x32: {  	s10 =	sld [smem:$0x3FB7];
	_ =	sdelay $0x3  }
0x33: {  	p0 =	seq.s32 s10, $0x1;
	s10 =	sld [smem:$0x3FB9];
	_ =	sdelay $0x3  }
0x34: {  	[smem:$0x3FB9] =	sst s10  }
0x35: {  	s10 =	sld [smem:$0x3FB8];
	_ =	sdelay $0x3  }
0x36: {  	p1 =	seq.s32 s10, $0x1;
	s10 =	sld [smem:$0x3FB9];
	_ =	sdelay $0x3  }
0x37: {  	[smem:$0x3FB9] =	sst s10  }
0x38: {  	s10 =	sld [smem:$0x3FBA]  }
0x39: {  	_ = 	snop;
	(pc) =	sbr.ind lr, $3  }
0x3a: {  	_ = 	snop  }
0x3b: {  	_ = 	snop  }
0x3c: {  	p2 =	seq.s32 s10, $0x1;
	s10 =	sld [smem:$0x3FB9]  }
0x3d: {  	_ =	shalt  }
0x3e: {  	_ =	shalt  }
0x3f: {  	_ =	shalt  }
0x40: {  	_ =	shalt  }
0x41: {  	_ =	shalt  }
0x42: {  	_ =	shalt  }
0x43: {  	_ =	shalt  }
0x44: {  	_ =	shalt  }
0x45: {  	_ =	shalt  }
0x46: {  	_ =	shalt  }
0x47: {  	_ =	shalt  }
0x48: {  	_ =	shalt  }
0x49: {  	_ =	shalt  }
0x4a: {  	_ =	shalt  }
0x4b: {  	_ =	shalt  }
0x4c: {  	_ =	shalt  }
0x4d: {  	_ =	shalt  }
0x4e: {  	_ =	shalt  }
0x4f: {  	_ =	shalt  }
0x50: {  	_ =	shalt  }
0x51: {  	_ =	shalt  }
0x52: {  	_ =	shalt  }
0x53: {  	_ =	shalt  }
0x54: {  	_ =	shalt  }
0x55: {  	_ =	shalt  }
0x56: {  	_ =	shalt  }
0x57: {  	_ =	shalt  }
0x58: {  	_ =	shalt  }
0x59: {  	_ =	shalt  }
0x5a: {  	_ =	shalt  }
0x5b: {  	_ =	shalt  }
0x5c: {  	_ =	shalt  }
0x5d: {  	_ =	shalt  }
0x5e: {  	_ =	shalt  }
0x5f: {  	_ =	shalt  }
0x60: {  	_ =	shalt  }
0x61: {  	_ =	shalt  }
0x62: {  	_ =	shalt  }
0x63: {  	_ =	shalt  }
0x64: {  	_ =	shalt  }
0x65: {  	_ =	shalt  }
0x66: {  	_ =	shalt  }
0x67: {  	_ =	shalt  }
0x68: {  	_ =	shalt  }
0x69: {  	_ =	shalt  }
0x6a: {  	_ =	shalt  }
0x6b: {  	_ =	shalt  }
0x6c: {  	_ =	shalt  }
0x6d: {  	_ =	shalt  }
0x6e: {  	_ =	shalt  }
0x6f: {  	_ =	shalt  }
0x70: {  	_ =	shalt  }
0x71: {  	_ =	shalt  }
0x72: {  	_ =	shalt  }
0x73: {  	_ =	shalt  }
0x74: {  	_ =	shalt  }
0x75: {  	_ =	shalt  }
0x76: {  	_ =	shalt  }
0x77: {  	_ =	shalt  }
0x78: {  	_ =	shalt  }
0x79: {  	_ =	shalt  }
0x7a: {  	_ =	shalt  }
0x7b: {  	_ =	shalt  }
0x7c: {  	_ =	shalt  }
0x7d: {  	_ =	shalt  }
0x7e: {  	_ =	shalt  }
0x7f: {  	_ =	shalt  }
0x80: {  	_ =	shalt  }
0x81: {  	_ =	shalt  }
0x82: {  	_ =	shalt  }
0x83: {  	_ =	shalt  }
0x84: {  	_ =	shalt  }
0x85: {  	_ =	shalt  }
0x86: {  	_ =	shalt  }
0x87: {  	_ =	shalt  }
.Lfunc_end0:
.L_simem_size_0:
called_computation_lowered:
.L_overlay_start_0:
0x88: {  	s0 =	sld [smem:$0x3FD9]  }
0x89: {  	s1 =	sld [smem:$0x3FFE];
	_ =	sdelay $0x3  }
0x8a: {  	s0 =	sadd.s32 s1, s0  }
0x8b: {  	[smem:$0x3FC5] =	sst s0  }
0x8c: {  	_ = 	snop  }
0x8d: {  	s0 =	sld [smem:$0x3FD0]  }
0x8e: {  	s14 =	sld [smem:$0x3FC9]  }
0x8f: {  	s2 =	sld [smem:$0x3FC8]  }
0x90: {  	s4 =	simm.s32 $0xA;
	s5 =	simm.s32 $0x10;
	s3 =	sld [smem:$0x3FC7]  }
0x91: {  	[smem:s5], [sflag:s4] =	dma.local [hbm:s0], $0x1  }
0x92: {  	_ =	swait.eq [sflag:s4], $0x1  }
0x93: {  	[sflag:s4] =	ssyncset.done $0x0  }
0x94: {  	[sflag:s4] =	ssyncadd.s32 $0xFFFFFFFF  }
0x95: {  	s15 =	sld [smem:$0x10];
	(tm) =	ssettm $0x1  }
0x96: {  	s16 =	sld [smem:$0x3FFB];
	_ =	sdelay $0x3  }
0x97: {  	_ =	strace s16  }
0x98: {  	s4 =	sld [smem:$0x3FFC];
	_ =	sdelay $0x3  }
0x99: {  	_ =	strace s4  }
0x9a: {  	s4 =	sld [smem:$0x3FFD];
	_ =	sdelay $0x3  }
0x9b: {  	_ =	strace s4  }
0x9c: {  	_ =	strace $0x8FFFFFFF  }
0x9d: {  	s17 =	sld [smem:$0x3FDB];
	_ =	sdelay $0x1  }
0x9e: {  	s18 =	simm.s32 $_scs_section_size  }
0x9f: {  	s6 =	simm.s32 $_size__tile_overlayer_lowered;
	s7 =	simm.s32 $_tile_overlayer_lowered  }
0xa0: {  	s21 =	simm.s32 $0x1BFF;
	s20 =	sshll.u32 s7, $0x1;
	s4 =	sadd.s32 s18, s17  }
0xa1: {  	s8 =	simm.s32 $0x0;
	s19 =	sshll.u32 s6, $0x1;
	s6 =	sadd.s32 s20, s4  }
0xa2: {  	[timem:s8], [sflag:s21] =	dma.local [hbm:s6], s19  }
0xa3: {  	_ =	swait.ge [sflag:s21], s19  }
0xa4: {  	s5 =	ssub.s32 $0x0, s19;
	[sflag:s21] =	ssyncset.done $0x0  }
0xa5: {  	[sflag:s21] =	ssyncadd.s32 s5;
	_ =	sdelay $0x1  }
0xa6: {  	s22 =	simm.s32 $0x1B8B  }
0xa7: {  	_ =	swait.ge [sflag:s22], $0x1  }
0xa8: {  	[sflag:s22] =	ssyncset.done $0x0  }
0xa9: {  	s23 =	simm.s32 $0x1B8E;
	[sflag:s22] =	ssyncadd.s32 $0xFFFFFFFF  }
0xaa: {  	s24 =	simm.s32 $execute0_lowered;
	[smem:$0x3FD2] =	sst s23  }
0xab: {  	s5 =	sshll.u32 s24, $0x1;
	_ =	strace $0x80000046;
	[dreg:$0x1] =	wrdreg $0xFFFFFFFF  }
0xac: {  	s25 =	simm.s32 $_size_execute0_lowered;
	s4 =	sadd.s32 s4, s5;
	[dreg:$0x0] =	wrdreg $0x0  }
0xad: {  	s5 =	sshll.u32 s25, $0x1;
	[dreg:$0x2] =	wrdreg s4  }
0xae: {  	[dreg:$0x3] =	wrdreg s5  }
0xaf: {  	[dreg:$0x4] =	wrdreg $0xC0  }
0xb0: {  	_ =	task [dreg:s8], $0x5FFFF  }
0xb1: {  	[dreg:$0x1] =	wrdreg $0xFFFFFFFF  }
0xb2: {  	[dreg:$0x0] =	wrdreg $0x60  }
0xb3: {  	[dreg:$0x2] =	wrdreg s14  }
0xb4: {  	[dreg:$0x3] =	wrdreg s2  }
0xb5: {  	[dreg:$0x4] =	wrdreg s3  }
0xb6: {  	[dreg:$0x5] =	wrdreg s15  }
0xb7: {  	[dreg:$0x6] =	wrdreg $0x9  }
0xb8: {  	_ =	task.clear_ibuf [dreg:s8], $0x7FFFF;
	_ =	strace $0x90000046  }
0xb9: {  	s26 =	simm.s32 $0x9;
	_ =	strace $0x80000048  }
0xba: {  	_ =	swait.ge [sflag:s26], $0x1  }
0xbb: {  	[sflag:s26] =	ssyncadd.s32 $0xFFFFFFFF  }
0xbc: {  	_ =	strace $0x90000048  }
0xbd: {  	_ =	sfence  }
0xbe: {  	s28 =	sld [smem:$0x0];
	_ =	sdelay $0x1  }
0xbf: {  	s29 =	srdreg.scid  }
0xc0: {  	s30 =	sshll.u32 s29, $0xD;
	s31 =	sshrl.u32 s29, $0x2  }
0xc1: {  	s1 =	sand.u32 $0x1, s29;
	s2 =	sand.u32 $0x4000, s30;
	s0 =	sadd.s32 s31, s28  }
0xc2: {  	s1 =	sor.u32 s2, s1;
	s0 =	sshll.u32 s0, $0x11  }
0xc3: {  	s0 =	sor.u32 s0, s1  }
0xc4: {  	s0 =	sadd.s32 $0x8F2B, s0  }
0xc5: {  	[sflag:s0] =	ssyncadd.remote.s32 $0x1  }
0xc6: {  	_ =	sfence.sel $0xFFFF  }
0xc7: {  	[dreg:$0x0] =	wrdreg $0xFFFFFFFF;
	(pc) =	sbr.abs _section_cstart, $3  }
0xc8: {  	[dreg:$0x1] =	wrdreg $0xFFFFFFFF  }
0xc9: {  	_ =	task.clear_ibuf [dreg:s8], $0x2FFFF;
	_ =	strace $0x9FFFFFFF  }
0xca: {  	(tm) =	ssettm $0x7FFFFFFF  }
0xcb: {  	_ =	shalt  }
tec
execute0_lowered:
.L_overlay_start_1:
0x0: {  	(tag) =	ssettag $0x1  }
0x1: {  	s3 =	rddreg [dreg:$0x0]  }
0x2: {  	s7 =	rddreg [dreg:$0x1]  }
0x3: {  	s8 =	rddreg [dreg:$0x2];
	s1 =	stileid.u32  }
0x4: {  	s5 =	rddreg [dreg:$0x3];
	s4 =	sshll.u32 s1, $0x9;
	s6 =	sshll.u32 s1, $0x4  }
0x5: {  	s0 =	rddreg [dreg:$0x4];
	s2 =	simm.s32 $0x0;
	s4 =	sor.u32 s6, s4  }
0x6: {  	s17 =	simm.s32 $0x80;
	[smem:$0x7FF] =	sst s2;
	s6 =	sand.u32 $0x1070, s4  }
0x7: {  	s18 =	simm.s32 $0x400;
	_ =	strace $0x80000047;
	s9 =	sadd.s32 s3, s6  }
0x8: {  	[tilespmem:s2], [sflag:$0x1] =	stream.strided.gather [hbm4b:s9+s17], $0x1000, s18, s17, $0x38;
	[tilespmem:$0x3080] =	vst v63  }
0x9: {  	s19 =	simm.s32 $0x1000;
	s7 =	sadd.s32 s7, s6  }
0xa: {  	[tilespmem:s19], [sflag:$0x1] =	stream.strided.gather [hbm4b:s7+s17], $0x1000, s18, s17, $0x38;
	[tilespmem:$0x3080] =	vst v63  }
0xb: {  	s20 =	simm.s32 $0x2000;
	s21 =	simm.s32 $0x2;
	v0 =	vmov s1  }
0xc: {  	[tilespmem:s20], [sflag:$0x2] =	stream.linear.gather [hbm4b:s8+s2], $0x80, $0x38;
	[tilespmem:$0x3080] =	vst v63  }
0xd: {  	_ =	swait.ge [sflag:s21], $0x80  }
0xe: {  	[sflag:s21] =	ssyncset.done $0x0  }
0xf: {  	[sflag:s21] =	ssyncadd.s32 $0xFFFFFF80  }
0x10: {  	v0 =	vld.idx.msk [tilespmem:v0+s20+$0x0], $0xffff;
	_ =	sdelay $0x2  }
0x11: {  	s22 =	simm.s32 $0x1  }
0x12: {  	v1 =	vlaneseq.u32;
	_ =	swait.ge [sflag:s22], $0x1000  }
0x13: {  	v3 =	vor.u32 $0x10, v1;
	[sflag:s22] =	ssyncset.done $0x0;
	v2 =	vadd.s32 v1, v0  }
0x14: {  	v4 =	vor.u32 $0x20, v1;
	[sflag:s22] =	ssyncadd.s32 $0xFFFFF000;
	v3 =	vadd.s32 v3, v0  }
0x15: {  	v5 =	vor.u32 $0x30, v1;
	_ =	swait.ge [sflag:s22], $0x1000;
	v4 =	vadd.s32 v4, v0  }
0x16: {  	[sflag:s22] =	ssyncset.done $0x0;
	v5 =	vadd.s32 v5, v0  }
0x17: {  	[sflag:s22] =	ssyncadd.s32 $0xFFFFF000  }
0x18: {  	v2 =	vld.idx.msk [tilespmem:v2+s2+$0x0], $0xffff  }
0x19: {  	v3 =	vld.idx.msk [tilespmem:v3+s2+$0x0], $0xffff  }
0x1a: {  	v4 =	vld.idx.msk [tilespmem:v4+s2+$0x0], $0xffff  }
0x1b: {  	v6 =	vor.u32 $0x40, v1;
	v5 =	vld.idx.msk [tilespmem:v5+s2+$0x0], $0xffff  }
0x1c: {  	v7 =	vor.u32 $0x50, v1;
	v6 =	vadd.s32 v6, v0  }
0x1d: {  	v10 =	vor.u32 $0x60, v1;
	v9 =	vadd.s32 v7, v0;
	[tilespmem:$0x2080] =	vst v2  }
0x1e: {  	v12 =	vor.u32 $0x70, v1;
	v11 =	vadd.s32 v10, v0;
	[tilespmem:$0x2090] =	vst v3  }
0x1f: {  	v13 =	vadd.s32 v12, v0;
	[tilespmem:$0x20A0] =	vst v4  }
0x20: {  	[tilespmem:$0x20B0] =	vst v5  }
0x21: {  	v5 =	vld.idx.msk [tilespmem:v6+s2+$0x0], $0xffff  }
0x22: {  	v2 =	vld.idx.msk [tilespmem:v9+s2+$0x0], $0xffff  }
0x23: {  	v3 =	vld.idx.msk [tilespmem:v11+s2+$0x0], $0xffff  }
0x24: {  	v14 =	vor.u32 $0x80, v1;
	v4 =	vld.idx.msk [tilespmem:v13+s2+$0x0], $0xffff  }
0x25: {  	v15 =	vor.u32 $0x90, v1;
	v6 =	vadd.s32 v14, v0  }
0x26: {  	v17 =	vor.u32 $0xA0, v1;
	v16 =	vadd.s32 v15, v0;
	[tilespmem:$0x20C0] =	vst v5  }
0x27: {  	v19 =	vor.u32 $0xB0, v1;
	v18 =	vadd.s32 v17, v0;
	[tilespmem:$0x20D0] =	vst v2  }
0x28: {  	v20 =	vadd.s32 v19, v0;
	[tilespmem:$0x20E0] =	vst v3  }
0x29: {  	[tilespmem:$0x20F0] =	vst v4  }
0x2a: {  	v4 =	vld.idx.msk [tilespmem:v6+s2+$0x0], $0xffff  }
0x2b: {  	v5 =	vld.idx.msk [tilespmem:v16+s2+$0x0], $0xffff  }
0x2c: {  	v2 =	vld.idx.msk [tilespmem:v18+s2+$0x0], $0xffff  }
0x2d: {  	v21 =	vor.u32 $0xC0, v1;
	v3 =	vld.idx.msk [tilespmem:v20+s2+$0x0], $0xffff  }
0x2e: {  	v22 =	vor.u32 $0xD0, v1;
	v6 =	vadd.s32 v21, v0  }
0x2f: {  	v24 =	vor.u32 $0xE0, v1;
	v23 =	vadd.s32 v22, v0;
	[tilespmem:$0x2100] =	vst v4  }
0x30: {  	v26 =	vor.u32 $0xF0, v1;
	v25 =	vadd.s32 v24, v0;
	[tilespmem:$0x2110] =	vst v5  }
0x31: {  	v27 =	vadd.s32 v26, v0;
	[tilespmem:$0x2120] =	vst v2  }
0x32: {  	[tilespmem:$0x2130] =	vst v3  }
0x33: {  	v3 =	vld.idx.msk [tilespmem:v6+s2+$0x0], $0xffff  }
0x34: {  	v4 =	vld.idx.msk [tilespmem:v23+s2+$0x0], $0xffff  }
0x35: {  	v5 =	vld.idx.msk [tilespmem:v25+s2+$0x0], $0xffff  }
0x36: {  	v28 =	vor.u32 $0x100, v1;
	v2 =	vld.idx.msk [tilespmem:v27+s2+$0x0], $0xffff  }
0x37: {  	v29 =	vor.u32 $0x110, v1;
	v6 =	vadd.s32 v28, v0  }
0x38: {  	v31 =	vor.u32 $0x120, v1;
	v30 =	vadd.s32 v29, v0;
	[tilespmem:$0x2140] =	vst v3  }
0x39: {  	v33 =	vor.u32 $0x130, v1;
	v32 =	vadd.s32 v31, v0;
	[tilespmem:$0x2150] =	vst v4  }
0x3a: {  	v34 =	vadd.s32 v33, v0;
	[tilespmem:$0x2160] =	vst v5  }
0x3b: {  	[tilespmem:$0x2170] =	vst v2  }
0x3c: {  	v2 =	vld.idx.msk [tilespmem:v6+s2+$0x0], $0xffff  }
0x3d: {  	v3 =	vld.idx.msk [tilespmem:v30+s2+$0x0], $0xffff  }
0x3e: {  	v4 =	vld.idx.msk [tilespmem:v32+s2+$0x0], $0xffff  }
0x3f: {  	v35 =	vor.u32 $0x140, v1;
	v5 =	vld.idx.msk [tilespmem:v34+s2+$0x0], $0xffff  }
0x40: {  	v36 =	vor.u32 $0x150, v1;
	v6 =	vadd.s32 v35, v0  }
0x41: {  	v38 =	vor.u32 $0x160, v1;
	v37 =	vadd.s32 v36, v0;
	[tilespmem:$0x2180] =	vst v2  }
0x42: {  	v40 =	vor.u32 $0x170, v1;
	v39 =	vadd.s32 v38, v0;
	[tilespmem:$0x2190] =	vst v3  }
0x43: {  	v41 =	vadd.s32 v40, v0;
	[tilespmem:$0x21A0] =	vst v4  }
0x44: {  	[tilespmem:$0x21B0] =	vst v5  }
0x45: {  	v5 =	vld.idx.msk [tilespmem:v6+s2+$0x0], $0xffff  }
0x46: {  	v2 =	vld.idx.msk [tilespmem:v37+s2+$0x0], $0xffff  }
0x47: {  	v3 =	vld.idx.msk [tilespmem:v39+s2+$0x0], $0xffff  }
0x48: {  	v42 =	vor.u32 $0x180, v1;
	v4 =	vld.idx.msk [tilespmem:v41+s2+$0x0], $0xffff  }
0x49: {  	v43 =	vor.u32 $0x190, v1;
	v6 =	vadd.s32 v42, v0  }
0x4a: {  	v45 =	vor.u32 $0x1A0, v1;
	v44 =	vadd.s32 v43, v0;
	[tilespmem:$0x21C0] =	vst v5  }
0x4b: {  	v47 =	vor.u32 $0x1B0, v1;
	v46 =	vadd.s32 v45, v0;
	[tilespmem:$0x21D0] =	vst v2  }
0x4c: {  	v48 =	vadd.s32 v47, v0;
	[tilespmem:$0x21E0] =	vst v3  }
0x4d: {  	[tilespmem:$0x21F0] =	vst v4  }
0x4e: {  	v4 =	vld.idx.msk [tilespmem:v6+s2+$0x0], $0xffff  }
0x4f: {  	v5 =	vld.idx.msk [tilespmem:v44+s2+$0x0], $0xffff  }
0x50: {  	v2 =	vld.idx.msk [tilespmem:v46+s2+$0x0], $0xffff  }
0x51: {  	v49 =	vor.u32 $0x1C0, v1;
	v3 =	vld.idx.msk [tilespmem:v48+s2+$0x0], $0xffff  }
0x52: {  	v50 =	vor.u32 $0x1D0, v1;
	v6 =	vadd.s32 v49, v0  }
0x53: {  	v52 =	vor.u32 $0x1E0, v1;
	v51 =	vadd.s32 v50, v0;
	[tilespmem:$0x2200] =	vst v4  }
0x54: {  	v54 =	vor.u32 $0x1F0, v1;
	v53 =	vadd.s32 v52, v0;
	[tilespmem:$0x2210] =	vst v5  }
0x55: {  	v55 =	vadd.s32 v54, v0;
	[tilespmem:$0x2220] =	vst v2  }
0x56: {  	[tilespmem:$0x2230] =	vst v3  }
0x57: {  	v3 =	vld.idx.msk [tilespmem:v6+s2+$0x0], $0xffff  }
0x58: {  	v4 =	vld.idx.msk [tilespmem:v51+s2+$0x0], $0xffff  }
0x59: {  	v5 =	vld.idx.msk [tilespmem:v53+s2+$0x0], $0xffff  }
0x5a: {  	v56 =	vor.u32 $0x200, v1;
	v2 =	vld.idx.msk [tilespmem:v55+s2+$0x0], $0xffff  }
0x5b: {  	v57 =	vor.u32 $0x210, v1;
	v6 =	vadd.s32 v56, v0  }
0x5c: {  	v59 =	vor.u32 $0x220, v1;
	v58 =	vadd.s32 v57, v0;
	[tilespmem:$0x2240] =	vst v3  }
0x5d: {  	v61 =	vor.u32 $0x230, v1;
	v60 =	vadd.s32 v59, v0;
	[tilespmem:$0x2250] =	vst v4  }
0x5e: {  	v62 =	vadd.s32 v61, v0;
	[tilespmem:$0x2260] =	vst v5  }
0x5f: {  	[tilespmem:$0x2270] =	vst v2  }
0x60: {  	v2 =	vld.idx.msk [tilespmem:v6+s2+$0x0], $0xffff  }
0x61: {  	v3 =	vld.idx.msk [tilespmem:v58+s2+$0x0], $0xffff  }
0x62: {  	v4 =	vld.idx.msk [tilespmem:v60+s2+$0x0], $0xffff  }
0x63: {  	v63 =	vor.u32 $0x240, v1;
	v5 =	vld.idx.msk [tilespmem:v62+s2+$0x0], $0xffff  }
0x64: {  	v9 =	vor.u32 $0x250, v1;
	v6 =	vadd.s32 v63, v0  }
0x65: {  	v11 =	vor.u32 $0x260, v1;
	v10 =	vadd.s32 v9, v0;
	[tilespmem:$0x2280] =	vst v2  }
0x66: {  	v13 =	vor.u32 $0x270, v1;
	v12 =	vadd.s32 v11, v0;
	[tilespmem:$0x2290] =	vst v3  }
0x67: {  	v14 =	vadd.s32 v13, v0;
	[tilespmem:$0x22A0] =	vst v4  }
0x68: {  	[tilespmem:$0x22B0] =	vst v5  }
0x69: {  	v5 =	vld.idx.msk [tilespmem:v6+s2+$0x0], $0xffff  }
0x6a: {  	v2 =	vld.idx.msk [tilespmem:v10+s2+$0x0], $0xffff  }
0x6b: {  	v3 =	vld.idx.msk [tilespmem:v12+s2+$0x0], $0xffff  }
0x6c: {  	v15 =	vor.u32 $0x280, v1;
	v4 =	vld.idx.msk [tilespmem:v14+s2+$0x0], $0xffff  }
0x6d: {  	v16 =	vor.u32 $0x290, v1;
	v6 =	vadd.s32 v15, v0  }
0x6e: {  	v18 =	vor.u32 $0x2A0, v1;
	v17 =	vadd.s32 v16, v0;
	[tilespmem:$0x22C0] =	vst v5  }
0x6f: {  	v20 =	vor.u32 $0x2B0, v1;
	v19 =	vadd.s32 v18, v0;
	[tilespmem:$0x22D0] =	vst v2  }
0x70: {  	v21 =	vadd.s32 v20, v0;
	[tilespmem:$0x22E0] =	vst v3  }
0x71: {  	[tilespmem:$0x22F0] =	vst v4  }
0x72: {  	v4 =	vld.idx.msk [tilespmem:v6+s2+$0x0], $0xffff  }
0x73: {  	v5 =	vld.idx.msk [tilespmem:v17+s2+$0x0], $0xffff  }
0x74: {  	v2 =	vld.idx.msk [tilespmem:v19+s2+$0x0], $0xffff  }
0x75: {  	v22 =	vor.u32 $0x2C0, v1;
	v3 =	vld.idx.msk [tilespmem:v21+s2+$0x0], $0xffff  }
0x76: {  	v23 =	vor.u32 $0x2D0, v1;
	v6 =	vadd.s32 v22, v0  }
0x77: {  	v25 =	vor.u32 $0x2E0, v1;
	v24 =	vadd.s32 v23, v0;
	[tilespmem:$0x2300] =	vst v4  }
0x78: {  	v27 =	vor.u32 $0x2F0, v1;
	v26 =	vadd.s32 v25, v0;
	[tilespmem:$0x2310] =	vst v5  }
0x79: {  	v28 =	vadd.s32 v27, v0;
	[tilespmem:$0x2320] =	vst v2  }
0x7a: {  	[tilespmem:$0x2330] =	vst v3  }
0x7b: {  	v3 =	vld.idx.msk [tilespmem:v6+s2+$0x0], $0xffff  }
0x7c: {  	v4 =	vld.idx.msk [tilespmem:v24+s2+$0x0], $0xffff  }
0x7d: {  	v5 =	vld.idx.msk [tilespmem:v26+s2+$0x0], $0xffff  }
0x7e: {  	v29 =	vor.u32 $0x300, v1;
	v2 =	vld.idx.msk [tilespmem:v28+s2+$0x0], $0xffff  }
0x7f: {  	v30 =	vor.u32 $0x310, v1;
	v6 =	vadd.s32 v29, v0  }
0x80: {  	v32 =	vor.u32 $0x320, v1;
	v31 =	vadd.s32 v30, v0;
	[tilespmem:$0x2340] =	vst v3  }
0x81: {  	v34 =	vor.u32 $0x330, v1;
	v33 =	vadd.s32 v32, v0;
	[tilespmem:$0x2350] =	vst v4  }
0x82: {  	v35 =	vadd.s32 v34, v0;
	[tilespmem:$0x2360] =	vst v5  }
0x83: {  	[tilespmem:$0x2370] =	vst v2  }
0x84: {  	v2 =	vld.idx.msk [tilespmem:v6+s2+$0x0], $0xffff  }
0x85: {  	v3 =	vld.idx.msk [tilespmem:v31+s2+$0x0], $0xffff  }
0x86: {  	v4 =	vld.idx.msk [tilespmem:v33+s2+$0x0], $0xffff  }
0x87: {  	v36 =	vor.u32 $0x340, v1;
	v5 =	vld.idx.msk [tilespmem:v35+s2+$0x0], $0xffff  }
0x88: {  	v37 =	vor.u32 $0x350, v1;
	v6 =	vadd.s32 v36, v0  }
0x89: {  	v39 =	vor.u32 $0x360, v1;
	v38 =	vadd.s32 v37, v0;
	[tilespmem:$0x2380] =	vst v2  }
0x8a: {  	v41 =	vor.u32 $0x370, v1;
	v40 =	vadd.s32 v39, v0;
	[tilespmem:$0x2390] =	vst v3  }
0x8b: {  	v42 =	vadd.s32 v41, v0;
	[tilespmem:$0x23A0] =	vst v4  }
0x8c: {  	[tilespmem:$0x23B0] =	vst v5  }
0x8d: {  	v5 =	vld.idx.msk [tilespmem:v6+s2+$0x0], $0xffff  }
0x8e: {  	v2 =	vld.idx.msk [tilespmem:v38+s2+$0x0], $0xffff  }
0x8f: {  	v3 =	vld.idx.msk [tilespmem:v40+s2+$0x0], $0xffff  }
0x90: {  	v43 =	vor.u32 $0x380, v1;
	v4 =	vld.idx.msk [tilespmem:v42+s2+$0x0], $0xffff  }
0x91: {  	v44 =	vor.u32 $0x390, v1;
	v6 =	vadd.s32 v43, v0  }
0x92: {  	v46 =	vor.u32 $0x3A0, v1;
	v45 =	vadd.s32 v44, v0;
	[tilespmem:$0x23C0] =	vst v5  }
0x93: {  	v48 =	vor.u32 $0x3B0, v1;
	v47 =	vadd.s32 v46, v0;
	[tilespmem:$0x23D0] =	vst v2  }
0x94: {  	v49 =	vadd.s32 v48, v0;
	[tilespmem:$0x23E0] =	vst v3  }
0x95: {  	[tilespmem:$0x23F0] =	vst v4  }
0x96: {  	v4 =	vld.idx.msk [tilespmem:v6+s2+$0x0], $0xffff  }
0x97: {  	v5 =	vld.idx.msk [tilespmem:v45+s2+$0x0], $0xffff  }
0x98: {  	v2 =	vld.idx.msk [tilespmem:v47+s2+$0x0], $0xffff  }
0x99: {  	v50 =	vor.u32 $0x3C0, v1;
	v3 =	vld.idx.msk [tilespmem:v49+s2+$0x0], $0xffff  }
0x9a: {  	v51 =	vor.u32 $0x3D0, v1;
	v6 =	vadd.s32 v50, v0  }
0x9b: {  	v53 =	vor.u32 $0x3E0, v1;
	v52 =	vadd.s32 v51, v0;
	[tilespmem:$0x2400] =	vst v4  }
0x9c: {  	v55 =	vor.u32 $0x3F0, v1;
	v54 =	vadd.s32 v53, v0;
	[tilespmem:$0x2410] =	vst v5  }
0x9d: {  	v56 =	vadd.s32 v55, v0;
	[tilespmem:$0x2420] =	vst v2  }
0x9e: {  	[tilespmem:$0x2430] =	vst v3  }
0x9f: {  	v3 =	vld.idx.msk [tilespmem:v6+s2+$0x0], $0xffff  }
0xa0: {  	v4 =	vld.idx.msk [tilespmem:v52+s2+$0x0], $0xffff  }
0xa1: {  	v5 =	vld.idx.msk [tilespmem:v54+s2+$0x0], $0xffff  }
0xa2: {  	v2 =	vld.idx.msk [tilespmem:v56+s2+$0x0], $0xffff  }
0xa3: {  	v57 =	vor.u32 $0x400, v1  }
0xa4: {  	v59 =	vor.u32 $0x410, v1;
	v58 =	vadd.s32 v57, v0;
	[tilespmem:$0x2440] =	vst v3  }
0xa5: {  	v61 =	vor.u32 $0x420, v1;
	v60 =	vadd.s32 v59, v0;
	[tilespmem:$0x2450] =	vst v4  }
0xa6: {  	v62 =	vadd.s32 v61, v0;
	v63 =	vor.u32 $0x430, v1;
	[tilespmem:$0x2460] =	vst v5  }
0xa7: {  	s23 =	simm.s32 $0x2080;
	s5 =	sadd.s32 s5, s6;
	v8 =	vadd.s32 v63, v0;
	[tilespmem:$0x2470] =	vst v2  }
0xa8: {  	[hbm4b:s5+s17] =	stream.strided.scatter [tilespmem:s23], [sflag:$0x3], $0x400, s18, s17, $0x38;
	[tilespmem:$0x3080] =	vst v63  }
0xa9: {  	v3 =	vld.idx.msk [tilespmem:v58+s2+$0x0], $0xffff  }
0xaa: {  	v4 =	vld.idx.msk [tilespmem:v60+s2+$0x0], $0xffff  }
0xab: {  	v5 =	vld.idx.msk [tilespmem:v62+s2+$0x0], $0xffff  }
0xac: {  	v9 =	vor.u32 $0x440, v1;
	v2 =	vld.idx.msk [tilespmem:v8+s2+$0x0], $0xffff  }
0xad: {  	v10 =	vor.u32 $0x450, v1;
	v6 =	vadd.s32 v9, v0  }
0xae: {  	v12 =	vor.u32 $0x460, v1;
	v11 =	vadd.s32 v10, v0;
	[tilespmem:$0x2480] =	vst v3  }
0xaf: {  	v14 =	vor.u32 $0x470, v1;
	v13 =	vadd.s32 v12, v0;
	[tilespmem:$0x2490] =	vst v4  }
0xb0: {  	v15 =	vadd.s32 v14, v0;
	[tilespmem:$0x24A0] =	vst v5  }
0xb1: {  	[tilespmem:$0x24B0] =	vst v2  }
0xb2: {  	v2 =	vld.idx.msk [tilespmem:v6+s2+$0x0], $0xffff  }
0xb3: {  	v3 =	vld.idx.msk [tilespmem:v11+s2+$0x0], $0xffff  }
0xb4: {  	v4 =	vld.idx.msk [tilespmem:v13+s2+$0x0], $0xffff  }
0xb5: {  	v16 =	vor.u32 $0x480, v1;
	v5 =	vld.idx.msk [tilespmem:v15+s2+$0x0], $0xffff  }
0xb6: {  	v17 =	vor.u32 $0x490, v1;
	v6 =	vadd.s32 v16, v0  }
0xb7: {  	v19 =	vor.u32 $0x4A0, v1;
	v18 =	vadd.s32 v17, v0;
	[tilespmem:$0x24C0] =	vst v2  }
0xb8: {  	v21 =	vor.u32 $0x4B0, v1;
	v20 =	vadd.s32 v19, v0;
	[tilespmem:$0x24D0] =	vst v3  }
0xb9: {  	v22 =	vadd.s32 v21, v0;
	[tilespmem:$0x24E0] =	vst v4  }
0xba: {  	[tilespmem:$0x24F0] =	vst v5  }
0xbb: {  	v5 =	vld.idx.msk [tilespmem:v6+s2+$0x0], $0xffff  }
0xbc: {  	v2 =	vld.idx.msk [tilespmem:v18+s2+$0x0], $0xffff  }
0xbd: {  	v3 =	vld.idx.msk [tilespmem:v20+s2+$0x0], $0xffff  }
0xbe: {  	v23 =	vor.u32 $0x4C0, v1;
	v4 =	vld.idx.msk [tilespmem:v22+s2+$0x0], $0xffff  }
0xbf: {  	v24 =	vor.u32 $0x4D0, v1;
	v6 =	vadd.s32 v23, v0  }
0xc0: {  	v26 =	vor.u32 $0x4E0, v1;
	v25 =	vadd.s32 v24, v0;
	[tilespmem:$0x2500] =	vst v5  }
0xc1: {  	v28 =	vor.u32 $0x4F0, v1;
	v27 =	vadd.s32 v26, v0;
	[tilespmem:$0x2510] =	vst v2  }
0xc2: {  	v29 =	vadd.s32 v28, v0;
	[tilespmem:$0x2520] =	vst v3  }
0xc3: {  	[tilespmem:$0x2530] =	vst v4  }
0xc4: {  	v4 =	vld.idx.msk [tilespmem:v6+s2+$0x0], $0xffff  }
0xc5: {  	v5 =	vld.idx.msk [tilespmem:v25+s2+$0x0], $0xffff  }
0xc6: {  	v2 =	vld.idx.msk [tilespmem:v27+s2+$0x0], $0xffff  }
0xc7: {  	v30 =	vor.u32 $0x500, v1;
	v3 =	vld.idx.msk [tilespmem:v29+s2+$0x0], $0xffff  }
0xc8: {  	v31 =	vor.u32 $0x510, v1;
	v6 =	vadd.s32 v30, v0  }
0xc9: {  	v33 =	vor.u32 $0x520, v1;
	v32 =	vadd.s32 v31, v0;
	[tilespmem:$0x2540] =	vst v4  }
0xca: {  	v35 =	vor.u32 $0x530, v1;
	v34 =	vadd.s32 v33, v0;
	[tilespmem:$0x2550] =	vst v5  }
0xcb: {  	v36 =	vadd.s32 v35, v0;
	[tilespmem:$0x2560] =	vst v2  }
0xcc: {  	[tilespmem:$0x2570] =	vst v3  }
0xcd: {  	v3 =	vld.idx.msk [tilespmem:v6+s2+$0x0], $0xffff  }
0xce: {  	v4 =	vld.idx.msk [tilespmem:v32+s2+$0x0], $0xffff  }
0xcf: {  	v5 =	vld.idx.msk [tilespmem:v34+s2+$0x0], $0xffff  }
0xd0: {  	v37 =	vor.u32 $0x540, v1;
	v2 =	vld.idx.msk [tilespmem:v36+s2+$0x0], $0xffff  }
0xd1: {  	v38 =	vor.u32 $0x550, v1;
	v6 =	vadd.s32 v37, v0  }
0xd2: {  	v40 =	vor.u32 $0x560, v1;
	v39 =	vadd.s32 v38, v0;
	[tilespmem:$0x2580] =	vst v3  }
0xd3: {  	v42 =	vor.u32 $0x570, v1;
	v41 =	vadd.s32 v40, v0;
	[tilespmem:$0x2590] =	vst v4  }
0xd4: {  	v43 =	vadd.s32 v42, v0;
	[tilespmem:$0x25A0] =	vst v5  }
0xd5: {  	[tilespmem:$0x25B0] =	vst v2  }
0xd6: {  	v2 =	vld.idx.msk [tilespmem:v6+s2+$0x0], $0xffff  }
0xd7: {  	v3 =	vld.idx.msk [tilespmem:v39+s2+$0x0], $0xffff  }
0xd8: {  	v4 =	vld.idx.msk [tilespmem:v41+s2+$0x0], $0xffff  }
0xd9: {  	v44 =	vor.u32 $0x580, v1;
	v5 =	vld.idx.msk [tilespmem:v43+s2+$0x0], $0xffff  }
0xda: {  	v45 =	vor.u32 $0x590, v1;
	v6 =	vadd.s32 v44, v0  }
0xdb: {  	v47 =	vor.u32 $0x5A0, v1;
	v46 =	vadd.s32 v45, v0;
	[tilespmem:$0x25C0] =	vst v2  }
0xdc: {  	v49 =	vor.u32 $0x5B0, v1;
	v48 =	vadd.s32 v47, v0;
	[tilespmem:$0x25D0] =	vst v3  }
0xdd: {  	v50 =	vadd.s32 v49, v0;
	[tilespmem:$0x25E0] =	vst v4  }
0xde: {  	[tilespmem:$0x25F0] =	vst v5  }
0xdf: {  	v5 =	vld.idx.msk [tilespmem:v6+s2+$0x0], $0xffff  }
0xe0: {  	v2 =	vld.idx.msk [tilespmem:v46+s2+$0x0], $0xffff  }
0xe1: {  	v3 =	vld.idx.msk [tilespmem:v48+s2+$0x0], $0xffff  }
0xe2: {  	v51 =	vor.u32 $0x5C0, v1;
	v4 =	vld.idx.msk [tilespmem:v50+s2+$0x0], $0xffff  }
0xe3: {  	v52 =	vor.u32 $0x5D0, v1;
	v6 =	vadd.s32 v51, v0  }
0xe4: {  	v54 =	vor.u32 $0x5E0, v1;
	v53 =	vadd.s32 v52, v0;
	[tilespmem:$0x2600] =	vst v5  }
0xe5: {  	v56 =	vor.u32 $0x5F0, v1;
	v55 =	vadd.s32 v54, v0;
	[tilespmem:$0x2610] =	vst v2  }
0xe6: {  	v57 =	vadd.s32 v56, v0;
	[tilespmem:$0x2620] =	vst v3  }
0xe7: {  	[tilespmem:$0x2630] =	vst v4  }
0xe8: {  	v4 =	vld.idx.msk [tilespmem:v6+s2+$0x0], $0xffff  }
0xe9: {  	v5 =	vld.idx.msk [tilespmem:v53+s2+$0x0], $0xffff  }
0xea: {  	v2 =	vld.idx.msk [tilespmem:v55+s2+$0x0], $0xffff  }
0xeb: {  	v58 =	vor.u32 $0x600, v1;
	v3 =	vld.idx.msk [tilespmem:v57+s2+$0x0], $0xffff  }
0xec: {  	v59 =	vor.u32 $0x610, v1;
	v6 =	vadd.s32 v58, v0  }
0xed: {  	v61 =	vor.u32 $0x620, v1;
	v60 =	vadd.s32 v59, v0;
	[tilespmem:$0x2640] =	vst v4  }
0xee: {  	v63 =	vor.u32 $0x630, v1;
	v62 =	vadd.s32 v61, v0;
	[tilespmem:$0x2650] =	vst v5  }
0xef: {  	v8 =	vadd.s32 v63, v0;
	[tilespmem:$0x2660] =	vst v2  }
0xf0: {  	[tilespmem:$0x2670] =	vst v3  }
0xf1: {  	v3 =	vld.idx.msk [tilespmem:v6+s2+$0x0], $0xffff  }
0xf2: {  	v4 =	vld.idx.msk [tilespmem:v60+s2+$0x0], $0xffff  }
0xf3: {  	v5 =	vld.idx.msk [tilespmem:v62+s2+$0x0], $0xffff  }
0xf4: {  	v9 =	vor.u32 $0x640, v1;
	v2 =	vld.idx.msk [tilespmem:v8+s2+$0x0], $0xffff  }
0xf5: {  	v10 =	vor.u32 $0x650, v1;
	v6 =	vadd.s32 v9, v0  }
0xf6: {  	v12 =	vor.u32 $0x660, v1;
	v11 =	vadd.s32 v10, v0;
	[tilespmem:$0x2680] =	vst v3  }
0xf7: {  	v14 =	vor.u32 $0x670, v1;
	v13 =	vadd.s32 v12, v0;
	[tilespmem:$0x2690] =	vst v4  }
0xf8: {  	v15 =	vadd.s32 v14, v0;
	[tilespmem:$0x26A0] =	vst v5  }
0xf9: {  	[tilespmem:$0x26B0] =	vst v2  }
0xfa: {  	v2 =	vld.idx.msk [tilespmem:v6+s2+$0x0], $0xffff  }
0xfb: {  	v3 =	vld.idx.msk [tilespmem:v11+s2+$0x0], $0xffff  }
0xfc: {  	v4 =	vld.idx.msk [tilespmem:v13+s2+$0x0], $0xffff  }
0xfd: {  	v16 =	vor.u32 $0x680, v1;
	v5 =	vld.idx.msk [tilespmem:v15+s2+$0x0], $0xffff  }
0xfe: {  	v17 =	vor.u32 $0x690, v1;
	v6 =	vadd.s32 v16, v0  }
0xff: {  	v19 =	vor.u32 $0x6A0, v1;
	v18 =	vadd.s32 v17, v0;
	[tilespmem:$0x26C0] =	vst v2  }
0x100: {  	v21 =	vor.u32 $0x6B0, v1;
	v20 =	vadd.s32 v19, v0;
	[tilespmem:$0x26D0] =	vst v3  }
0x101: {  	v22 =	vadd.s32 v21, v0;
	[tilespmem:$0x26E0] =	vst v4  }
0x102: {  	[tilespmem:$0x26F0] =	vst v5  }
0x103: {  	v5 =	vld.idx.msk [tilespmem:v6+s2+$0x0], $0xffff  }
0x104: {  	v2 =	vld.idx.msk [tilespmem:v18+s2+$0x0], $0xffff  }
0x105: {  	v3 =	vld.idx.msk [tilespmem:v20+s2+$0x0], $0xffff  }
0x106: {  	v23 =	vor.u32 $0x6C0, v1;
	v4 =	vld.idx.msk [tilespmem:v22+s2+$0x0], $0xffff  }
0x107: {  	v24 =	vor.u32 $0x6D0, v1;
	v6 =	vadd.s32 v23, v0  }
0x108: {  	v26 =	vor.u32 $0x6E0, v1;
	v25 =	vadd.s32 v24, v0;
	[tilespmem:$0x2700] =	vst v5  }
0x109: {  	v28 =	vor.u32 $0x6F0, v1;
	v27 =	vadd.s32 v26, v0;
	[tilespmem:$0x2710] =	vst v2  }
0x10a: {  	v29 =	vadd.s32 v28, v0;
	[tilespmem:$0x2720] =	vst v3  }
0x10b: {  	[tilespmem:$0x2730] =	vst v4  }
0x10c: {  	v4 =	vld.idx.msk [tilespmem:v6+s2+$0x0], $0xffff  }
0x10d: {  	v5 =	vld.idx.msk [tilespmem:v25+s2+$0x0], $0xffff  }
0x10e: {  	v2 =	vld.idx.msk [tilespmem:v27+s2+$0x0], $0xffff  }
0x10f: {  	v30 =	vor.u32 $0x700, v1;
	v3 =	vld.idx.msk [tilespmem:v29+s2+$0x0], $0xffff  }
0x110: {  	v31 =	vor.u32 $0x710, v1;
	v6 =	vadd.s32 v30, v0  }
0x111: {  	v33 =	vor.u32 $0x720, v1;
	v32 =	vadd.s32 v31, v0;
	[tilespmem:$0x2740] =	vst v4  }
0x112: {  	v35 =	vor.u32 $0x730, v1;
	v34 =	vadd.s32 v33, v0;
	[tilespmem:$0x2750] =	vst v5  }
0x113: {  	v36 =	vadd.s32 v35, v0;
	[tilespmem:$0x2760] =	vst v2  }
0x114: {  	[tilespmem:$0x2770] =	vst v3  }
0x115: {  	v3 =	vld.idx.msk [tilespmem:v6+s2+$0x0], $0xffff  }
0x116: {  	v4 =	vld.idx.msk [tilespmem:v32+s2+$0x0], $0xffff  }
0x117: {  	v5 =	vld.idx.msk [tilespmem:v34+s2+$0x0], $0xffff  }
0x118: {  	v37 =	vor.u32 $0x740, v1;
	v2 =	vld.idx.msk [tilespmem:v36+s2+$0x0], $0xffff  }
0x119: {  	v38 =	vor.u32 $0x750, v1;
	v6 =	vadd.s32 v37, v0  }
0x11a: {  	v40 =	vor.u32 $0x760, v1;
	v39 =	vadd.s32 v38, v0;
	[tilespmem:$0x2780] =	vst v3  }
0x11b: {  	v42 =	vor.u32 $0x770, v1;
	v41 =	vadd.s32 v40, v0;
	[tilespmem:$0x2790] =	vst v4  }
0x11c: {  	v43 =	vadd.s32 v42, v0;
	[tilespmem:$0x27A0] =	vst v5  }
0x11d: {  	[tilespmem:$0x27B0] =	vst v2  }
0x11e: {  	v2 =	vld.idx.msk [tilespmem:v6+s2+$0x0], $0xffff  }
0x11f: {  	v3 =	vld.idx.msk [tilespmem:v39+s2+$0x0], $0xffff  }
0x120: {  	v4 =	vld.idx.msk [tilespmem:v41+s2+$0x0], $0xffff  }
0x121: {  	v44 =	vor.u32 $0x780, v1;
	v5 =	vld.idx.msk [tilespmem:v43+s2+$0x0], $0xffff  }
0x122: {  	v45 =	vor.u32 $0x790, v1;
	v6 =	vadd.s32 v44, v0  }
0x123: {  	v47 =	vor.u32 $0x7A0, v1;
	v46 =	vadd.s32 v45, v0;
	[tilespmem:$0x27C0] =	vst v2  }
0x124: {  	v49 =	vor.u32 $0x7B0, v1;
	v48 =	vadd.s32 v47, v0;
	[tilespmem:$0x27D0] =	vst v3  }
0x125: {  	v50 =	vadd.s32 v49, v0;
	[tilespmem:$0x27E0] =	vst v4  }
0x126: {  	[tilespmem:$0x27F0] =	vst v5  }
0x127: {  	v5 =	vld.idx.msk [tilespmem:v6+s2+$0x0], $0xffff  }
0x128: {  	v2 =	vld.idx.msk [tilespmem:v46+s2+$0x0], $0xffff  }
0x129: {  	v3 =	vld.idx.msk [tilespmem:v48+s2+$0x0], $0xffff  }
0x12a: {  	v51 =	vor.u32 $0x7C0, v1;
	v4 =	vld.idx.msk [tilespmem:v50+s2+$0x0], $0xffff  }
0x12b: {  	v52 =	vor.u32 $0x7D0, v1;
	v6 =	vadd.s32 v51, v0  }
0x12c: {  	v54 =	vor.u32 $0x7E0, v1;
	v53 =	vadd.s32 v52, v0;
	[tilespmem:$0x2800] =	vst v5  }
0x12d: {  	v56 =	vor.u32 $0x7F0, v1;
	v55 =	vadd.s32 v54, v0;
	[tilespmem:$0x2810] =	vst v2  }
0x12e: {  	v57 =	vadd.s32 v56, v0;
	[tilespmem:$0x2820] =	vst v3  }
0x12f: {  	[tilespmem:$0x2830] =	vst v4  }
0x130: {  	v4 =	vld.idx.msk [tilespmem:v6+s2+$0x0], $0xffff  }
0x131: {  	v5 =	vld.idx.msk [tilespmem:v53+s2+$0x0], $0xffff  }
0x132: {  	v2 =	vld.idx.msk [tilespmem:v55+s2+$0x0], $0xffff  }
0x133: {  	v3 =	vld.idx.msk [tilespmem:v57+s2+$0x0], $0xffff  }
0x134: {  	v58 =	vor.u32 $0x800, v1  }
0x135: {  	v59 =	vadd.s32 v58, v0;
	v60 =	vor.u32 $0x810, v1;
	[tilespmem:$0x2840] =	vst v4  }
0x136: {  	v62 =	vor.u32 $0x820, v1;
	v61 =	vadd.s32 v60, v0;
	[tilespmem:$0x2850] =	vst v5  }
0x137: {  	v9 =	vor.u32 $0x830, v1;
	v63 =	vadd.s32 v62, v0;
	[tilespmem:$0x2860] =	vst v2  }
0x138: {  	s25 =	simm.s32 $0x2480;
	s24 =	sadd.s32 $0x400, s5;
	v10 =	vadd.s32 v9, v0;
	[tilespmem:$0x2870] =	vst v3  }
0x139: {  	[hbm4b:s24+s17] =	stream.strided.scatter [tilespmem:s25], [sflag:$0x3], $0x400, s18, s17, $0x38;
	[tilespmem:$0x3080] =	vst v63  }
0x13a: {  	v4 =	vld.idx.msk [tilespmem:v59+s2+$0x0], $0xffff  }
0x13b: {  	v5 =	vld.idx.msk [tilespmem:v61+s2+$0x0], $0xffff  }
0x13c: {  	v2 =	vld.idx.msk [tilespmem:v63+s2+$0x0], $0xffff  }
0x13d: {  	v11 =	vor.u32 $0x840, v1;
	v3 =	vld.idx.msk [tilespmem:v10+s2+$0x0], $0xffff  }
0x13e: {  	v12 =	vor.u32 $0x850, v1;
	v6 =	vadd.s32 v11, v0  }
0x13f: {  	v14 =	vor.u32 $0x860, v1;
	v13 =	vadd.s32 v12, v0;
	[tilespmem:$0x2880] =	vst v4  }
0x140: {  	v15 =	vadd.s32 v14, v0;
	v16 =	vor.u32 $0x870, v1;
	[tilespmem:$0x2890] =	vst v5  }
0x141: {  	v17 =	vadd.s32 v16, v0;
	[tilespmem:$0x28A0] =	vst v2  }
0x142: {  	[tilespmem:$0x28B0] =	vst v3  }
0x143: {  	v3 =	vld.idx.msk [tilespmem:v6+s2+$0x0], $0xffff  }
0x144: {  	v4 =	vld.idx.msk [tilespmem:v13+s2+$0x0], $0xffff  }
0x145: {  	v5 =	vld.idx.msk [tilespmem:v15+s2+$0x0], $0xffff  }
0x146: {  	v18 =	vor.u32 $0x880, v1;
	v2 =	vld.idx.msk [tilespmem:v17+s2+$0x0], $0xffff  }
0x147: {  	v19 =	vor.u32 $0x890, v1;
	v6 =	vadd.s32 v18, v0  }
0x148: {  	v21 =	vor.u32 $0x8A0, v1;
	v20 =	vadd.s32 v19, v0;
	[tilespmem:$0x28C0] =	vst v3  }
0x149: {  	v22 =	vadd.s32 v21, v0;
	v23 =	vor.u32 $0x8B0, v1;
	[tilespmem:$0x28D0] =	vst v4  }
0x14a: {  	v24 =	vadd.s32 v23, v0;
	[tilespmem:$0x28E0] =	vst v5  }
0x14b: {  	[tilespmem:$0x28F0] =	vst v2  }
0x14c: {  	v2 =	vld.idx.msk [tilespmem:v6+s2+$0x0], $0xffff  }
0x14d: {  	v3 =	vld.idx.msk [tilespmem:v20+s2+$0x0], $0xffff  }
0x14e: {  	v4 =	vld.idx.msk [tilespmem:v22+s2+$0x0], $0xffff  }
0x14f: {  	v25 =	vor.u32 $0x8C0, v1;
	v5 =	vld.idx.msk [tilespmem:v24+s2+$0x0], $0xffff  }
0x150: {  	v26 =	vor.u32 $0x8D0, v1;
	v6 =	vadd.s32 v25, v0  }
0x151: {  	v28 =	vor.u32 $0x8E0, v1;
	v27 =	vadd.s32 v26, v0;
	[tilespmem:$0x2900] =	vst v2  }
0x152: {  	v29 =	vadd.s32 v28, v0;
	v30 =	vor.u32 $0x8F0, v1;
	[tilespmem:$0x2910] =	vst v3  }
0x153: {  	v31 =	vadd.s32 v30, v0;
	[tilespmem:$0x2920] =	vst v4  }
0x154: {  	[tilespmem:$0x2930] =	vst v5  }
0x155: {  	v5 =	vld.idx.msk [tilespmem:v6+s2+$0x0], $0xffff  }
0x156: {  	v2 =	vld.idx.msk [tilespmem:v27+s2+$0x0], $0xffff  }
0x157: {  	v3 =	vld.idx.msk [tilespmem:v29+s2+$0x0], $0xffff  }
0x158: {  	v32 =	vor.u32 $0x900, v1;
	v4 =	vld.idx.msk [tilespmem:v31+s2+$0x0], $0xffff  }
0x159: {  	v33 =	vor.u32 $0x910, v1;
	v6 =	vadd.s32 v32, v0  }
0x15a: {  	v35 =	vor.u32 $0x920, v1;
	v34 =	vadd.s32 v33, v0;
	[tilespmem:$0x2940] =	vst v5  }
0x15b: {  	v36 =	vadd.s32 v35, v0;
	v37 =	vor.u32 $0x930, v1;
	[tilespmem:$0x2950] =	vst v2  }
0x15c: {  	v38 =	vadd.s32 v37, v0;
	[tilespmem:$0x2960] =	vst v3  }
0x15d: {  	[tilespmem:$0x2970] =	vst v4  }
0x15e: {  	v4 =	vld.idx.msk [tilespmem:v6+s2+$0x0], $0xffff  }
0x15f: {  	v5 =	vld.idx.msk [tilespmem:v34+s2+$0x0], $0xffff  }
0x160: {  	v2 =	vld.idx.msk [tilespmem:v36+s2+$0x0], $0xffff  }
0x161: {  	v39 =	vor.u32 $0x940, v1;
	v3 =	vld.idx.msk [tilespmem:v38+s2+$0x0], $0xffff  }
0x162: {  	v40 =	vor.u32 $0x950, v1;
	v6 =	vadd.s32 v39, v0  }
0x163: {  	v42 =	vor.u32 $0x960, v1;
	v41 =	vadd.s32 v40, v0;
	[tilespmem:$0x2980] =	vst v4  }
0x164: {  	v43 =	vadd.s32 v42, v0;
	v44 =	vor.u32 $0x970, v1;
	[tilespmem:$0x2990] =	vst v5  }
0x165: {  	v45 =	vadd.s32 v44, v0;
	[tilespmem:$0x29A0] =	vst v2  }
0x166: {  	[tilespmem:$0x29B0] =	vst v3  }
0x167: {  	v3 =	vld.idx.msk [tilespmem:v6+s2+$0x0], $0xffff  }
0x168: {  	v4 =	vld.idx.msk [tilespmem:v41+s2+$0x0], $0xffff  }
0x169: {  	v5 =	vld.idx.msk [tilespmem:v43+s2+$0x0], $0xffff  }
0x16a: {  	v46 =	vor.u32 $0x980, v1;
	v2 =	vld.idx.msk [tilespmem:v45+s2+$0x0], $0xffff  }
0x16b: {  	v47 =	vor.u32 $0x990, v1;
	v6 =	vadd.s32 v46, v0  }
0x16c: {  	v49 =	vor.u32 $0x9A0, v1;
	v48 =	vadd.s32 v47, v0;
	[tilespmem:$0x29C0] =	vst v3  }
0x16d: {  	v50 =	vadd.s32 v49, v0;
	v51 =	vor.u32 $0x9B0, v1;
	[tilespmem:$0x29D0] =	vst v4  }
0x16e: {  	v52 =	vadd.s32 v51, v0;
	[tilespmem:$0x29E0] =	vst v5  }
0x16f: {  	[tilespmem:$0x29F0] =	vst v2  }
0x170: {  	v2 =	vld.idx.msk [tilespmem:v6+s2+$0x0], $0xffff  }
0x171: {  	v3 =	vld.idx.msk [tilespmem:v48+s2+$0x0], $0xffff  }
0x172: {  	v4 =	vld.idx.msk [tilespmem:v50+s2+$0x0], $0xffff  }
0x173: {  	v53 =	vor.u32 $0x9C0, v1;
	v5 =	vld.idx.msk [tilespmem:v52+s2+$0x0], $0xffff  }
0x174: {  	v54 =	vor.u32 $0x9D0, v1;
	v6 =	vadd.s32 v53, v0  }
0x175: {  	v56 =	vor.u32 $0x9E0, v1;
	v55 =	vadd.s32 v54, v0;
	[tilespmem:$0x2A00] =	vst v2  }
0x176: {  	v58 =	vor.u32 $0x9F0, v1;
	v57 =	vadd.s32 v56, v0;
	[tilespmem:$0x2A10] =	vst v3  }
0x177: {  	v59 =	vadd.s32 v58, v0;
	[tilespmem:$0x2A20] =	vst v4  }
0x178: {  	[tilespmem:$0x2A30] =	vst v5  }
0x179: {  	v5 =	vld.idx.msk [tilespmem:v6+s2+$0x0], $0xffff  }
0x17a: {  	v2 =	vld.idx.msk [tilespmem:v55+s2+$0x0], $0xffff  }
0x17b: {  	v3 =	vld.idx.msk [tilespmem:v57+s2+$0x0], $0xffff  }
0x17c: {  	v60 =	vor.u32 $0xA00, v1;
	v4 =	vld.idx.msk [tilespmem:v59+s2+$0x0], $0xffff  }
0x17d: {  	v61 =	vor.u32 $0xA10, v1;
	v6 =	vadd.s32 v60, v0  }
0x17e: {  	v63 =	vor.u32 $0xA20, v1;
	v62 =	vadd.s32 v61, v0;
	[tilespmem:$0x2A40] =	vst v5  }
0x17f: {  	v10 =	vor.u32 $0xA30, v1;
	v9 =	vadd.s32 v63, v0;
	[tilespmem:$0x2A50] =	vst v2  }
0x180: {  	v11 =	vadd.s32 v10, v0;
	[tilespmem:$0x2A60] =	vst v3  }
0x181: {  	[tilespmem:$0x2A70] =	vst v4  }
0x182: {  	v4 =	vld.idx.msk [tilespmem:v6+s2+$0x0], $0xffff  }
0x183: {  	v5 =	vld.idx.msk [tilespmem:v62+s2+$0x0], $0xffff  }
0x184: {  	v2 =	vld.idx.msk [tilespmem:v9+s2+$0x0], $0xffff  }
0x185: {  	v12 =	vor.u32 $0xA40, v1;
	v3 =	vld.idx.msk [tilespmem:v11+s2+$0x0], $0xffff  }
0x186: {  	v13 =	vor.u32 $0xA50, v1;
	v6 =	vadd.s32 v12, v0  }
0x187: {  	v15 =	vor.u32 $0xA60, v1;
	v14 =	vadd.s32 v13, v0;
	[tilespmem:$0x2A80] =	vst v4  }
0x188: {  	v17 =	vor.u32 $0xA70, v1;
	v16 =	vadd.s32 v15, v0;
	[tilespmem:$0x2A90] =	vst v5  }
0x189: {  	v18 =	vadd.s32 v17, v0;
	[tilespmem:$0x2AA0] =	vst v2  }
0x18a: {  	[tilespmem:$0x2AB0] =	vst v3  }
0x18b: {  	v3 =	vld.idx.msk [tilespmem:v6+s2+$0x0], $0xffff  }
0x18c: {  	v4 =	vld.idx.msk [tilespmem:v14+s2+$0x0], $0xffff  }
0x18d: {  	v5 =	vld.idx.msk [tilespmem:v16+s2+$0x0], $0xffff  }
0x18e: {  	v19 =	vor.u32 $0xA80, v1;
	v2 =	vld.idx.msk [tilespmem:v18+s2+$0x0], $0xffff  }
0x18f: {  	v20 =	vor.u32 $0xA90, v1;
	v6 =	vadd.s32 v19, v0  }
0x190: {  	v22 =	vor.u32 $0xAA0, v1;
	v21 =	vadd.s32 v20, v0;
	[tilespmem:$0x2AC0] =	vst v3  }
0x191: {  	v24 =	vor.u32 $0xAB0, v1;
	v23 =	vadd.s32 v22, v0;
	[tilespmem:$0x2AD0] =	vst v4  }
0x192: {  	v25 =	vadd.s32 v24, v0;
	[tilespmem:$0x2AE0] =	vst v5  }
0x193: {  	[tilespmem:$0x2AF0] =	vst v2  }
0x194: {  	v2 =	vld.idx.msk [tilespmem:v6+s2+$0x0], $0xffff  }
0x195: {  	v3 =	vld.idx.msk [tilespmem:v21+s2+$0x0], $0xffff  }
0x196: {  	v4 =	vld.idx.msk [tilespmem:v23+s2+$0x0], $0xffff  }
0x197: {  	v26 =	vor.u32 $0xAC0, v1;
	v5 =	vld.idx.msk [tilespmem:v25+s2+$0x0], $0xffff  }
0x198: {  	v27 =	vor.u32 $0xAD0, v1;
	v6 =	vadd.s32 v26, v0  }
0x199: {  	v29 =	vor.u32 $0xAE0, v1;
	v28 =	vadd.s32 v27, v0;
	[tilespmem:$0x2B00] =	vst v2  }
0x19a: {  	v31 =	vor.u32 $0xAF0, v1;
	v30 =	vadd.s32 v29, v0;
	[tilespmem:$0x2B10] =	vst v3  }
0x19b: {  	v32 =	vadd.s32 v31, v0;
	[tilespmem:$0x2B20] =	vst v4  }
0x19c: {  	[tilespmem:$0x2B30] =	vst v5  }
0x19d: {  	v5 =	vld.idx.msk [tilespmem:v6+s2+$0x0], $0xffff  }
0x19e: {  	v2 =	vld.idx.msk [tilespmem:v28+s2+$0x0], $0xffff  }
0x19f: {  	v3 =	vld.idx.msk [tilespmem:v30+s2+$0x0], $0xffff  }
0x1a0: {  	v33 =	vor.u32 $0xB00, v1;
	v4 =	vld.idx.msk [tilespmem:v32+s2+$0x0], $0xffff  }
0x1a1: {  	v34 =	vor.u32 $0xB10, v1;
	v6 =	vadd.s32 v33, v0  }
0x1a2: {  	v36 =	vor.u32 $0xB20, v1;
	v35 =	vadd.s32 v34, v0;
	[tilespmem:$0x2B40] =	vst v5  }
0x1a3: {  	v38 =	vor.u32 $0xB30, v1;
	v37 =	vadd.s32 v36, v0;
	[tilespmem:$0x2B50] =	vst v2  }
0x1a4: {  	v39 =	vadd.s32 v38, v0;
	[tilespmem:$0x2B60] =	vst v3  }
0x1a5: {  	[tilespmem:$0x2B70] =	vst v4  }
0x1a6: {  	v4 =	vld.idx.msk [tilespmem:v6+s2+$0x0], $0xffff  }
0x1a7: {  	v5 =	vld.idx.msk [tilespmem:v35+s2+$0x0], $0xffff  }
0x1a8: {  	v2 =	vld.idx.msk [tilespmem:v37+s2+$0x0], $0xffff  }
0x1a9: {  	v40 =	vor.u32 $0xB40, v1;
	v3 =	vld.idx.msk [tilespmem:v39+s2+$0x0], $0xffff  }
0x1aa: {  	v41 =	vor.u32 $0xB50, v1;
	v6 =	vadd.s32 v40, v0  }
0x1ab: {  	v43 =	vor.u32 $0xB60, v1;
	v42 =	vadd.s32 v41, v0;
	[tilespmem:$0x2B80] =	vst v4  }
0x1ac: {  	v45 =	vor.u32 $0xB70, v1;
	v44 =	vadd.s32 v43, v0;
	[tilespmem:$0x2B90] =	vst v5  }
0x1ad: {  	v46 =	vadd.s32 v45, v0;
	[tilespmem:$0x2BA0] =	vst v2  }
0x1ae: {  	[tilespmem:$0x2BB0] =	vst v3  }
0x1af: {  	v3 =	vld.idx.msk [tilespmem:v6+s2+$0x0], $0xffff  }
0x1b0: {  	v4 =	vld.idx.msk [tilespmem:v42+s2+$0x0], $0xffff  }
0x1b1: {  	v5 =	vld.idx.msk [tilespmem:v44+s2+$0x0], $0xffff  }
0x1b2: {  	v47 =	vor.u32 $0xB80, v1;
	v2 =	vld.idx.msk [tilespmem:v46+s2+$0x0], $0xffff  }
0x1b3: {  	v48 =	vor.u32 $0xB90, v1;
	v6 =	vadd.s32 v47, v0  }
0x1b4: {  	v50 =	vor.u32 $0xBA0, v1;
	v49 =	vadd.s32 v48, v0;
	[tilespmem:$0x2BC0] =	vst v3  }
0x1b5: {  	v52 =	vor.u32 $0xBB0, v1;
	v51 =	vadd.s32 v50, v0;
	[tilespmem:$0x2BD0] =	vst v4  }
0x1b6: {  	v53 =	vadd.s32 v52, v0;
	[tilespmem:$0x2BE0] =	vst v5  }
0x1b7: {  	[tilespmem:$0x2BF0] =	vst v2  }
0x1b8: {  	v2 =	vld.idx.msk [tilespmem:v6+s2+$0x0], $0xffff  }
0x1b9: {  	v3 =	vld.idx.msk [tilespmem:v49+s2+$0x0], $0xffff  }
0x1ba: {  	v4 =	vld.idx.msk [tilespmem:v51+s2+$0x0], $0xffff  }
0x1bb: {  	v54 =	vor.u32 $0xBC0, v1;
	v5 =	vld.idx.msk [tilespmem:v53+s2+$0x0], $0xffff  }
0x1bc: {  	v55 =	vor.u32 $0xBD0, v1;
	v6 =	vadd.s32 v54, v0  }
0x1bd: {  	v57 =	vor.u32 $0xBE0, v1;
	v56 =	vadd.s32 v55, v0;
	[tilespmem:$0x2C00] =	vst v2  }
0x1be: {  	v59 =	vor.u32 $0xBF0, v1;
	v58 =	vadd.s32 v57, v0;
	[tilespmem:$0x2C10] =	vst v3  }
0x1bf: {  	v60 =	vadd.s32 v59, v0;
	[tilespmem:$0x2C20] =	vst v4  }
0x1c0: {  	[tilespmem:$0x2C30] =	vst v5  }
0x1c1: {  	v5 =	vld.idx.msk [tilespmem:v6+s2+$0x0], $0xffff  }
0x1c2: {  	v2 =	vld.idx.msk [tilespmem:v56+s2+$0x0], $0xffff  }
0x1c3: {  	v3 =	vld.idx.msk [tilespmem:v58+s2+$0x0], $0xffff  }
0x1c4: {  	v4 =	vld.idx.msk [tilespmem:v60+s2+$0x0], $0xffff  }
0x1c5: {  	v61 =	vor.u32 $0xC00, v1  }
0x1c6: {  	v63 =	vor.u32 $0xC10, v1;
	v62 =	vadd.s32 v61, v0;
	[tilespmem:$0x2C40] =	vst v5  }
0x1c7: {  	v10 =	vor.u32 $0xC20, v1;
	v9 =	vadd.s32 v63, v0;
	[tilespmem:$0x2C50] =	vst v2  }
0x1c8: {  	v11 =	vadd.s32 v10, v0;
	v12 =	vor.u32 $0xC30, v1;
	[tilespmem:$0x2C60] =	vst v3  }
0x1c9: {  	s28 =	simm.s32 $0x2880;
	s26 =	sadd.s32 $0x800, s5;
	v13 =	vadd.s32 v12, v0;
	[tilespmem:$0x2C70] =	vst v4  }
0x1ca: {  	[hbm4b:s26+s17] =	stream.strided.scatter [tilespmem:s28], [sflag:$0x3], $0x400, s18, s17, $0x38;
	[tilespmem:$0x3080] =	vst v63  }
0x1cb: {  	v5 =	vld.idx.msk [tilespmem:v62+s2+$0x0], $0xffff  }
0x1cc: {  	v2 =	vld.idx.msk [tilespmem:v9+s2+$0x0], $0xffff  }
0x1cd: {  	v3 =	vld.idx.msk [tilespmem:v11+s2+$0x0], $0xffff  }
0x1ce: {  	v14 =	vor.u32 $0xC40, v1;
	v4 =	vld.idx.msk [tilespmem:v13+s2+$0x0], $0xffff  }
0x1cf: {  	v15 =	vor.u32 $0xC50, v1;
	v6 =	vadd.s32 v14, v0  }
0x1d0: {  	v17 =	vor.u32 $0xC60, v1;
	v16 =	vadd.s32 v15, v0;
	[tilespmem:$0x2C80] =	vst v5  }
0x1d1: {  	v18 =	vadd.s32 v17, v0;
	v19 =	vor.u32 $0xC70, v1;
	[tilespmem:$0x2C90] =	vst v2  }
0x1d2: {  	v20 =	vadd.s32 v19, v0;
	[tilespmem:$0x2CA0] =	vst v3  }
0x1d3: {  	[tilespmem:$0x2CB0] =	vst v4  }
0x1d4: {  	v4 =	vld.idx.msk [tilespmem:v6+s2+$0x0], $0xffff  }
0x1d5: {  	v5 =	vld.idx.msk [tilespmem:v16+s2+$0x0], $0xffff  }
0x1d6: {  	v2 =	vld.idx.msk [tilespmem:v18+s2+$0x0], $0xffff  }
0x1d7: {  	v21 =	vor.u32 $0xC80, v1;
	v3 =	vld.idx.msk [tilespmem:v20+s2+$0x0], $0xffff  }
0x1d8: {  	v22 =	vor.u32 $0xC90, v1;
	v6 =	vadd.s32 v21, v0  }
0x1d9: {  	v24 =	vor.u32 $0xCA0, v1;
	v23 =	vadd.s32 v22, v0;
	[tilespmem:$0x2CC0] =	vst v4  }
0x1da: {  	v25 =	vadd.s32 v24, v0;
	v26 =	vor.u32 $0xCB0, v1;
	[tilespmem:$0x2CD0] =	vst v5  }
0x1db: {  	v27 =	vadd.s32 v26, v0;
	[tilespmem:$0x2CE0] =	vst v2  }
0x1dc: {  	[tilespmem:$0x2CF0] =	vst v3  }
0x1dd: {  	v3 =	vld.idx.msk [tilespmem:v6+s2+$0x0], $0xffff  }
0x1de: {  	v4 =	vld.idx.msk [tilespmem:v23+s2+$0x0], $0xffff  }
0x1df: {  	v5 =	vld.idx.msk [tilespmem:v25+s2+$0x0], $0xffff  }
0x1e0: {  	v28 =	vor.u32 $0xCC0, v1;
	v2 =	vld.idx.msk [tilespmem:v27+s2+$0x0], $0xffff  }
0x1e1: {  	v29 =	vor.u32 $0xCD0, v1;
	v6 =	vadd.s32 v28, v0  }
0x1e2: {  	v31 =	vor.u32 $0xCE0, v1;
	v30 =	vadd.s32 v29, v0;
	[tilespmem:$0x2D00] =	vst v3  }
0x1e3: {  	v32 =	vadd.s32 v31, v0;
	v33 =	vor.u32 $0xCF0, v1;
	[tilespmem:$0x2D10] =	vst v4  }
0x1e4: {  	v34 =	vadd.s32 v33, v0;
	[tilespmem:$0x2D20] =	vst v5  }
0x1e5: {  	[tilespmem:$0x2D30] =	vst v2  }
0x1e6: {  	v2 =	vld.idx.msk [tilespmem:v6+s2+$0x0], $0xffff  }
0x1e7: {  	v3 =	vld.idx.msk [tilespmem:v30+s2+$0x0], $0xffff  }
0x1e8: {  	v4 =	vld.idx.msk [tilespmem:v32+s2+$0x0], $0xffff  }
0x1e9: {  	v35 =	vor.u32 $0xD00, v1;
	v5 =	vld.idx.msk [tilespmem:v34+s2+$0x0], $0xffff  }
0x1ea: {  	v36 =	vor.u32 $0xD10, v1;
	v6 =	vadd.s32 v35, v0  }
0x1eb: {  	v38 =	vor.u32 $0xD20, v1;
	v37 =	vadd.s32 v36, v0;
	[tilespmem:$0x2D40] =	vst v2  }
0x1ec: {  	v39 =	vadd.s32 v38, v0;
	v40 =	vor.u32 $0xD30, v1;
	[tilespmem:$0x2D50] =	vst v3  }
0x1ed: {  	v41 =	vadd.s32 v40, v0;
	[tilespmem:$0x2D60] =	vst v4  }
0x1ee: {  	[tilespmem:$0x2D70] =	vst v5  }
0x1ef: {  	v5 =	vld.idx.msk [tilespmem:v6+s2+$0x0], $0xffff  }
0x1f0: {  	v2 =	vld.idx.msk [tilespmem:v37+s2+$0x0], $0xffff  }
0x1f1: {  	v3 =	vld.idx.msk [tilespmem:v39+s2+$0x0], $0xffff  }
0x1f2: {  	v42 =	vor.u32 $0xD40, v1;
	v4 =	vld.idx.msk [tilespmem:v41+s2+$0x0], $0xffff  }
0x1f3: {  	v43 =	vor.u32 $0xD50, v1;
	v6 =	vadd.s32 v42, v0  }
0x1f4: {  	v45 =	vor.u32 $0xD60, v1;
	v44 =	vadd.s32 v43, v0;
	[tilespmem:$0x2D80] =	vst v5  }
0x1f5: {  	v46 =	vadd.s32 v45, v0;
	v47 =	vor.u32 $0xD70, v1;
	[tilespmem:$0x2D90] =	vst v2  }
0x1f6: {  	v48 =	vadd.s32 v47, v0;
	[tilespmem:$0x2DA0] =	vst v3  }
0x1f7: {  	[tilespmem:$0x2DB0] =	vst v4  }
0x1f8: {  	v4 =	vld.idx.msk [tilespmem:v6+s2+$0x0], $0xffff  }
0x1f9: {  	v5 =	vld.idx.msk [tilespmem:v44+s2+$0x0], $0xffff  }
0x1fa: {  	v2 =	vld.idx.msk [tilespmem:v46+s2+$0x0], $0xffff  }
0x1fb: {  	v49 =	vor.u32 $0xD80, v1;
	v3 =	vld.idx.msk [tilespmem:v48+s2+$0x0], $0xffff  }
0x1fc: {  	v50 =	vor.u32 $0xD90, v1;
	v6 =	vadd.s32 v49, v0  }
0x1fd: {  	v52 =	vor.u32 $0xDA0, v1;
	v51 =	vadd.s32 v50, v0;
	[tilespmem:$0x2DC0] =	vst v4  }
0x1fe: {  	v53 =	vadd.s32 v52, v0;
	v54 =	vor.u32 $0xDB0, v1;
	[tilespmem:$0x2DD0] =	vst v5  }
0x1ff: {  	v55 =	vadd.s32 v54, v0;
	[tilespmem:$0x2DE0] =	vst v2  }
0x200: {  	[tilespmem:$0x2DF0] =	vst v3  }
0x201: {  	v3 =	vld.idx.msk [tilespmem:v6+s2+$0x0], $0xffff  }
0x202: {  	v4 =	vld.idx.msk [tilespmem:v51+s2+$0x0], $0xffff  }
0x203: {  	v5 =	vld.idx.msk [tilespmem:v53+s2+$0x0], $0xffff  }
0x204: {  	v56 =	vor.u32 $0xDC0, v1;
	v2 =	vld.idx.msk [tilespmem:v55+s2+$0x0], $0xffff  }
0x205: {  	v57 =	vor.u32 $0xDD0, v1;
	v6 =	vadd.s32 v56, v0  }
0x206: {  	v59 =	vor.u32 $0xDE0, v1;
	v58 =	vadd.s32 v57, v0;
	[tilespmem:$0x2E00] =	vst v3  }
0x207: {  	v61 =	vor.u32 $0xDF0, v1;
	v60 =	vadd.s32 v59, v0;
	[tilespmem:$0x2E10] =	vst v4  }
0x208: {  	v62 =	vadd.s32 v61, v0;
	[tilespmem:$0x2E20] =	vst v5  }
0x209: {  	[tilespmem:$0x2E30] =	vst v2  }
0x20a: {  	v2 =	vld.idx.msk [tilespmem:v6+s2+$0x0], $0xffff  }
0x20b: {  	v3 =	vld.idx.msk [tilespmem:v58+s2+$0x0], $0xffff  }
0x20c: {  	v4 =	vld.idx.msk [tilespmem:v60+s2+$0x0], $0xffff  }
0x20d: {  	v63 =	vor.u32 $0xE00, v1;
	v5 =	vld.idx.msk [tilespmem:v62+s2+$0x0], $0xffff  }
0x20e: {  	v9 =	vor.u32 $0xE10, v1;
	v6 =	vadd.s32 v63, v0  }
0x20f: {  	v11 =	vor.u32 $0xE20, v1;
	v10 =	vadd.s32 v9, v0;
	[tilespmem:$0x2E40] =	vst v2  }
0x210: {  	v13 =	vor.u32 $0xE30, v1;
	v12 =	vadd.s32 v11, v0;
	[tilespmem:$0x2E50] =	vst v3  }
0x211: {  	v14 =	vadd.s32 v13, v0;
	[tilespmem:$0x2E60] =	vst v4  }
0x212: {  	[tilespmem:$0x2E70] =	vst v5  }
0x213: {  	v5 =	vld.idx.msk [tilespmem:v6+s2+$0x0], $0xffff  }
0x214: {  	v2 =	vld.idx.msk [tilespmem:v10+s2+$0x0], $0xffff  }
0x215: {  	v3 =	vld.idx.msk [tilespmem:v12+s2+$0x0], $0xffff  }
0x216: {  	v15 =	vor.u32 $0xE40, v1;
	v4 =	vld.idx.msk [tilespmem:v14+s2+$0x0], $0xffff  }
0x217: {  	v16 =	vor.u32 $0xE50, v1;
	v6 =	vadd.s32 v15, v0  }
0x218: {  	v18 =	vor.u32 $0xE60, v1;
	v17 =	vadd.s32 v16, v0;
	[tilespmem:$0x2E80] =	vst v5  }
0x219: {  	v20 =	vor.u32 $0xE70, v1;
	v19 =	vadd.s32 v18, v0;
	[tilespmem:$0x2E90] =	vst v2  }
0x21a: {  	v21 =	vadd.s32 v20, v0;
	[tilespmem:$0x2EA0] =	vst v3  }
0x21b: {  	[tilespmem:$0x2EB0] =	vst v4  }
0x21c: {  	v4 =	vld.idx.msk [tilespmem:v6+s2+$0x0], $0xffff  }
0x21d: {  	v5 =	vld.idx.msk [tilespmem:v17+s2+$0x0], $0xffff  }
0x21e: {  	v2 =	vld.idx.msk [tilespmem:v19+s2+$0x0], $0xffff  }
0x21f: {  	v22 =	vor.u32 $0xE80, v1;
	v3 =	vld.idx.msk [tilespmem:v21+s2+$0x0], $0xffff  }
0x220: {  	v23 =	vor.u32 $0xE90, v1;
	v6 =	vadd.s32 v22, v0  }
0x221: {  	v25 =	vor.u32 $0xEA0, v1;
	v24 =	vadd.s32 v23, v0;
	[tilespmem:$0x2EC0] =	vst v4  }
0x222: {  	v27 =	vor.u32 $0xEB0, v1;
	v26 =	vadd.s32 v25, v0;
	[tilespmem:$0x2ED0] =	vst v5  }
0x223: {  	v28 =	vadd.s32 v27, v0;
	[tilespmem:$0x2EE0] =	vst v2  }
0x224: {  	[tilespmem:$0x2EF0] =	vst v3  }
0x225: {  	v3 =	vld.idx.msk [tilespmem:v6+s2+$0x0], $0xffff  }
0x226: {  	v4 =	vld.idx.msk [tilespmem:v24+s2+$0x0], $0xffff  }
0x227: {  	v5 =	vld.idx.msk [tilespmem:v26+s2+$0x0], $0xffff  }
0x228: {  	v29 =	vor.u32 $0xEC0, v1;
	v2 =	vld.idx.msk [tilespmem:v28+s2+$0x0], $0xffff  }
0x229: {  	v30 =	vor.u32 $0xED0, v1;
	v6 =	vadd.s32 v29, v0  }
0x22a: {  	v32 =	vor.u32 $0xEE0, v1;
	v31 =	vadd.s32 v30, v0;
	[tilespmem:$0x2F00] =	vst v3  }
0x22b: {  	v34 =	vor.u32 $0xEF0, v1;
	v33 =	vadd.s32 v32, v0;
	[tilespmem:$0x2F10] =	vst v4  }
0x22c: {  	v35 =	vadd.s32 v34, v0;
	[tilespmem:$0x2F20] =	vst v5  }
0x22d: {  	[tilespmem:$0x2F30] =	vst v2  }
0x22e: {  	v2 =	vld.idx.msk [tilespmem:v6+s2+$0x0], $0xffff  }
0x22f: {  	v3 =	vld.idx.msk [tilespmem:v31+s2+$0x0], $0xffff  }
0x230: {  	v4 =	vld.idx.msk [tilespmem:v33+s2+$0x0], $0xffff  }
0x231: {  	v36 =	vor.u32 $0xF00, v1;
	v5 =	vld.idx.msk [tilespmem:v35+s2+$0x0], $0xffff  }
0x232: {  	v37 =	vor.u32 $0xF10, v1;
	v6 =	vadd.s32 v36, v0  }
0x233: {  	v39 =	vor.u32 $0xF20, v1;
	v38 =	vadd.s32 v37, v0;
	[tilespmem:$0x2F40] =	vst v2  }
0x234: {  	v41 =	vor.u32 $0xF30, v1;
	v40 =	vadd.s32 v39, v0;
	[tilespmem:$0x2F50] =	vst v3  }
0x235: {  	v42 =	vadd.s32 v41, v0;
	[tilespmem:$0x2F60] =	vst v4  }
0x236: {  	[tilespmem:$0x2F70] =	vst v5  }
0x237: {  	v5 =	vld.idx.msk [tilespmem:v6+s2+$0x0], $0xffff  }
0x238: {  	v2 =	vld.idx.msk [tilespmem:v38+s2+$0x0], $0xffff  }
0x239: {  	v3 =	vld.idx.msk [tilespmem:v40+s2+$0x0], $0xffff  }
0x23a: {  	v43 =	vor.u32 $0xF40, v1;
	v4 =	vld.idx.msk [tilespmem:v42+s2+$0x0], $0xffff  }
0x23b: {  	v44 =	vor.u32 $0xF50, v1;
	v6 =	vadd.s32 v43, v0  }
0x23c: {  	v46 =	vor.u32 $0xF60, v1;
	v45 =	vadd.s32 v44, v0;
	[tilespmem:$0x2F80] =	vst v5  }
0x23d: {  	v48 =	vor.u32 $0xF70, v1;
	v47 =	vadd.s32 v46, v0;
	[tilespmem:$0x2F90] =	vst v2  }
0x23e: {  	v49 =	vadd.s32 v48, v0;
	[tilespmem:$0x2FA0] =	vst v3  }
0x23f: {  	[tilespmem:$0x2FB0] =	vst v4  }
0x240: {  	v4 =	vld.idx.msk [tilespmem:v6+s2+$0x0], $0xffff  }
0x241: {  	v5 =	vld.idx.msk [tilespmem:v45+s2+$0x0], $0xffff  }
0x242: {  	v2 =	vld.idx.msk [tilespmem:v47+s2+$0x0], $0xffff  }
0x243: {  	v50 =	vor.u32 $0xF80, v1;
	v3 =	vld.idx.msk [tilespmem:v49+s2+$0x0], $0xffff  }
0x244: {  	v51 =	vor.u32 $0xF90, v1;
	v6 =	vadd.s32 v50, v0  }
0x245: {  	v53 =	vor.u32 $0xFA0, v1;
	v52 =	vadd.s32 v51, v0;
	[tilespmem:$0x2FC0] =	vst v4  }
0x246: {  	v55 =	vor.u32 $0xFB0, v1;
	v54 =	vadd.s32 v53, v0;
	[tilespmem:$0x2FD0] =	vst v5  }
0x247: {  	v56 =	vadd.s32 v55, v0;
	[tilespmem:$0x2FE0] =	vst v2  }
0x248: {  	[tilespmem:$0x2FF0] =	vst v3  }
0x249: {  	v3 =	vld.idx.msk [tilespmem:v6+s2+$0x0], $0xffff  }
0x24a: {  	v4 =	vld.idx.msk [tilespmem:v52+s2+$0x0], $0xffff  }
0x24b: {  	v5 =	vld.idx.msk [tilespmem:v54+s2+$0x0], $0xffff  }
0x24c: {  	v57 =	vor.u32 $0xFC0, v1;
	v2 =	vld.idx.msk [tilespmem:v56+s2+$0x0], $0xffff  }
0x24d: {  	v58 =	vor.u32 $0xFD0, v1;
	v6 =	vadd.s32 v57, v0  }
0x24e: {  	v60 =	vor.u32 $0xFE0, v1;
	v59 =	vadd.s32 v58, v0;
	[tilespmem:$0x3000] =	vst v3  }
0x24f: {  	v1 =	vor.u32 $0xFF0, v1;
	v61 =	vadd.s32 v60, v0;
	[tilespmem:$0x3010] =	vst v4  }
0x250: {  	v0 =	vadd.s32 v1, v0;
	[tilespmem:$0x3020] =	vst v5  }
0x251: {  	[tilespmem:$0x3030] =	vst v2  }
0x252: {  	v62 =	vld.idx.msk [tilespmem:v6+s2+$0x0], $0xffff  }
0x253: {  	v2 =	vld.idx.msk [tilespmem:v59+s2+$0x0], $0xffff  }
0x254: {  	v63 =	vld.idx.msk [tilespmem:v61+s2+$0x0], $0xffff  }
0x255: {  	v0 =	vld.idx.msk [tilespmem:v0+s2+$0x0], $0xffff;
	_ =	sdelay $0x1  }
0x256: {  	[tilespmem:$0x3040] =	vst v62  }
0x257: {  	[tilespmem:$0x3050] =	vst v2  }
0x258: {  	[tilespmem:$0x3060] =	vst v63  }
0x259: {  	s30 =	simm.s32 $0x2C80;
	s31 =	simm.s32 $0x3;
	s29 =	sadd.s32 $0xC00, s5;
	[tilespmem:$0x3070] =	vst v0  }
0x25a: {  	[hbm4b:s29+s17] =	stream.strided.scatter [tilespmem:s30], [sflag:$0x3], $0x400, s18, s17, $0x38;
	[tilespmem:$0x3080] =	vst v63  }
0x25b: {  	_ =	swait.ge [sflag:s31], $0x400  }
0x25c: {  	[sflag:s31] =	ssyncset.done $0x0  }
0x25d: {  	[sflag:s31] =	ssyncadd.s32 $0xFFFFFC00  }
0x25e: {  	_ =	swait.ge [sflag:s31], $0x400  }
0x25f: {  	[sflag:s31] =	ssyncset.done $0x0  }
0x260: {  	[sflag:s31] =	ssyncadd.s32 $0xFFFFFC00  }
0x261: {  	_ =	swait.ge [sflag:s31], $0x400  }
0x262: {  	[sflag:s31] =	ssyncset.done $0x0  }
0x263: {  	[sflag:s31] =	ssyncadd.s32 $0xFFFFFC00  }
0x264: {  	_ =	swait.ge [sflag:s31], $0x400  }
0x265: {  	[sflag:s31] =	ssyncset.done $0x0  }
0x266: {  	[sflag:s31] =	ssyncadd.s32 $0xFFFFFC00  }
0x267: {  	_ =	sfence.sel $0x180000  }
0x268: {  	[bflag:$0x0] =	sbarrier.arrive $0xFFFF  }
0x269: {  	p0 =	sne.s32 s1, $0x0;
	_ =	strace $0x90000047  }
0x26a: {  	s0 =	sadd.s32 @!p0 $0x100000, s0;
	[bflag:$0x2] =	sbarrier.arrive $0xFFFF  }
0x26b: {  	[sflag:s0] =	ssyncadd.tile.s32 @!p0 $0x1;
	_ =	shalt  }
.Lfunc_end2:
_tile_overlayer_lowered:
.L_overlay_start_2:
0x26c: {  	(tag) =	ssettag $0x2  }
0x26d: {  	s0 =	rddreg [dreg:$0x0];
	s2 =	stileid.u32  }
0x26e: {  	s1 =	rddreg [dreg:$0x1];
	p0 =	sne.s32 s2, $0x0  }
0x26f: {  	s3 =	rddreg [dreg:$0x2];
	[bflag:$0x3] =	sbarrier.arrive $0xFFFF;
	s2 =	simm.s32 @!p0 $0x1C04  }
0x270: {  	[timem:s3], [sflag:s2] =	dma.local @!p0 [hbm:s0], s1  }
0x271: {  	s0 =	simm.s32 @!p0 $0x4  }
0x272: {  	_ =	swait.ge @!p0 [sflag:s0], s1  }
0x273: {  	s1 =	ssub.s32 @!p0 $0x0, s1;
	[sflag:s0] =	ssyncset.done @!p0 $0x0  }
0x274: {  	[sflag:s0] =	ssyncadd.s32 @!p0 s1  }
0x275: {  	[bflag:$0x3] =	sbarrier.arrive $0xFFFF  }
0x276: {  	_ =	shalt  }

</sc_bundles>
